<compile_context>
chip_gen: v7x
topology: tpu7x:2x2x1
jax: 0.10.2.dev20260603
libtpu: 0.0.44.dev20260713+nightly
codegen_flags: <defaults>
</compile_context>

<pallas_src>
import functools

import jax
import jax.numpy as jnp
from jax import lax
from jax.experimental import pallas as pl
from jax.experimental.pallas import tpu as pltpu
from jax.experimental.pallas import tpu_sc as plsc

_B = 16384
_L = 200
_EMB = 16
_V = 1_000_000
_NC = 2
_NS = 16
_NW = _NC * _NS
_SPW = _B // _NW
_GW = 128
_NCH = _SPW // _GW
_NGRP = _GW // 16
_H0 = 96
_VP = 1_048_576
_TWC = 131072


def _tw_body(tabT_ref, w_ref, tw_ref):
    w = w_ref[:, 0:1]
    tw_ref[...] = jnp.sum(tabT_ref[...] * w, axis=0)


_tw_call = pl.pallas_call(
    _tw_body,
    grid=(_VP // _TWC,),
    in_specs=[
        pl.BlockSpec((_EMB, _TWC), lambda j: (0, j)),
        pl.BlockSpec((_EMB, 128), lambda j: (0, 0)),
    ],
    out_specs=pl.BlockSpec((_TWC,), lambda j: (j,)),
    out_shape=jax.ShapeDtypeStruct((_VP,), jnp.float32),
)


def _sc_body(xt_ref, tw_ref, b_ref, out_ref,
             idxA, idxB, rowsA, rowsB, bv_v, out_v, stage_v, tw_sh,
             semiA, semiB, semgA, semgB):
    sid = lax.axis_index("s")
    wid = sid * _NC + lax.axis_index("c")
    sbase = wid * _SPW
    pltpu.sync_copy(b_ref, bv_v)

    idxs, rows = (idxA, idxB), (rowsA, rowsB)
    semis, semgs = (semiA, semiB), (semgA, semgB)
    roff, rh = (0, _H0), (_H0, _L - _H0)

    def idx_desc(p, c):
        src = xt_ref.at[pl.ds(roff[p], rh[p]),
                        pl.ds(sbase + c * _GW, _GW)]
        return pltpu.make_async_copy(src, idxs[p], semis[p])

    def issue_idx(p, c):
        idx_desc(p, c).start()

    issue_idx(0, 0)
    issue_idx(1, 0)

    for i in range(8):
        off = (sid + 16 * i) * 8192
        pltpu.sync_copy(tw_ref.at[pl.ds(off, 8192)], stage_v)
        pltpu.sync_copy(stage_v, tw_sh.at[pl.ds(off, 8192)])

    plsc.subcore_barrier()

    def issue_gathers(p):
        def issue(j, carry):
            pltpu.async_copy(
                tw_sh.at[idxs[p].at[j, :]], rows[p].at[j, :], semgs[p])
            return carry

        lax.fori_loop(0, rh[p], issue, 0, unroll=8)

    def drain_gathers(p):
        pltpu.make_async_copy(
            xt_ref.at[pl.ds(roff[p], rh[p]), pl.ds(sbase, _GW)],
            rows[p], semgs[p]).wait()

    def compute(p, c):
        def red(k, accs):
            return tuple(accs[q] + rows[p][k, pl.ds(q * 16, 16)]
                         for q in range(_NGRP))

        zero = jnp.zeros((16,), jnp.float32)
        accs = lax.fori_loop(0, rh[p], red, (zero,) * _NGRP, unroll=4)
        for q in range(_NGRP):
            sl = pl.ds(c * _GW + q * 16, 16)
            if p == 0:
                out_v[sl] = accs[q]
            else:
                out_v[sl] = out_v[sl] + accs[q]

    idx_desc(0, 0).wait()
    issue_gathers(0)
    idx_desc(1, 0).wait()
    issue_gathers(1)

    def chunk_body(c, carry):
        drain_gathers(0)

        @pl.when(c + 1 < _NCH)
        def _():
            issue_idx(0, c + 1)

        compute(0, c)
        drain_gathers(1)

        @pl.when(c + 1 < _NCH)
        def _():
            issue_idx(1, c + 1)
            idx_desc(0, c + 1).wait()
            issue_gathers(0)

        compute(1, c)

        @pl.when(c + 1 < _NCH)
        def _():
            idx_desc(1, c + 1).wait()
            issue_gathers(1)

        return carry

    lax.fori_loop(0, _NCH, chunk_body, 0)

    bv = bv_v[...]
    for g in range(_SPW // 16):
        z = out_v[pl.ds(g * 16, 16)] + bv
        out_v[pl.ds(g * 16, 16)] = 1.0 / (1.0 + jnp.exp(-z))
    pltpu.sync_copy(out_v, out_ref.at[pl.ds(sbase, _SPW)])


_sc_call = functools.partial(
    pl.kernel,
    out_type=jax.ShapeDtypeStruct((_B,), jnp.float32),
    mesh=plsc.VectorSubcoreMesh(core_axis_name="c", subcore_axis_name="s"),
    compiler_params=pltpu.CompilerParams(
        needs_layout_passes=False, use_tc_tiling_on_sc=True),
    scratch_types=[
        pltpu.VMEM((_H0, _GW), jnp.int32),
        pltpu.VMEM((_L - _H0, _GW), jnp.int32),
        pltpu.VMEM((_H0, _GW), jnp.float32),
        pltpu.VMEM((_L - _H0, _GW), jnp.float32),
        pltpu.VMEM((_EMB,), jnp.float32),
        pltpu.VMEM((_SPW,), jnp.float32),
        pltpu.VMEM((8192,), jnp.float32),
        pltpu.VMEM_SHARED((_VP,), jnp.float32),
        pltpu.SemaphoreType.DMA,
        pltpu.SemaphoreType.DMA,
        pltpu.SemaphoreType.DMA,
        pltpu.SemaphoreType.DMA,
    ],
)(_sc_body)


def kernel(x, table, W, b):
    xt = x.T.astype(jnp.int32)
    tabT = table.T
    wcol = jnp.broadcast_to(
        (W[0].astype(jnp.float32) / jnp.float32(_L))[:, None], (_EMB, 128))
    tw = _tw_call(tabT, wcol)
    bv = jnp.broadcast_to(b.astype(jnp.float32), (_EMB,))
    out = _sc_call(xt, tw, bv)
    return out.reshape(_B, 1)

# --- scband reference (transcript-rebuilt; emitter-appended) ---
"""Pipeline reference for scband-solution-79001628443065 (READ-ONLY COPY).

The authoritative reference and input builder live on the scoring server;
editing this copy changes nothing except your own understanding.
"""

import jax, jax.numpy as jnp
import numpy as np

VOCAB = 1000000
EMB = 16
B = 16384
L = 200

def setup_inputs(seed: int = 0) -> dict:
    key = jax.random.key(seed)
    k1, k2, k3, k4 = jax.random.split(key, 4)
    x = jax.random.randint(k1, (B, L), 0, VOCAB, dtype=jnp.int64) if jax.config.jax_enable_x64 else jax.random.randint(k1, (B, L), 0, VOCAB, dtype=jnp.int32)
    table = jax.random.normal(k2, (VOCAB, EMB), dtype=jnp.float32)
    # torch Linear(16, 1): weight [1, 16], bias [1]
    bound = 1.0 / np.sqrt(EMB)
    W = jax.random.uniform(k3, (1, EMB), dtype=jnp.float32, minval=-bound, maxval=bound)
    b = jax.random.uniform(k4, (1,), dtype=jnp.float32, minval=-bound, maxval=bound)
    return {"x": x, "table": table, "W": W, "b": b}

def reference(x, table, W, b):
    emb = jnp.take(table, x, axis=0)          # [B, L, 16] gather
    avg_emb = jnp.mean(emb, axis=1)            # [B, 16]
    logits = avg_emb @ W.T + b                 # [B, 1]
    result = jax.nn.sigmoid(logits)
    return jnp.round(result, 4)

if __name__ == "__main__":
    import jax
    _d = setup_inputs()
    print(jax.jit(kernel)(*tuple(_d.values())))

</pallas_src>

<mosaic_0001>
#map = affine_map<(d0, d1) -> (0, 0)>
#map1 = affine_map<(d0, d1) -> (0)>
module attributes {stable_mosaic.version = 14 : i64} {
  func.func @_sc_body(%arg0: i32, %arg1: i32, %arg2: memref<200x16384xi32, #tpu.memory_space<hbm>>, %arg3: memref<1048576xf32, #tpu.memory_space<hbm>>, %arg4: memref<16xf32, #tpu.memory_space<hbm>>, %arg5: memref<16384xf32, #tpu.memory_space<hbm>>, %arg6: memref<96x128xi32, #tpu.memory_space<vmem>>, %arg7: memref<104x128xi32, #tpu.memory_space<vmem>>, %arg8: memref<96x128xf32, #tpu.memory_space<vmem>>, %arg9: memref<104x128xf32, #tpu.memory_space<vmem>>, %arg10: memref<16xf32, #tpu.memory_space<vmem>>, %arg11: memref<512xf32, #tpu.memory_space<vmem>>, %arg12: memref<8192xf32, #tpu.memory_space<vmem>>, %arg13: memref<1048576xf32, #tpu.memory_space<vmem_shared>>, %arg14: memref<!tpu.dma_semaphore, #tpu.memory_space<semaphore_mem>>, %arg15: memref<!tpu.dma_semaphore, #tpu.memory_space<semaphore_mem>>, %arg16: memref<!tpu.dma_semaphore, #tpu.memory_space<semaphore_mem>>, %arg17: memref<!tpu.dma_semaphore, #tpu.memory_space<semaphore_mem>>) attributes {dimension_semantics = [#tpu.dimension_semantics<core_parallel>, #tpu.dimension_semantics<subcore_parallel>], iteration_bounds = array<i64: 2, 16>, scalar_prefetch = 0 : i64, scratch_operands = 12 : i64, tpu.core_type = #tpu.core_type<sc_vector_subcore>, window_params = [{transform_indices = #map}, {transform_indices = #map1}, {transform_indices = #map1}, {transform_indices = #map1}]} {
    %mul3A = arith.constant 2 : i32
    %mul3A_0 = arith.muli %arg1, %mul3A : i32
    %add3A = arith.addi %mul3A_0, %arg0 : i32
    %mul3A_1 = arith.constant 512 : i32
    %mul3A_2 = arith.muli %add3A, %mul3A_1 : i32
    "tpu.region"() ({
      %run_scoped3A = tpu.sem_alloc : memref<!tpu.dma_semaphore, #tpu.memory_space<semaphore_mem>>
      tpu.enqueue_dma source(%arg4 : memref<16xf32, #tpu.memory_space<hbm>>) target(%arg10 : memref<16xf32, #tpu.memory_space<vmem>>) target_semaphore(%run_scoped3A : memref<!tpu.dma_semaphore, #tpu.memory_space<semaphore_mem>>)
      tpu.wait_dma2 semaphore(%run_scoped3A : memref<!tpu.dma_semaphore, #tpu.memory_space<semaphore_mem>>) src(%arg4 : memref<16xf32, #tpu.memory_space<hbm>>) dst(%arg10 : memref<16xf32, #tpu.memory_space<vmem>>)
      tpu.yield
    }) : () -> ()
    %add3A_3 = arith.constant 0 : i32
    %add3A_4 = arith.addi %mul3A_2, %add3A_3 : i32
    %dma_start3A = arith.constant 0 : i32
    %dma_start3A_5 = tpu.memref_slice %arg2[%dma_start3A, %add3A_4] : memref<200x16384xi32, #tpu.memory_space<hbm>> -> memref<96x128xi32, #tpu.memory_space<hbm>>
    %dma_start3A_6 = arith.constant 0 : i32
    %dma_start3A_7 = tpu.memref_slice %arg2[%dma_start3A_6, %add3A_4] : memref<200x16384xi32, #tpu.memory_space<hbm>> -> memref<96x128xi32, #tpu.memory_space<hbm>>
    tpu.enqueue_dma source(%dma_start3A_7 : memref<96x128xi32, #tpu.memory_space<hbm>>) target(%arg6 : memref<96x128xi32, #tpu.memory_space<vmem>>) target_semaphore(%arg14 : memref<!tpu.dma_semaphore, #tpu.memory_space<semaphore_mem>>)
    %add3A_8 = arith.constant 0 : i32
    %add3A_9 = arith.addi %mul3A_2, %add3A_8 : i32
    %dma_start3A_10 = arith.constant 96 : i32
    %dma_start3A_11 = tpu.memref_slice %arg2[%dma_start3A_10, %add3A_9] : memref<200x16384xi32, #tpu.memory_space<hbm>> -> memref<104x128xi32, #tpu.memory_space<hbm>>
    %dma_start3A_12 = arith.constant 96 : i32
    %dma_start3A_13 = tpu.memref_slice %arg2[%dma_start3A_12, %add3A_9] : memref<200x16384xi32, #tpu.memory_space<hbm>> -> memref<104x128xi32, #tpu.memory_space<hbm>>
    tpu.enqueue_dma source(%dma_start3A_13 : memref<104x128xi32, #tpu.memory_space<hbm>>) target(%arg7 : memref<104x128xi32, #tpu.memory_space<vmem>>) target_semaphore(%arg15 : memref<!tpu.dma_semaphore, #tpu.memory_space<semaphore_mem>>)
    %add3A_14 = arith.constant 0 : i32
    %add3A_15 = arith.addi %arg1, %add3A_14 : i32
    %mul3A_16 = arith.constant 8192 : i32
    %mul3A_17 = arith.muli %add3A_15, %mul3A_16 : i32
    "tpu.region"() ({
      %run_scoped3A = tpu.sem_alloc : memref<!tpu.dma_semaphore, #tpu.memory_space<semaphore_mem>>
      %dma_start3A_551 = tpu.memref_slice %arg3[%mul3A_17] : memref<1048576xf32, #tpu.memory_space<hbm>> -> memref<8192xf32, #tpu.memory_space<hbm>>
      %dma_start3A_552 = tpu.memref_slice %arg3[%mul3A_17] : memref<1048576xf32, #tpu.memory_space<hbm>> -> memref<8192xf32, #tpu.memory_space<hbm>>
      tpu.enqueue_dma source(%dma_start3A_552 : memref<8192xf32, #tpu.memory_space<hbm>>) target(%arg12 : memref<8192xf32, #tpu.memory_space<vmem>>) target_semaphore(%run_scoped3A : memref<!tpu.dma_semaphore, #tpu.memory_space<semaphore_mem>>)
      %dma_wait3A_553 = tpu.memref_slice %arg3[%mul3A_17] : memref<1048576xf32, #tpu.memory_space<hbm>> -> memref<8192xf32, #tpu.memory_space<hbm>>
      %dma_wait3A_554 = tpu.memref_slice %arg3[%mul3A_17] : memref<1048576xf32, #tpu.memory_space<hbm>> -> memref<8192xf32, #tpu.memory_space<hbm>>
      tpu.wait_dma2 semaphore(%run_scoped3A : memref<!tpu.dma_semaphore, #tpu.memory_space<semaphore_mem>>) src(%dma_wait3A_554 : memref<8192xf32, #tpu.memory_space<hbm>>) dst(%arg12 : memref<8192xf32, #tpu.memory_space<vmem>>)
      tpu.yield
    }) : () -> ()
    "tpu.region"() ({
      %run_scoped3A = tpu.sem_alloc : memref<!tpu.dma_semaphore, #tpu.memory_space<semaphore_mem>>
      %dma_start3A_551 = tpu.memref_slice %arg13[%mul3A_17] : memref<1048576xf32, #tpu.memory_space<vmem_shared>> -> memref<8192xf32, #tpu.memory_space<vmem_shared>>
      %dma_start3A_552 = tpu.memref_slice %arg13[%mul3A_17] : memref<1048576xf32, #tpu.memory_space<vmem_shared>> -> memref<8192xf32, #tpu.memory_space<vmem_shared>>
      tpu.enqueue_dma source(%arg12 : memref<8192xf32, #tpu.memory_space<vmem>>) target(%dma_start3A_552 : memref<8192xf32, #tpu.memory_space<vmem_shared>>) target_semaphore(%run_scoped3A : memref<!tpu.dma_semaphore, #tpu.memory_space<semaphore_mem>>)
      %dma_wait3A_553 = tpu.memref_slice %arg13[%mul3A_17] : memref<1048576xf32, #tpu.memory_space<vmem_shared>> -> memref<8192xf32, #tpu.memory_space<vmem_shared>>
      %dma_wait3A_554 = tpu.memref_slice %arg13[%mul3A_17] : memref<1048576xf32, #tpu.memory_space<vmem_shared>> -> memref<8192xf32, #tpu.memory_space<vmem_shared>>
      tpu.wait_dma2 semaphore(%run_scoped3A : memref<!tpu.dma_semaphore, #tpu.memory_space<semaphore_mem>>) src(%arg12 : memref<8192xf32, #tpu.memory_space<vmem>>) dst(%dma_wait3A_554 : memref<8192xf32, #tpu.memory_space<vmem_shared>>)
      tpu.yield
    }) : () -> ()
    %add3A_18 = arith.constant 16 : i32
    %add3A_19 = arith.addi %arg1, %add3A_18 : i32
    %mul3A_20 = arith.constant 8192 : i32
    %mul3A_21 = arith.muli %add3A_19, %mul3A_20 : i32
    "tpu.region"() ({
      %run_scoped3A = tpu.sem_alloc : memref<!tpu.dma_semaphore, #tpu.memory_space<semaphore_mem>>
      %dma_start3A_551 = tpu.memref_slice %arg3[%mul3A_21] : memref<1048576xf32, #tpu.memory_space<hbm>> -> memref<8192xf32, #tpu.memory_space<hbm>>
      %dma_start3A_552 = tpu.memref_slice %arg3[%mul3A_21] : memref<1048576xf32, #tpu.memory_space<hbm>> -> memref<8192xf32, #tpu.memory_space<hbm>>
      tpu.enqueue_dma source(%dma_start3A_552 : memref<8192xf32, #tpu.memory_space<hbm>>) target(%arg12 : memref<8192xf32, #tpu.memory_space<vmem>>) target_semaphore(%run_scoped3A : memref<!tpu.dma_semaphore, #tpu.memory_space<semaphore_mem>>)
      %dma_wait3A_553 = tpu.memref_slice %arg3[%mul3A_21] : memref<1048576xf32, #tpu.memory_space<hbm>> -> memref<8192xf32, #tpu.memory_space<hbm>>
      %dma_wait3A_554 = tpu.memref_slice %arg3[%mul3A_21] : memref<1048576xf32, #tpu.memory_space<hbm>> -> memref<8192xf32, #tpu.memory_space<hbm>>
      tpu.wait_dma2 semaphore(%run_scoped3A : memref<!tpu.dma_semaphore, #tpu.memory_space<semaphore_mem>>) src(%dma_wait3A_554 : memref<8192xf32, #tpu.memory_space<hbm>>) dst(%arg12 : memref<8192xf32, #tpu.memory_space<vmem>>)
      tpu.yield
    }) : () -> ()
    "tpu.region"() ({
      %run_scoped3A = tpu.sem_alloc : memref<!tpu.dma_semaphore, #tpu.memory_space<semaphore_mem>>
      %dma_start3A_551 = tpu.memref_slice %arg13[%mul3A_21] : memref<1048576xf32, #tpu.memory_space<vmem_shared>> -> memref<8192xf32, #tpu.memory_space<vmem_shared>>
      %dma_start3A_552 = tpu.memref_slice %arg13[%mul3A_21] : memref<1048576xf32, #tpu.memory_space<vmem_shared>> -> memref<8192xf32, #tpu.memory_space<vmem_shared>>
      tpu.enqueue_dma source(%arg12 : memref<8192xf32, #tpu.memory_space<vmem>>) target(%dma_start3A_552 : memref<8192xf32, #tpu.memory_space<vmem_shared>>) target_semaphore(%run_scoped3A : memref<!tpu.dma_semaphore, #tpu.memory_space<semaphore_mem>>)
      %dma_wait3A_553 = tpu.memref_slice %arg13[%mul3A_21] : memref<1048576xf32, #tpu.memory_space<vmem_shared>> -> memref<8192xf32, #tpu.memory_space<vmem_shared>>
      %dma_wait3A_554 = tpu.memref_slice %arg13[%mul3A_21] : memref<1048576xf32, #tpu.memory_space<vmem_shared>> -> memref<8192xf32, #tpu.memory_space<vmem_shared>>
      tpu.wait_dma2 semaphore(%run_scoped3A : memref<!tpu.dma_semaphore, #tpu.memory_space<semaphore_mem>>) src(%arg12 : memref<8192xf32, #tpu.memory_space<vmem>>) dst(%dma_wait3A_554 : memref<8192xf32, #tpu.memory_space<vmem_shared>>)
      tpu.yield
    }) : () -> ()
    %add3A_22 = arith.constant 32 : i32
    %add3A_23 = arith.addi %arg1, %add3A_22 : i32
    %mul3A_24 = arith.constant 8192 : i32
    %mul3A_25 = arith.muli %add3A_23, %mul3A_24 : i32
    "tpu.region"() ({
      %run_scoped3A = tpu.sem_alloc : memref<!tpu.dma_semaphore, #tpu.memory_space<semaphore_mem>>
      %dma_start3A_551 = tpu.memref_slice %arg3[%mul3A_25] : memref<1048576xf32, #tpu.memory_space<hbm>> -> memref<8192xf32, #tpu.memory_space<hbm>>
      %dma_start3A_552 = tpu.memref_slice %arg3[%mul3A_25] : memref<1048576xf32, #tpu.memory_space<hbm>> -> memref<8192xf32, #tpu.memory_space<hbm>>
      tpu.enqueue_dma source(%dma_start3A_552 : memref<8192xf32, #tpu.memory_space<hbm>>) target(%arg12 : memref<8192xf32, #tpu.memory_space<vmem>>) target_semaphore(%run_scoped3A : memref<!tpu.dma_semaphore, #tpu.memory_space<semaphore_mem>>)
      %dma_wait3A_553 = tpu.memref_slice %arg3[%mul3A_25] : memref<1048576xf32, #tpu.memory_space<hbm>> -> memref<8192xf32, #tpu.memory_space<hbm>>
      %dma_wait3A_554 = tpu.memref_slice %arg3[%mul3A_25] : memref<1048576xf32, #tpu.memory_space<hbm>> -> memref<8192xf32, #tpu.memory_space<hbm>>
      tpu.wait_dma2 semaphore(%run_scoped3A : memref<!tpu.dma_semaphore, #tpu.memory_space<semaphore_mem>>) src(%dma_wait3A_554 : memref<8192xf32, #tpu.memory_space<hbm>>) dst(%arg12 : memref<8192xf32, #tpu.memory_space<vmem>>)
      tpu.yield
    }) : () -> ()
    "tpu.region"() ({
      %run_scoped3A = tpu.sem_alloc : memref<!tpu.dma_semaphore, #tpu.memory_space<semaphore_mem>>
      %dma_start3A_551 = tpu.memref_slice %arg13[%mul3A_25] : memref<1048576xf32, #tpu.memory_space<vmem_shared>> -> memref<8192xf32, #tpu.memory_space<vmem_shared>>
      %dma_start3A_552 = tpu.memref_slice %arg13[%mul3A_25] : memref<1048576xf32, #tpu.memory_space<vmem_shared>> -> memref<8192xf32, #tpu.memory_space<vmem_shared>>
      tpu.enqueue_dma source(%arg12 : memref<8192xf32, #tpu.memory_space<vmem>>) target(%dma_start3A_552 : memref<8192xf32, #tpu.memory_space<vmem_shared>>) target_semaphore(%run_scoped3A : memref<!tpu.dma_semaphore, #tpu.memory_space<semaphore_mem>>)
      %dma_wait3A_553 = tpu.memref_slice %arg13[%mul3A_25] : memref<1048576xf32, #tpu.memory_space<vmem_shared>> -> memref<8192xf32, #tpu.memory_space<vmem_shared>>
      %dma_wait3A_554 = tpu.memref_slice %arg13[%mul3A_25] : memref<1048576xf32, #tpu.memory_space<vmem_shared>> -> memref<8192xf32, #tpu.memory_space<vmem_shared>>
      tpu.wait_dma2 semaphore(%run_scoped3A : memref<!tpu.dma_semaphore, #tpu.memory_space<semaphore_mem>>) src(%arg12 : memref<8192xf32, #tpu.memory_space<vmem>>) dst(%dma_wait3A_554 : memref<8192xf32, #tpu.memory_space<vmem_shared>>)
      tpu.yield
    }) : () -> ()
    %add3A_26 = arith.constant 48 : i32
    %add3A_27 = arith.addi %arg1, %add3A_26 : i32
    %mul3A_28 = arith.constant 8192 : i32
    %mul3A_29 = arith.muli %add3A_27, %mul3A_28 : i32
    "tpu.region"() ({
      %run_scoped3A = tpu.sem_alloc : memref<!tpu.dma_semaphore, #tpu.memory_space<semaphore_mem>>
      %dma_start3A_551 = tpu.memref_slice %arg3[%mul3A_29] : memref<1048576xf32, #tpu.memory_space<hbm>> -> memref<8192xf32, #tpu.memory_space<hbm>>
      %dma_start3A_552 = tpu.memref_slice %arg3[%mul3A_29] : memref<1048576xf32, #tpu.memory_space<hbm>> -> memref<8192xf32, #tpu.memory_space<hbm>>
      tpu.enqueue_dma source(%dma_start3A_552 : memref<8192xf32, #tpu.memory_space<hbm>>) target(%arg12 : memref<8192xf32, #tpu.memory_space<vmem>>) target_semaphore(%run_scoped3A : memref<!tpu.dma_semaphore, #tpu.memory_space<semaphore_mem>>)
      %dma_wait3A_553 = tpu.memref_slice %arg3[%mul3A_29] : memref<1048576xf32, #tpu.memory_space<hbm>> -> memref<8192xf32, #tpu.memory_space<hbm>>
      %dma_wait3A_554 = tpu.memref_slice %arg3[%mul3A_29] : memref<1048576xf32, #tpu.memory_space<hbm>> -> memref<8192xf32, #tpu.memory_space<hbm>>
      tpu.wait_dma2 semaphore(%run_scoped3A : memref<!tpu.dma_semaphore, #tpu.memory_space<semaphore_mem>>) src(%dma_wait3A_554 : memref<8192xf32, #tpu.memory_space<hbm>>) dst(%arg12 : memref<8192xf32, #tpu.memory_space<vmem>>)
      tpu.yield
    }) : () -> ()
    "tpu.region"() ({
      %run_scoped3A = tpu.sem_alloc : memref<!tpu.dma_semaphore, #tpu.memory_space<semaphore_mem>>
      %dma_start3A_551 = tpu.memref_slice %arg13[%mul3A_29] : memref<1048576xf32, #tpu.memory_space<vmem_shared>> -> memref<8192xf32, #tpu.memory_space<vmem_shared>>
      %dma_start3A_552 = tpu.memref_slice %arg13[%mul3A_29] : memref<1048576xf32, #tpu.memory_space<vmem_shared>> -> memref<8192xf32, #tpu.memory_space<vmem_shared>>
      tpu.enqueue_dma source(%arg12 : memref<8192xf32, #tpu.memory_space<vmem>>) target(%dma_start3A_552 : memref<8192xf32, #tpu.memory_space<vmem_shared>>) target_semaphore(%run_scoped3A : memref<!tpu.dma_semaphore, #tpu.memory_space<semaphore_mem>>)
      %dma_wait3A_553 = tpu.memref_slice %arg13[%mul3A_29] : memref<1048576xf32, #tpu.memory_space<vmem_shared>> -> memref<8192xf32, #tpu.memory_space<vmem_shared>>
      %dma_wait3A_554 = tpu.memref_slice %arg13[%mul3A_29] : memref<1048576xf32, #tpu.memory_space<vmem_shared>> -> memref<8192xf32, #tpu.memory_space<vmem_shared>>
      tpu.wait_dma2 semaphore(%run_scoped3A : memref<!tpu.dma_semaphore, #tpu.memory_space<semaphore_mem>>) src(%arg12 : memref<8192xf32, #tpu.memory_space<vmem>>) dst(%dma_wait3A_554 : memref<8192xf32, #tpu.memory_space<vmem_shared>>)
      tpu.yield
    }) : () -> ()
    %add3A_30 = arith.constant 64 : i32
    %add3A_31 = arith.addi %arg1, %add3A_30 : i32
    %mul3A_32 = arith.constant 8192 : i32
    %mul3A_33 = arith.muli %add3A_31, %mul3A_32 : i32
    "tpu.region"() ({
      %run_scoped3A = tpu.sem_alloc : memref<!tpu.dma_semaphore, #tpu.memory_space<semaphore_mem>>
      %dma_start3A_551 = tpu.memref_slice %arg3[%mul3A_33] : memref<1048576xf32, #tpu.memory_space<hbm>> -> memref<8192xf32, #tpu.memory_space<hbm>>
      %dma_start3A_552 = tpu.memref_slice %arg3[%mul3A_33] : memref<1048576xf32, #tpu.memory_space<hbm>> -> memref<8192xf32, #tpu.memory_space<hbm>>
      tpu.enqueue_dma source(%dma_start3A_552 : memref<8192xf32, #tpu.memory_space<hbm>>) target(%arg12 : memref<8192xf32, #tpu.memory_space<vmem>>) target_semaphore(%run_scoped3A : memref<!tpu.dma_semaphore, #tpu.memory_space<semaphore_mem>>)
      %dma_wait3A_553 = tpu.memref_slice %arg3[%mul3A_33] : memref<1048576xf32, #tpu.memory_space<hbm>> -> memref<8192xf32, #tpu.memory_space<hbm>>
      %dma_wait3A_554 = tpu.memref_slice %arg3[%mul3A_33] : memref<1048576xf32, #tpu.memory_space<hbm>> -> memref<8192xf32, #tpu.memory_space<hbm>>
      tpu.wait_dma2 semaphore(%run_scoped3A : memref<!tpu.dma_semaphore, #tpu.memory_space<semaphore_mem>>) src(%dma_wait3A_554 : memref<8192xf32, #tpu.memory_space<hbm>>) dst(%arg12 : memref<8192xf32, #tpu.memory_space<vmem>>)
      tpu.yield
    }) : () -> ()
    "tpu.region"() ({
      %run_scoped3A = tpu.sem_alloc : memref<!tpu.dma_semaphore, #tpu.memory_space<semaphore_mem>>
      %dma_start3A_551 = tpu.memref_slice %arg13[%mul3A_33] : memref<1048576xf32, #tpu.memory_space<vmem_shared>> -> memref<8192xf32, #tpu.memory_space<vmem_shared>>
      %dma_start3A_552 = tpu.memref_slice %arg13[%mul3A_33] : memref<1048576xf32, #tpu.memory_space<vmem_shared>> -> memref<8192xf32, #tpu.memory_space<vmem_shared>>
      tpu.enqueue_dma source(%arg12 : memref<8192xf32, #tpu.memory_space<vmem>>) target(%dma_start3A_552 : memref<8192xf32, #tpu.memory_space<vmem_shared>>) target_semaphore(%run_scoped3A : memref<!tpu.dma_semaphore, #tpu.memory_space<semaphore_mem>>)
      %dma_wait3A_553 = tpu.memref_slice %arg13[%mul3A_33] : memref<1048576xf32, #tpu.memory_space<vmem_shared>> -> memref<8192xf32, #tpu.memory_space<vmem_shared>>
      %dma_wait3A_554 = tpu.memref_slice %arg13[%mul3A_33] : memref<1048576xf32, #tpu.memory_space<vmem_shared>> -> memref<8192xf32, #tpu.memory_space<vmem_shared>>
      tpu.wait_dma2 semaphore(%run_scoped3A : memref<!tpu.dma_semaphore, #tpu.memory_space<semaphore_mem>>) src(%arg12 : memref<8192xf32, #tpu.memory_space<vmem>>) dst(%dma_wait3A_554 : memref<8192xf32, #tpu.memory_space<vmem_shared>>)
      tpu.yield
    }) : () -> ()
    %add3A_34 = arith.constant 80 : i32
    %add3A_35 = arith.addi %arg1, %add3A_34 : i32
    %mul3A_36 = arith.constant 8192 : i32
    %mul3A_37 = arith.muli %add3A_35, %mul3A_36 : i32
    "tpu.region"() ({
      %run_scoped3A = tpu.sem_alloc : memref<!tpu.dma_semaphore, #tpu.memory_space<semaphore_mem>>
      %dma_start3A_551 = tpu.memref_slice %arg3[%mul3A_37] : memref<1048576xf32, #tpu.memory_space<hbm>> -> memref<8192xf32, #tpu.memory_space<hbm>>
      %dma_start3A_552 = tpu.memref_slice %arg3[%mul3A_37] : memref<1048576xf32, #tpu.memory_space<hbm>> -> memref<8192xf32, #tpu.memory_space<hbm>>
      tpu.enqueue_dma source(%dma_start3A_552 : memref<8192xf32, #tpu.memory_space<hbm>>) target(%arg12 : memref<8192xf32, #tpu.memory_space<vmem>>) target_semaphore(%run_scoped3A : memref<!tpu.dma_semaphore, #tpu.memory_space<semaphore_mem>>)
      %dma_wait3A_553 = tpu.memref_slice %arg3[%mul3A_37] : memref<1048576xf32, #tpu.memory_space<hbm>> -> memref<8192xf32, #tpu.memory_space<hbm>>
      %dma_wait3A_554 = tpu.memref_slice %arg3[%mul3A_37] : memref<1048576xf32, #tpu.memory_space<hbm>> -> memref<8192xf32, #tpu.memory_space<hbm>>
      tpu.wait_dma2 semaphore(%run_scoped3A : memref<!tpu.dma_semaphore, #tpu.memory_space<semaphore_mem>>) src(%dma_wait3A_554 : memref<8192xf32, #tpu.memory_space<hbm>>) dst(%arg12 : memref<8192xf32, #tpu.memory_space<vmem>>)
      tpu.yield
    }) : () -> ()
    "tpu.region"() ({
      %run_scoped3A = tpu.sem_alloc : memref<!tpu.dma_semaphore, #tpu.memory_space<semaphore_mem>>
      %dma_start3A_551 = tpu.memref_slice %arg13[%mul3A_37] : memref<1048576xf32, #tpu.memory_space<vmem_shared>> -> memref<8192xf32, #tpu.memory_space<vmem_shared>>
      %dma_start3A_552 = tpu.memref_slice %arg13[%mul3A_37] : memref<1048576xf32, #tpu.memory_space<vmem_shared>> -> memref<8192xf32, #tpu.memory_space<vmem_shared>>
      tpu.enqueue_dma source(%arg12 : memref<8192xf32, #tpu.memory_space<vmem>>) target(%dma_start3A_552 : memref<8192xf32, #tpu.memory_space<vmem_shared>>) target_semaphore(%run_scoped3A : memref<!tpu.dma_semaphore, #tpu.memory_space<semaphore_mem>>)
      %dma_wait3A_553 = tpu.memref_slice %arg13[%mul3A_37] : memref<1048576xf32, #tpu.memory_space<vmem_shared>> -> memref<8192xf32, #tpu.memory_space<vmem_shared>>
      %dma_wait3A_554 = tpu.memref_slice %arg13[%mul3A_37] : memref<1048576xf32, #tpu.memory_space<vmem_shared>> -> memref<8192xf32, #tpu.memory_space<vmem_shared>>
      tpu.wait_dma2 semaphore(%run_scoped3A : memref<!tpu.dma_semaphore, #tpu.memory_space<semaphore_mem>>) src(%arg12 : memref<8192xf32, #tpu.memory_space<vmem>>) dst(%dma_wait3A_554 : memref<8192xf32, #tpu.memory_space<vmem_shared>>)
      tpu.yield
    }) : () -> ()
    %add3A_38 = arith.constant 96 : i32
    %add3A_39 = arith.addi %arg1, %add3A_38 : i32
    %mul3A_40 = arith.constant 8192 : i32
    %mul3A_41 = arith.muli %add3A_39, %mul3A_40 : i32
    "tpu.region"() ({
      %run_scoped3A = tpu.sem_alloc : memref<!tpu.dma_semaphore, #tpu.memory_space<semaphore_mem>>
      %dma_start3A_551 = tpu.memref_slice %arg3[%mul3A_41] : memref<1048576xf32, #tpu.memory_space<hbm>> -> memref<8192xf32, #tpu.memory_space<hbm>>
      %dma_start3A_552 = tpu.memref_slice %arg3[%mul3A_41] : memref<1048576xf32, #tpu.memory_space<hbm>> -> memref<8192xf32, #tpu.memory_space<hbm>>
      tpu.enqueue_dma source(%dma_start3A_552 : memref<8192xf32, #tpu.memory_space<hbm>>) target(%arg12 : memref<8192xf32, #tpu.memory_space<vmem>>) target_semaphore(%run_scoped3A : memref<!tpu.dma_semaphore, #tpu.memory_space<semaphore_mem>>)
      %dma_wait3A_553 = tpu.memref_slice %arg3[%mul3A_41] : memref<1048576xf32, #tpu.memory_space<hbm>> -> memref<8192xf32, #tpu.memory_space<hbm>>
      %dma_wait3A_554 = tpu.memref_slice %arg3[%mul3A_41] : memref<1048576xf32, #tpu.memory_space<hbm>> -> memref<8192xf32, #tpu.memory_space<hbm>>
      tpu.wait_dma2 semaphore(%run_scoped3A : memref<!tpu.dma_semaphore, #tpu.memory_space<semaphore_mem>>) src(%dma_wait3A_554 : memref<8192xf32, #tpu.memory_space<hbm>>) dst(%arg12 : memref<8192xf32, #tpu.memory_space<vmem>>)
      tpu.yield
    }) : () -> ()
    "tpu.region"() ({
      %run_scoped3A = tpu.sem_alloc : memref<!tpu.dma_semaphore, #tpu.memory_space<semaphore_mem>>
      %dma_start3A_551 = tpu.memref_slice %arg13[%mul3A_41] : memref<1048576xf32, #tpu.memory_space<vmem_shared>> -> memref<8192xf32, #tpu.memory_space<vmem_shared>>
      %dma_start3A_552 = tpu.memref_slice %arg13[%mul3A_41] : memref<1048576xf32, #tpu.memory_space<vmem_shared>> -> memref<8192xf32, #tpu.memory_space<vmem_shared>>
      tpu.enqueue_dma source(%arg12 : memref<8192xf32, #tpu.memory_space<vmem>>) target(%dma_start3A_552 : memref<8192xf32, #tpu.memory_space<vmem_shared>>) target_semaphore(%run_scoped3A : memref<!tpu.dma_semaphore, #tpu.memory_space<semaphore_mem>>)
      %dma_wait3A_553 = tpu.memref_slice %arg13[%mul3A_41] : memref<1048576xf32, #tpu.memory_space<vmem_shared>> -> memref<8192xf32, #tpu.memory_space<vmem_shared>>
      %dma_wait3A_554 = tpu.memref_slice %arg13[%mul3A_41] : memref<1048576xf32, #tpu.memory_space<vmem_shared>> -> memref<8192xf32, #tpu.memory_space<vmem_shared>>
      tpu.wait_dma2 semaphore(%run_scoped3A : memref<!tpu.dma_semaphore, #tpu.memory_space<semaphore_mem>>) src(%arg12 : memref<8192xf32, #tpu.memory_space<vmem>>) dst(%dma_wait3A_554 : memref<8192xf32, #tpu.memory_space<vmem_shared>>)
      tpu.yield
    }) : () -> ()
    %add3A_42 = arith.constant 112 : i32
    %add3A_43 = arith.addi %arg1, %add3A_42 : i32
    %mul3A_44 = arith.constant 8192 : i32
    %mul3A_45 = arith.muli %add3A_43, %mul3A_44 : i32
    "tpu.region"() ({
      %run_scoped3A = tpu.sem_alloc : memref<!tpu.dma_semaphore, #tpu.memory_space<semaphore_mem>>
      %dma_start3A_551 = tpu.memref_slice %arg3[%mul3A_45] : memref<1048576xf32, #tpu.memory_space<hbm>> -> memref<8192xf32, #tpu.memory_space<hbm>>
      %dma_start3A_552 = tpu.memref_slice %arg3[%mul3A_45] : memref<1048576xf32, #tpu.memory_space<hbm>> -> memref<8192xf32, #tpu.memory_space<hbm>>
      tpu.enqueue_dma source(%dma_start3A_552 : memref<8192xf32, #tpu.memory_space<hbm>>) target(%arg12 : memref<8192xf32, #tpu.memory_space<vmem>>) target_semaphore(%run_scoped3A : memref<!tpu.dma_semaphore, #tpu.memory_space<semaphore_mem>>)
      %dma_wait3A_553 = tpu.memref_slice %arg3[%mul3A_45] : memref<1048576xf32, #tpu.memory_space<hbm>> -> memref<8192xf32, #tpu.memory_space<hbm>>
      %dma_wait3A_554 = tpu.memref_slice %arg3[%mul3A_45] : memref<1048576xf32, #tpu.memory_space<hbm>> -> memref<8192xf32, #tpu.memory_space<hbm>>
      tpu.wait_dma2 semaphore(%run_scoped3A : memref<!tpu.dma_semaphore, #tpu.memory_space<semaphore_mem>>) src(%dma_wait3A_554 : memref<8192xf32, #tpu.memory_space<hbm>>) dst(%arg12 : memref<8192xf32, #tpu.memory_space<vmem>>)
      tpu.yield
    }) : () -> ()
    "tpu.region"() ({
      %run_scoped3A = tpu.sem_alloc : memref<!tpu.dma_semaphore, #tpu.memory_space<semaphore_mem>>
      %dma_start3A_551 = tpu.memref_slice %arg13[%mul3A_45] : memref<1048576xf32, #tpu.memory_space<vmem_shared>> -> memref<8192xf32, #tpu.memory_space<vmem_shared>>
      %dma_start3A_552 = tpu.memref_slice %arg13[%mul3A_45] : memref<1048576xf32, #tpu.memory_space<vmem_shared>> -> memref<8192xf32, #tpu.memory_space<vmem_shared>>
      tpu.enqueue_dma source(%arg12 : memref<8192xf32, #tpu.memory_space<vmem>>) target(%dma_start3A_552 : memref<8192xf32, #tpu.memory_space<vmem_shared>>) target_semaphore(%run_scoped3A : memref<!tpu.dma_semaphore, #tpu.memory_space<semaphore_mem>>)
      %dma_wait3A_553 = tpu.memref_slice %arg13[%mul3A_45] : memref<1048576xf32, #tpu.memory_space<vmem_shared>> -> memref<8192xf32, #tpu.memory_space<vmem_shared>>
      %dma_wait3A_554 = tpu.memref_slice %arg13[%mul3A_45] : memref<1048576xf32, #tpu.memory_space<vmem_shared>> -> memref<8192xf32, #tpu.memory_space<vmem_shared>>
      tpu.wait_dma2 semaphore(%run_scoped3A : memref<!tpu.dma_semaphore, #tpu.memory_space<semaphore_mem>>) src(%arg12 : memref<8192xf32, #tpu.memory_space<vmem>>) dst(%dma_wait3A_554 : memref<8192xf32, #tpu.memory_space<vmem_shared>>)
      tpu.yield
    }) : () -> ()
    %barrier3A = arith.constant 0 : index
    tpu.barrier barrier_id(%barrier3A)
    %add3A_46 = arith.constant 0 : i32
    %add3A_47 = arith.addi %mul3A_2, %add3A_46 : i32
    %dma_wait3A = arith.constant 0 : i32
    %dma_wait3A_48 = tpu.memref_slice %arg2[%dma_wait3A, %add3A_47] : memref<200x16384xi32, #tpu.memory_space<hbm>> -> memref<96x128xi32, #tpu.memory_space<hbm>>
    %dma_wait3A_49 = arith.constant 0 : i32
    %dma_wait3A_50 = tpu.memref_slice %arg2[%dma_wait3A_49, %add3A_47] : memref<200x16384xi32, #tpu.memory_space<hbm>> -> memref<96x128xi32, #tpu.memory_space<hbm>>
    tpu.wait_dma2 semaphore(%arg14 : memref<!tpu.dma_semaphore, #tpu.memory_space<semaphore_mem>>) src(%dma_wait3A_50 : memref<96x128xi32, #tpu.memory_space<hbm>>) dst(%arg6 : memref<96x128xi32, #tpu.memory_space<vmem>>)
    %scan3A = arith.constant 0 : i32
    %scan3A_51 = arith.constant 0 : i32
    %scan3A_52 = arith.constant 96 : i32
    %scan3A_53 = arith.addi %scan3A_51, %scan3A_52 : i32
    %scan3A_54 = arith.constant 8 : i32
    scf.for %scan3A_551 = %scan3A_51 to %scan3A_53 step %scan3A_54  : i32 {
      %dma_start3A_552 = arith.constant 0 : i32
      %dma_start3A_553 = tpu.memref_slice %arg8[%scan3A_551, %dma_start3A_552] : memref<96x128xf32, #tpu.memory_space<vmem>> -> memref<1x128xf32, #tpu.memory_space<vmem>>
      %dma_start3A_554 = tpu.memref_squeeze %dma_start3A_553 : memref<1x128xf32, #tpu.memory_space<vmem>> -> memref<128xf32, #tpu.memory_space<vmem>>
      %dma_start3A_555 = arith.constant 0 : i32
      %dma_start3A_556 = tpu.memref_slice %arg6[%scan3A_551, %dma_start3A_555] : memref<96x128xi32, #tpu.memory_space<vmem>> -> memref<1x128xi32, #tpu.memory_space<vmem>>
      %dma_start3A_557 = tpu.memref_squeeze %dma_start3A_556 : memref<1x128xi32, #tpu.memory_space<vmem>> -> memref<128xi32, #tpu.memory_space<vmem>>
      %dma_start3A_558 = arith.constant 0 : i32
      %dma_start3A_559 = tpu.memref_slice %arg13[%dma_start3A_558] : memref<1048576xf32, #tpu.memory_space<vmem_shared>> -> memref<1048576xf32, #tpu.memory_space<vmem_shared>>
      tpu.enqueue_indirect_dma source(%dma_start3A_559 : memref<1048576xf32, #tpu.memory_space<vmem_shared>>) target(%dma_start3A_554 : memref<128xf32, #tpu.memory_space<vmem>>) offsets(%dma_start3A_557 : memref<128xi32, #tpu.memory_space<vmem>>) semaphore(%arg16 : memref<!tpu.dma_semaphore, #tpu.memory_space<semaphore_mem>>)
      %scan3A_560 = arith.constant 1 : i32
      %scan3A_561 = arith.addi %scan3A_551, %scan3A_560 : i32
      %dma_start3A_562 = arith.constant 0 : i32
      %dma_start3A_563 = tpu.memref_slice %arg8[%scan3A_561, %dma_start3A_562] : memref<96x128xf32, #tpu.memory_space<vmem>> -> memref<1x128xf32, #tpu.memory_space<vmem>>
      %dma_start3A_564 = tpu.memref_squeeze %dma_start3A_563 : memref<1x128xf32, #tpu.memory_space<vmem>> -> memref<128xf32, #tpu.memory_space<vmem>>
      %dma_start3A_565 = arith.constant 0 : i32
      %dma_start3A_566 = tpu.memref_slice %arg6[%scan3A_561, %dma_start3A_565] : memref<96x128xi32, #tpu.memory_space<vmem>> -> memref<1x128xi32, #tpu.memory_space<vmem>>
      %dma_start3A_567 = tpu.memref_squeeze %dma_start3A_566 : memref<1x128xi32, #tpu.memory_space<vmem>> -> memref<128xi32, #tpu.memory_space<vmem>>
      %dma_start3A_568 = arith.constant 0 : i32
      %dma_start3A_569 = tpu.memref_slice %arg13[%dma_start3A_568] : memref<1048576xf32, #tpu.memory_space<vmem_shared>> -> memref<1048576xf32, #tpu.memory_space<vmem_shared>>
      tpu.enqueue_indirect_dma source(%dma_start3A_569 : memref<1048576xf32, #tpu.memory_space<vmem_shared>>) target(%dma_start3A_564 : memref<128xf32, #tpu.memory_space<vmem>>) offsets(%dma_start3A_567 : memref<128xi32, #tpu.memory_space<vmem>>) semaphore(%arg16 : memref<!tpu.dma_semaphore, #tpu.memory_space<semaphore_mem>>)
      %scan3A_570 = arith.constant 2 : i32
      %scan3A_571 = arith.addi %scan3A_551, %scan3A_570 : i32
      %dma_start3A_572 = arith.constant 0 : i32
      %dma_start3A_573 = tpu.memref_slice %arg8[%scan3A_571, %dma_start3A_572] : memref<96x128xf32, #tpu.memory_space<vmem>> -> memref<1x128xf32, #tpu.memory_space<vmem>>
      %dma_start3A_574 = tpu.memref_squeeze %dma_start3A_573 : memref<1x128xf32, #tpu.memory_space<vmem>> -> memref<128xf32, #tpu.memory_space<vmem>>
      %dma_start3A_575 = arith.constant 0 : i32
      %dma_start3A_576 = tpu.memref_slice %arg6[%scan3A_571, %dma_start3A_575] : memref<96x128xi32, #tpu.memory_space<vmem>> -> memref<1x128xi32, #tpu.memory_space<vmem>>
      %dma_start3A_577 = tpu.memref_squeeze %dma_start3A_576 : memref<1x128xi32, #tpu.memory_space<vmem>> -> memref<128xi32, #tpu.memory_space<vmem>>
      %dma_start3A_578 = arith.constant 0 : i32
      %dma_start3A_579 = tpu.memref_slice %arg13[%dma_start3A_578] : memref<1048576xf32, #tpu.memory_space<vmem_shared>> -> memref<1048576xf32, #tpu.memory_space<vmem_shared>>
      tpu.enqueue_indirect_dma source(%dma_start3A_579 : memref<1048576xf32, #tpu.memory_space<vmem_shared>>) target(%dma_start3A_574 : memref<128xf32, #tpu.memory_space<vmem>>) offsets(%dma_start3A_577 : memref<128xi32, #tpu.memory_space<vmem>>) semaphore(%arg16 : memref<!tpu.dma_semaphore, #tpu.memory_space<semaphore_mem>>)
      %scan3A_580 = arith.constant 3 : i32
      %scan3A_581 = arith.addi %scan3A_551, %scan3A_580 : i32
      %dma_start3A_582 = arith.constant 0 : i32
      %dma_start3A_583 = tpu.memref_slice %arg8[%scan3A_581, %dma_start3A_582] : memref<96x128xf32, #tpu.memory_space<vmem>> -> memref<1x128xf32, #tpu.memory_space<vmem>>
      %dma_start3A_584 = tpu.memref_squeeze %dma_start3A_583 : memref<1x128xf32, #tpu.memory_space<vmem>> -> memref<128xf32, #tpu.memory_space<vmem>>
      %dma_start3A_585 = arith.constant 0 : i32
      %dma_start3A_586 = tpu.memref_slice %arg6[%scan3A_581, %dma_start3A_585] : memref<96x128xi32, #tpu.memory_space<vmem>> -> memref<1x128xi32, #tpu.memory_space<vmem>>
      %dma_start3A_587 = tpu.memref_squeeze %dma_start3A_586 : memref<1x128xi32, #tpu.memory_space<vmem>> -> memref<128xi32, #tpu.memory_space<vmem>>
      %dma_start3A_588 = arith.constant 0 : i32
      %dma_start3A_589 = tpu.memref_slice %arg13[%dma_start3A_588] : memref<1048576xf32, #tpu.memory_space<vmem_shared>> -> memref<1048576xf32, #tpu.memory_space<vmem_shared>>
      tpu.enqueue_indirect_dma source(%dma_start3A_589 : memref<1048576xf32, #tpu.memory_space<vmem_shared>>) target(%dma_start3A_584 : memref<128xf32, #tpu.memory_space<vmem>>) offsets(%dma_start3A_587 : memref<128xi32, #tpu.memory_space<vmem>>) semaphore(%arg16 : memref<!tpu.dma_semaphore, #tpu.memory_space<semaphore_mem>>)
      %scan3A_590 = arith.constant 4 : i32
      %scan3A_591 = arith.addi %scan3A_551, %scan3A_590 : i32
      %dma_start3A_592 = arith.constant 0 : i32
      %dma_start3A_593 = tpu.memref_slice %arg8[%scan3A_591, %dma_start3A_592] : memref<96x128xf32, #tpu.memory_space<vmem>> -> memref<1x128xf32, #tpu.memory_space<vmem>>
      %dma_start3A_594 = tpu.memref_squeeze %dma_start3A_593 : memref<1x128xf32, #tpu.memory_space<vmem>> -> memref<128xf32, #tpu.memory_space<vmem>>
      %dma_start3A_595 = arith.constant 0 : i32
      %dma_start3A_596 = tpu.memref_slice %arg6[%scan3A_591, %dma_start3A_595] : memref<96x128xi32, #tpu.memory_space<vmem>> -> memref<1x128xi32, #tpu.memory_space<vmem>>
      %dma_start3A_597 = tpu.memref_squeeze %dma_start3A_596 : memref<1x128xi32, #tpu.memory_space<vmem>> -> memref<128xi32, #tpu.memory_space<vmem>>
      %dma_start3A_598 = arith.constant 0 : i32
      %dma_start3A_599 = tpu.memref_slice %arg13[%dma_start3A_598] : memref<1048576xf32, #tpu.memory_space<vmem_shared>> -> memref<1048576xf32, #tpu.memory_space<vmem_shared>>
      tpu.enqueue_indirect_dma source(%dma_start3A_599 : memref<1048576xf32, #tpu.memory_space<vmem_shared>>) target(%dma_start3A_594 : memref<128xf32, #tpu.memory_space<vmem>>) offsets(%dma_start3A_597 : memref<128xi32, #tpu.memory_space<vmem>>) semaphore(%arg16 : memref<!tpu.dma_semaphore, #tpu.memory_space<semaphore_mem>>)
      %scan3A_600 = arith.constant 5 : i32
      %scan3A_601 = arith.addi %scan3A_551, %scan3A_600 : i32
      %dma_start3A_602 = arith.constant 0 : i32
      %dma_start3A_603 = tpu.memref_slice %arg8[%scan3A_601, %dma_start3A_602] : memref<96x128xf32, #tpu.memory_space<vmem>> -> memref<1x128xf32, #tpu.memory_space<vmem>>
      %dma_start3A_604 = tpu.memref_squeeze %dma_start3A_603 : memref<1x128xf32, #tpu.memory_space<vmem>> -> memref<128xf32, #tpu.memory_space<vmem>>
      %dma_start3A_605 = arith.constant 0 : i32
      %dma_start3A_606 = tpu.memref_slice %arg6[%scan3A_601, %dma_start3A_605] : memref<96x128xi32, #tpu.memory_space<vmem>> -> memref<1x128xi32, #tpu.memory_space<vmem>>
      %dma_start3A_607 = tpu.memref_squeeze %dma_start3A_606 : memref<1x128xi32, #tpu.memory_space<vmem>> -> memref<128xi32, #tpu.memory_space<vmem>>
      %dma_start3A_608 = arith.constant 0 : i32
      %dma_start3A_609 = tpu.memref_slice %arg13[%dma_start3A_608] : memref<1048576xf32, #tpu.memory_space<vmem_shared>> -> memref<1048576xf32, #tpu.memory_space<vmem_shared>>
      tpu.enqueue_indirect_dma source(%dma_start3A_609 : memref<1048576xf32, #tpu.memory_space<vmem_shared>>) target(%dma_start3A_604 : memref<128xf32, #tpu.memory_space<vmem>>) offsets(%dma_start3A_607 : memref<128xi32, #tpu.memory_space<vmem>>) semaphore(%arg16 : memref<!tpu.dma_semaphore, #tpu.memory_space<semaphore_mem>>)
      %scan3A_610 = arith.constant 6 : i32
      %scan3A_611 = arith.addi %scan3A_551, %scan3A_610 : i32
      %dma_start3A_612 = arith.constant 0 : i32
      %dma_start3A_613 = tpu.memref_slice %arg8[%scan3A_611, %dma_start3A_612] : memref<96x128xf32, #tpu.memory_space<vmem>> -> memref<1x128xf32, #tpu.memory_space<vmem>>
      %dma_start3A_614 = tpu.memref_squeeze %dma_start3A_613 : memref<1x128xf32, #tpu.memory_space<vmem>> -> memref<128xf32, #tpu.memory_space<vmem>>
      %dma_start3A_615 = arith.constant 0 : i32
      %dma_start3A_616 = tpu.memref_slice %arg6[%scan3A_611, %dma_start3A_615] : memref<96x128xi32, #tpu.memory_space<vmem>> -> memref<1x128xi32, #tpu.memory_space<vmem>>
      %dma_start3A_617 = tpu.memref_squeeze %dma_start3A_616 : memref<1x128xi32, #tpu.memory_space<vmem>> -> memref<128xi32, #tpu.memory_space<vmem>>
      %dma_start3A_618 = arith.constant 0 : i32
      %dma_start3A_619 = tpu.memref_slice %arg13[%dma_start3A_618] : memref<1048576xf32, #tpu.memory_space<vmem_shared>> -> memref<1048576xf32, #tpu.memory_space<vmem_shared>>
      tpu.enqueue_indirect_dma source(%dma_start3A_619 : memref<1048576xf32, #tpu.memory_space<vmem_shared>>) target(%dma_start3A_614 : memref<128xf32, #tpu.memory_space<vmem>>) offsets(%dma_start3A_617 : memref<128xi32, #tpu.memory_space<vmem>>) semaphore(%arg16 : memref<!tpu.dma_semaphore, #tpu.memory_space<semaphore_mem>>)
      %scan3A_620 = arith.constant 7 : i32
      %scan3A_621 = arith.addi %scan3A_551, %scan3A_620 : i32
      %dma_start3A_622 = arith.constant 0 : i32
      %dma_start3A_623 = tpu.memref_slice %arg8[%scan3A_621, %dma_start3A_622] : memref<96x128xf32, #tpu.memory_space<vmem>> -> memref<1x128xf32, #tpu.memory_space<vmem>>
      %dma_start3A_624 = tpu.memref_squeeze %dma_start3A_623 : memref<1x128xf32, #tpu.memory_space<vmem>> -> memref<128xf32, #tpu.memory_space<vmem>>
      %dma_start3A_625 = arith.constant 0 : i32
      %dma_start3A_626 = tpu.memref_slice %arg6[%scan3A_621, %dma_start3A_625] : memref<96x128xi32, #tpu.memory_space<vmem>> -> memref<1x128xi32, #tpu.memory_space<vmem>>
      %dma_start3A_627 = tpu.memref_squeeze %dma_start3A_626 : memref<1x128xi32, #tpu.memory_space<vmem>> -> memref<128xi32, #tpu.memory_space<vmem>>
      %dma_start3A_628 = arith.constant 0 : i32
      %dma_start3A_629 = tpu.memref_slice %arg13[%dma_start3A_628] : memref<1048576xf32, #tpu.memory_space<vmem_shared>> -> memref<1048576xf32, #tpu.memory_space<vmem_shared>>
      tpu.enqueue_indirect_dma source(%dma_start3A_629 : memref<1048576xf32, #tpu.memory_space<vmem_shared>>) target(%dma_start3A_624 : memref<128xf32, #tpu.memory_space<vmem>>) offsets(%dma_start3A_627 : memref<128xi32, #tpu.memory_space<vmem>>) semaphore(%arg16 : memref<!tpu.dma_semaphore, #tpu.memory_space<semaphore_mem>>)
    }
    %scan3A_55 = arith.constant 96 : i32
    %add3A_56 = arith.constant 0 : i32
    %add3A_57 = arith.addi %mul3A_2, %add3A_56 : i32
    %dma_wait3A_58 = arith.constant 96 : i32
    %dma_wait3A_59 = tpu.memref_slice %arg2[%dma_wait3A_58, %add3A_57] : memref<200x16384xi32, #tpu.memory_space<hbm>> -> memref<104x128xi32, #tpu.memory_space<hbm>>
    %dma_wait3A_60 = arith.constant 96 : i32
    %dma_wait3A_61 = tpu.memref_slice %arg2[%dma_wait3A_60, %add3A_57] : memref<200x16384xi32, #tpu.memory_space<hbm>> -> memref<104x128xi32, #tpu.memory_space<hbm>>
    tpu.wait_dma2 semaphore(%arg15 : memref<!tpu.dma_semaphore, #tpu.memory_space<semaphore_mem>>) src(%dma_wait3A_61 : memref<104x128xi32, #tpu.memory_space<hbm>>) dst(%arg7 : memref<104x128xi32, #tpu.memory_space<vmem>>)
    %scan3A_62 = arith.constant 0 : i32
    %scan3A_63 = arith.constant 0 : i32
    %scan3A_64 = arith.constant 104 : i32
    %scan3A_65 = arith.addi %scan3A_63, %scan3A_64 : i32
    %scan3A_66 = arith.constant 8 : i32
    scf.for %scan3A_551 = %scan3A_63 to %scan3A_65 step %scan3A_66  : i32 {
      %dma_start3A_552 = arith.constant 0 : i32
      %dma_start3A_553 = tpu.memref_slice %arg9[%scan3A_551, %dma_start3A_552] : memref<104x128xf32, #tpu.memory_space<vmem>> -> memref<1x128xf32, #tpu.memory_space<vmem>>
      %dma_start3A_554 = tpu.memref_squeeze %dma_start3A_553 : memref<1x128xf32, #tpu.memory_space<vmem>> -> memref<128xf32, #tpu.memory_space<vmem>>
      %dma_start3A_555 = arith.constant 0 : i32
      %dma_start3A_556 = tpu.memref_slice %arg7[%scan3A_551, %dma_start3A_555] : memref<104x128xi32, #tpu.memory_space<vmem>> -> memref<1x128xi32, #tpu.memory_space<vmem>>
      %dma_start3A_557 = tpu.memref_squeeze %dma_start3A_556 : memref<1x128xi32, #tpu.memory_space<vmem>> -> memref<128xi32, #tpu.memory_space<vmem>>
      %dma_start3A_558 = arith.constant 0 : i32
      %dma_start3A_559 = tpu.memref_slice %arg13[%dma_start3A_558] : memref<1048576xf32, #tpu.memory_space<vmem_shared>> -> memref<1048576xf32, #tpu.memory_space<vmem_shared>>
      tpu.enqueue_indirect_dma source(%dma_start3A_559 : memref<1048576xf32, #tpu.memory_space<vmem_shared>>) target(%dma_start3A_554 : memref<128xf32, #tpu.memory_space<vmem>>) offsets(%dma_start3A_557 : memref<128xi32, #tpu.memory_space<vmem>>) semaphore(%arg17 : memref<!tpu.dma_semaphore, #tpu.memory_space<semaphore_mem>>)
      %scan3A_560 = arith.constant 1 : i32
      %scan3A_561 = arith.addi %scan3A_551, %scan3A_560 : i32
      %dma_start3A_562 = arith.constant 0 : i32
      %dma_start3A_563 = tpu.memref_slice %arg9[%scan3A_561, %dma_start3A_562] : memref<104x128xf32, #tpu.memory_space<vmem>> -> memref<1x128xf32, #tpu.memory_space<vmem>>
      %dma_start3A_564 = tpu.memref_squeeze %dma_start3A_563 : memref<1x128xf32, #tpu.memory_space<vmem>> -> memref<128xf32, #tpu.memory_space<vmem>>
      %dma_start3A_565 = arith.constant 0 : i32
      %dma_start3A_566 = tpu.memref_slice %arg7[%scan3A_561, %dma_start3A_565] : memref<104x128xi32, #tpu.memory_space<vmem>> -> memref<1x128xi32, #tpu.memory_space<vmem>>
      %dma_start3A_567 = tpu.memref_squeeze %dma_start3A_566 : memref<1x128xi32, #tpu.memory_space<vmem>> -> memref<128xi32, #tpu.memory_space<vmem>>
      %dma_start3A_568 = arith.constant 0 : i32
      %dma_start3A_569 = tpu.memref_slice %arg13[%dma_start3A_568] : memref<1048576xf32, #tpu.memory_space<vmem_shared>> -> memref<1048576xf32, #tpu.memory_space<vmem_shared>>
      tpu.enqueue_indirect_dma source(%dma_start3A_569 : memref<1048576xf32, #tpu.memory_space<vmem_shared>>) target(%dma_start3A_564 : memref<128xf32, #tpu.memory_space<vmem>>) offsets(%dma_start3A_567 : memref<128xi32, #tpu.memory_space<vmem>>) semaphore(%arg17 : memref<!tpu.dma_semaphore, #tpu.memory_space<semaphore_mem>>)
      %scan3A_570 = arith.constant 2 : i32
      %scan3A_571 = arith.addi %scan3A_551, %scan3A_570 : i32
      %dma_start3A_572 = arith.constant 0 : i32
      %dma_start3A_573 = tpu.memref_slice %arg9[%scan3A_571, %dma_start3A_572] : memref<104x128xf32, #tpu.memory_space<vmem>> -> memref<1x128xf32, #tpu.memory_space<vmem>>
      %dma_start3A_574 = tpu.memref_squeeze %dma_start3A_573 : memref<1x128xf32, #tpu.memory_space<vmem>> -> memref<128xf32, #tpu.memory_space<vmem>>
      %dma_start3A_575 = arith.constant 0 : i32
      %dma_start3A_576 = tpu.memref_slice %arg7[%scan3A_571, %dma_start3A_575] : memref<104x128xi32, #tpu.memory_space<vmem>> -> memref<1x128xi32, #tpu.memory_space<vmem>>
      %dma_start3A_577 = tpu.memref_squeeze %dma_start3A_576 : memref<1x128xi32, #tpu.memory_space<vmem>> -> memref<128xi32, #tpu.memory_space<vmem>>
      %dma_start3A_578 = arith.constant 0 : i32
      %dma_start3A_579 = tpu.memref_slice %arg13[%dma_start3A_578] : memref<1048576xf32, #tpu.memory_space<vmem_shared>> -> memref<1048576xf32, #tpu.memory_space<vmem_shared>>
      tpu.enqueue_indirect_dma source(%dma_start3A_579 : memref<1048576xf32, #tpu.memory_space<vmem_shared>>) target(%dma_start3A_574 : memref<128xf32, #tpu.memory_space<vmem>>) offsets(%dma_start3A_577 : memref<128xi32, #tpu.memory_space<vmem>>) semaphore(%arg17 : memref<!tpu.dma_semaphore, #tpu.memory_space<semaphore_mem>>)
      %scan3A_580 = arith.constant 3 : i32
      %scan3A_581 = arith.addi %scan3A_551, %scan3A_580 : i32
      %dma_start3A_582 = arith.constant 0 : i32
      %dma_start3A_583 = tpu.memref_slice %arg9[%scan3A_581, %dma_start3A_582] : memref<104x128xf32, #tpu.memory_space<vmem>> -> memref<1x128xf32, #tpu.memory_space<vmem>>
      %dma_start3A_584 = tpu.memref_squeeze %dma_start3A_583 : memref<1x128xf32, #tpu.memory_space<vmem>> -> memref<128xf32, #tpu.memory_space<vmem>>
      %dma_start3A_585 = arith.constant 0 : i32
      %dma_start3A_586 = tpu.memref_slice %arg7[%scan3A_581, %dma_start3A_585] : memref<104x128xi32, #tpu.memory_space<vmem>> -> memref<1x128xi32, #tpu.memory_space<vmem>>
      %dma_start3A_587 = tpu.memref_squeeze %dma_start3A_586 : memref<1x128xi32, #tpu.memory_space<vmem>> -> memref<128xi32, #tpu.memory_space<vmem>>
      %dma_start3A_588 = arith.constant 0 : i32
      %dma_start3A_589 = tpu.memref_slice %arg13[%dma_start3A_588] : memref<1048576xf32, #tpu.memory_space<vmem_shared>> -> memref<1048576xf32, #tpu.memory_space<vmem_shared>>
      tpu.enqueue_indirect_dma source(%dma_start3A_589 : memref<1048576xf32, #tpu.memory_space<vmem_shared>>) target(%dma_start3A_584 : memref<128xf32, #tpu.memory_space<vmem>>) offsets(%dma_start3A_587 : memref<128xi32, #tpu.memory_space<vmem>>) semaphore(%arg17 : memref<!tpu.dma_semaphore, #tpu.memory_space<semaphore_mem>>)
      %scan3A_590 = arith.constant 4 : i32
      %scan3A_591 = arith.addi %scan3A_551, %scan3A_590 : i32
      %dma_start3A_592 = arith.constant 0 : i32
      %dma_start3A_593 = tpu.memref_slice %arg9[%scan3A_591, %dma_start3A_592] : memref<104x128xf32, #tpu.memory_space<vmem>> -> memref<1x128xf32, #tpu.memory_space<vmem>>
      %dma_start3A_594 = tpu.memref_squeeze %dma_start3A_593 : memref<1x128xf32, #tpu.memory_space<vmem>> -> memref<128xf32, #tpu.memory_space<vmem>>
      %dma_start3A_595 = arith.constant 0 : i32
      %dma_start3A_596 = tpu.memref_slice %arg7[%scan3A_591, %dma_start3A_595] : memref<104x128xi32, #tpu.memory_space<vmem>> -> memref<1x128xi32, #tpu.memory_space<vmem>>
      %dma_start3A_597 = tpu.memref_squeeze %dma_start3A_596 : memref<1x128xi32, #tpu.memory_space<vmem>> -> memref<128xi32, #tpu.memory_space<vmem>>
      %dma_start3A_598 = arith.constant 0 : i32
      %dma_start3A_599 = tpu.memref_slice %arg13[%dma_start3A_598] : memref<1048576xf32, #tpu.memory_space<vmem_shared>> -> memref<1048576xf32, #tpu.memory_space<vmem_shared>>
      tpu.enqueue_indirect_dma source(%dma_start3A_599 : memref<1048576xf32, #tpu.memory_space<vmem_shared>>) target(%dma_start3A_594 : memref<128xf32, #tpu.memory_space<vmem>>) offsets(%dma_start3A_597 : memref<128xi32, #tpu.memory_space<vmem>>) semaphore(%arg17 : memref<!tpu.dma_semaphore, #tpu.memory_space<semaphore_mem>>)
      %scan3A_600 = arith.constant 5 : i32
      %scan3A_601 = arith.addi %scan3A_551, %scan3A_600 : i32
      %dma_start3A_602 = arith.constant 0 : i32
      %dma_start3A_603 = tpu.memref_slice %arg9[%scan3A_601, %dma_start3A_602] : memref<104x128xf32, #tpu.memory_space<vmem>> -> memref<1x128xf32, #tpu.memory_space<vmem>>
      %dma_start3A_604 = tpu.memref_squeeze %dma_start3A_603 : memref<1x128xf32, #tpu.memory_space<vmem>> -> memref<128xf32, #tpu.memory_space<vmem>>
      %dma_start3A_605 = arith.constant 0 : i32
      %dma_start3A_606 = tpu.memref_slice %arg7[%scan3A_601, %dma_start3A_605] : memref<104x128xi32, #tpu.memory_space<vmem>> -> memref<1x128xi32, #tpu.memory_space<vmem>>
      %dma_start3A_607 = tpu.memref_squeeze %dma_start3A_606 : memref<1x128xi32, #tpu.memory_space<vmem>> -> memref<128xi32, #tpu.memory_space<vmem>>
      %dma_start3A_608 = arith.constant 0 : i32
      %dma_start3A_609 = tpu.memref_slice %arg13[%dma_start3A_608] : memref<1048576xf32, #tpu.memory_space<vmem_shared>> -> memref<1048576xf32, #tpu.memory_space<vmem_shared>>
      tpu.enqueue_indirect_dma source(%dma_start3A_609 : memref<1048576xf32, #tpu.memory_space<vmem_shared>>) target(%dma_start3A_604 : memref<128xf32, #tpu.memory_space<vmem>>) offsets(%dma_start3A_607 : memref<128xi32, #tpu.memory_space<vmem>>) semaphore(%arg17 : memref<!tpu.dma_semaphore, #tpu.memory_space<semaphore_mem>>)
      %scan3A_610 = arith.constant 6 : i32
      %scan3A_611 = arith.addi %scan3A_551, %scan3A_610 : i32
      %dma_start3A_612 = arith.constant 0 : i32
      %dma_start3A_613 = tpu.memref_slice %arg9[%scan3A_611, %dma_start3A_612] : memref<104x128xf32, #tpu.memory_space<vmem>> -> memref<1x128xf32, #tpu.memory_space<vmem>>
      %dma_start3A_614 = tpu.memref_squeeze %dma_start3A_613 : memref<1x128xf32, #tpu.memory_space<vmem>> -> memref<128xf32, #tpu.memory_space<vmem>>
      %dma_start3A_615 = arith.constant 0 : i32
      %dma_start3A_616 = tpu.memref_slice %arg7[%scan3A_611, %dma_start3A_615] : memref<104x128xi32, #tpu.memory_space<vmem>> -> memref<1x128xi32, #tpu.memory_space<vmem>>
      %dma_start3A_617 = tpu.memref_squeeze %dma_start3A_616 : memref<1x128xi32, #tpu.memory_space<vmem>> -> memref<128xi32, #tpu.memory_space<vmem>>
      %dma_start3A_618 = arith.constant 0 : i32
      %dma_start3A_619 = tpu.memref_slice %arg13[%dma_start3A_618] : memref<1048576xf32, #tpu.memory_space<vmem_shared>> -> memref<1048576xf32, #tpu.memory_space<vmem_shared>>
      tpu.enqueue_indirect_dma source(%dma_start3A_619 : memref<1048576xf32, #tpu.memory_space<vmem_shared>>) target(%dma_start3A_614 : memref<128xf32, #tpu.memory_space<vmem>>) offsets(%dma_start3A_617 : memref<128xi32, #tpu.memory_space<vmem>>) semaphore(%arg17 : memref<!tpu.dma_semaphore, #tpu.memory_space<semaphore_mem>>)
      %scan3A_620 = arith.constant 7 : i32
      %scan3A_621 = arith.addi %scan3A_551, %scan3A_620 : i32
      %dma_start3A_622 = arith.constant 0 : i32
      %dma_start3A_623 = tpu.memref_slice %arg9[%scan3A_621, %dma_start3A_622] : memref<104x128xf32, #tpu.memory_space<vmem>> -> memref<1x128xf32, #tpu.memory_space<vmem>>
      %dma_start3A_624 = tpu.memref_squeeze %dma_start3A_623 : memref<1x128xf32, #tpu.memory_space<vmem>> -> memref<128xf32, #tpu.memory_space<vmem>>
      %dma_start3A_625 = arith.constant 0 : i32
      %dma_start3A_626 = tpu.memref_slice %arg7[%scan3A_621, %dma_start3A_625] : memref<104x128xi32, #tpu.memory_space<vmem>> -> memref<1x128xi32, #tpu.memory_space<vmem>>
      %dma_start3A_627 = tpu.memref_squeeze %dma_start3A_626 : memref<1x128xi32, #tpu.memory_space<vmem>> -> memref<128xi32, #tpu.memory_space<vmem>>
      %dma_start3A_628 = arith.constant 0 : i32
      %dma_start3A_629 = tpu.memref_slice %arg13[%dma_start3A_628] : memref<1048576xf32, #tpu.memory_space<vmem_shared>> -> memref<1048576xf32, #tpu.memory_space<vmem_shared>>
      tpu.enqueue_indirect_dma source(%dma_start3A_629 : memref<1048576xf32, #tpu.memory_space<vmem_shared>>) target(%dma_start3A_624 : memref<128xf32, #tpu.memory_space<vmem>>) offsets(%dma_start3A_627 : memref<128xi32, #tpu.memory_space<vmem>>) semaphore(%arg17 : memref<!tpu.dma_semaphore, #tpu.memory_space<semaphore_mem>>)
    }
    %scan3A_67 = arith.constant 104 : i32
    %scan3A_68 = arith.constant 0 : i32
    %scan3A_69 = arith.constant 0 : i32
    %scan3A_70 = arith.constant 4 : i32
    %scan3A_71 = arith.addi %scan3A_69, %scan3A_70 : i32
    %scan3A_72 = arith.constant 1 : i32
    scf.for %scan3A_551 = %scan3A_69 to %scan3A_71 step %scan3A_72  : i32 {
      %dma_wait3A_552 = arith.constant 0 : i32
      %dma_wait3A_553 = tpu.memref_slice %arg2[%dma_wait3A_552, %mul3A_2] : memref<200x16384xi32, #tpu.memory_space<hbm>> -> memref<96x128xi32, #tpu.memory_space<hbm>>
      %dma_wait3A_554 = arith.constant 0 : i32
      %dma_wait3A_555 = tpu.memref_slice %arg2[%dma_wait3A_554, %mul3A_2] : memref<200x16384xi32, #tpu.memory_space<hbm>> -> memref<96x128xi32, #tpu.memory_space<hbm>>
      tpu.wait_dma2 semaphore(%arg16 : memref<!tpu.dma_semaphore, #tpu.memory_space<semaphore_mem>>) src(%dma_wait3A_555 : memref<96x128xi32, #tpu.memory_space<hbm>>) dst(%arg8 : memref<96x128xf32, #tpu.memory_space<vmem>>)
      %add3A_556 = arith.constant 1 : i32
      %add3A_557 = arith.addi %scan3A_551, %add3A_556 : i32
      %lt3A = arith.constant 4 : i32
      %lt3A_558 = arith.cmpi slt, %add3A_557, %lt3A : i32
      %convert_element_type3A = arith.extui %lt3A_558 : i1 to i32
      %cond3A = arith.constant 0 : i32
      %cond3A_559 = arith.cmpi ne, %convert_element_type3A, %cond3A : i32
      scf.if %cond3A_559 {
        %add3A_713 = arith.constant 1 : i32
        %add3A_714 = arith.addi %scan3A_551, %add3A_713 : i32
        %mul3A_715 = arith.constant 128 : i32
        %mul3A_716 = arith.muli %add3A_714, %mul3A_715 : i32
        %add3A_717 = arith.addi %mul3A_2, %mul3A_716 : i32
        %dma_start3A_718 = arith.constant 0 : i32
        %dma_start3A_719 = tpu.memref_slice %arg2[%dma_start3A_718, %add3A_717] : memref<200x16384xi32, #tpu.memory_space<hbm>> -> memref<96x128xi32, #tpu.memory_space<hbm>>
        %dma_start3A_720 = arith.constant 0 : i32
        %dma_start3A_721 = tpu.memref_slice %arg2[%dma_start3A_720, %add3A_717] : memref<200x16384xi32, #tpu.memory_space<hbm>> -> memref<96x128xi32, #tpu.memory_space<hbm>>
        tpu.enqueue_dma source(%dma_start3A_721 : memref<96x128xi32, #tpu.memory_space<hbm>>) target(%arg6 : memref<96x128xi32, #tpu.memory_space<vmem>>) target_semaphore(%arg14 : memref<!tpu.dma_semaphore, #tpu.memory_space<semaphore_mem>>)
      } else {
      }
      %broadcast_in_dim3A = arith.constant 0.000000e+00 : f32
      %broadcast_in_dim3A_560 = vector.broadcast %broadcast_in_dim3A : f32 to vector<16xf32>
      %scan3A_561 = arith.constant 0 : i32
      %scan3A_562 = arith.constant 96 : i32
      %scan3A_563 = arith.addi %scan3A_561, %scan3A_562 : i32
      %scan3A_564 = arith.constant 4 : i32
      %scan3A_565:8 = scf.for %scan3A_713 = %scan3A_561 to %scan3A_563 step %scan3A_564 iter_args(%scan3A_714 = %broadcast_in_dim3A_560, %scan3A_715 = %broadcast_in_dim3A_560, %scan3A_716 = %broadcast_in_dim3A_560, %scan3A_717 = %broadcast_in_dim3A_560, %scan3A_718 = %broadcast_in_dim3A_560, %scan3A_719 = %broadcast_in_dim3A_560, %scan3A_720 = %broadcast_in_dim3A_560, %scan3A_721 = %broadcast_in_dim3A_560) -> (vector<16xf32>, vector<16xf32>, vector<16xf32>, vector<16xf32>, vector<16xf32>, vector<16xf32>, vector<16xf32>, vector<16xf32>)  : i32 {
        %get3A_722 = arith.index_cast %scan3A_713 : i32 to index
        %get3A_723 = arith.constant 0 : index
        %get3A_724 = tpu.vector_load %arg8[%get3A_722, %get3A_723] {strides = array<i32>} : memref<96x128xf32, #tpu.memory_space<vmem>>, vector<16xf32>,
        %add3A_725 = arith.addf %scan3A_714, %get3A_724 : vector<16xf32>
        %get3A_726 = arith.index_cast %scan3A_713 : i32 to index
        %get3A_727 = arith.constant 16 : index
        %get3A_728 = tpu.vector_load %arg8[%get3A_726, %get3A_727] {strides = array<i32>} : memref<96x128xf32, #tpu.memory_space<vmem>>, vector<16xf32>,
        %add3A_729 = arith.addf %scan3A_715, %get3A_728 : vector<16xf32>
        %get3A_730 = arith.index_cast %scan3A_713 : i32 to index
        %get3A_731 = arith.constant 32 : index
        %get3A_732 = tpu.vector_load %arg8[%get3A_730, %get3A_731] {strides = array<i32>} : memref<96x128xf32, #tpu.memory_space<vmem>>, vector<16xf32>,
        %add3A_733 = arith.addf %scan3A_716, %get3A_732 : vector<16xf32>
        %get3A_734 = arith.index_cast %scan3A_713 : i32 to index
        %get3A_735 = arith.constant 48 : index
        %get3A_736 = tpu.vector_load %arg8[%get3A_734, %get3A_735] {strides = array<i32>} : memref<96x128xf32, #tpu.memory_space<vmem>>, vector<16xf32>,
        %add3A_737 = arith.addf %scan3A_717, %get3A_736 : vector<16xf32>
        %get3A_738 = arith.index_cast %scan3A_713 : i32 to index
        %get3A_739 = arith.constant 64 : index
        %get3A_740 = tpu.vector_load %arg8[%get3A_738, %get3A_739] {strides = array<i32>} : memref<96x128xf32, #tpu.memory_space<vmem>>, vector<16xf32>,
        %add3A_741 = arith.addf %scan3A_718, %get3A_740 : vector<16xf32>
        %get3A_742 = arith.index_cast %scan3A_713 : i32 to index
        %get3A_743 = arith.constant 80 : index
        %get3A_744 = tpu.vector_load %arg8[%get3A_742, %get3A_743] {strides = array<i32>} : memref<96x128xf32, #tpu.memory_space<vmem>>, vector<16xf32>,
        %add3A_745 = arith.addf %scan3A_719, %get3A_744 : vector<16xf32>
        %get3A_746 = arith.index_cast %scan3A_713 : i32 to index
        %get3A_747 = arith.constant 96 : index
        %get3A_748 = tpu.vector_load %arg8[%get3A_746, %get3A_747] {strides = array<i32>} : memref<96x128xf32, #tpu.memory_space<vmem>>, vector<16xf32>,
        %add3A_749 = arith.addf %scan3A_720, %get3A_748 : vector<16xf32>
        %get3A_750 = arith.index_cast %scan3A_713 : i32 to index
        %get3A_751 = arith.constant 112 : index
        %get3A_752 = tpu.vector_load %arg8[%get3A_750, %get3A_751] {strides = array<i32>} : memref<96x128xf32, #tpu.memory_space<vmem>>, vector<16xf32>,
        %add3A_753 = arith.addf %scan3A_721, %get3A_752 : vector<16xf32>
        %scan3A_754 = arith.constant 1 : i32
        %scan3A_755 = arith.addi %scan3A_713, %scan3A_754 : i32
        %get3A_756 = arith.index_cast %scan3A_755 : i32 to index
        %get3A_757 = arith.constant 0 : index
        %get3A_758 = tpu.vector_load %arg8[%get3A_756, %get3A_757] {strides = array<i32>} : memref<96x128xf32, #tpu.memory_space<vmem>>, vector<16xf32>,
        %add3A_759 = arith.addf %add3A_725, %get3A_758 : vector<16xf32>
        %get3A_760 = arith.index_cast %scan3A_755 : i32 to index
        %get3A_761 = arith.constant 16 : index
        %get3A_762 = tpu.vector_load %arg8[%get3A_760, %get3A_761] {strides = array<i32>} : memref<96x128xf32, #tpu.memory_space<vmem>>, vector<16xf32>,
        %add3A_763 = arith.addf %add3A_729, %get3A_762 : vector<16xf32>
        %get3A_764 = arith.index_cast %scan3A_755 : i32 to index
        %get3A_765 = arith.constant 32 : index
        %get3A_766 = tpu.vector_load %arg8[%get3A_764, %get3A_765] {strides = array<i32>} : memref<96x128xf32, #tpu.memory_space<vmem>>, vector<16xf32>,
        %add3A_767 = arith.addf %add3A_733, %get3A_766 : vector<16xf32>
        %get3A_768 = arith.index_cast %scan3A_755 : i32 to index
        %get3A_769 = arith.constant 48 : index
        %get3A_770 = tpu.vector_load %arg8[%get3A_768, %get3A_769] {strides = array<i32>} : memref<96x128xf32, #tpu.memory_space<vmem>>, vector<16xf32>,
        %add3A_771 = arith.addf %add3A_737, %get3A_770 : vector<16xf32>
        %get3A_772 = arith.index_cast %scan3A_755 : i32 to index
        %get3A_773 = arith.constant 64 : index
        %get3A_774 = tpu.vector_load %arg8[%get3A_772, %get3A_773] {strides = array<i32>} : memref<96x128xf32, #tpu.memory_space<vmem>>, vector<16xf32>,
        %add3A_775 = arith.addf %add3A_741, %get3A_774 : vector<16xf32>
        %get3A_776 = arith.index_cast %scan3A_755 : i32 to index
        %get3A_777 = arith.constant 80 : index
        %get3A_778 = tpu.vector_load %arg8[%get3A_776, %get3A_777] {strides = array<i32>} : memref<96x128xf32, #tpu.memory_space<vmem>>, vector<16xf32>,
        %add3A_779 = arith.addf %add3A_745, %get3A_778 : vector<16xf32>
        %get3A_780 = arith.index_cast %scan3A_755 : i32 to index
        %get3A_781 = arith.constant 96 : index
        %get3A_782 = tpu.vector_load %arg8[%get3A_780, %get3A_781] {strides = array<i32>} : memref<96x128xf32, #tpu.memory_space<vmem>>, vector<16xf32>,
        %add3A_783 = arith.addf %add3A_749, %get3A_782 : vector<16xf32>
        %get3A_784 = arith.index_cast %scan3A_755 : i32 to index
        %get3A_785 = arith.constant 112 : index
        %get3A_786 = tpu.vector_load %arg8[%get3A_784, %get3A_785] {strides = array<i32>} : memref<96x128xf32, #tpu.memory_space<vmem>>, vector<16xf32>,
        %add3A_787 = arith.addf %add3A_753, %get3A_786 : vector<16xf32>
        %scan3A_788 = arith.constant 2 : i32
        %scan3A_789 = arith.addi %scan3A_713, %scan3A_788 : i32
        %get3A_790 = arith.index_cast %scan3A_789 : i32 to index
        %get3A_791 = arith.constant 0 : index
        %get3A_792 = tpu.vector_load %arg8[%get3A_790, %get3A_791] {strides = array<i32>} : memref<96x128xf32, #tpu.memory_space<vmem>>, vector<16xf32>,
        %add3A_793 = arith.addf %add3A_759, %get3A_792 : vector<16xf32>
        %get3A_794 = arith.index_cast %scan3A_789 : i32 to index
        %get3A_795 = arith.constant 16 : index
        %get3A_796 = tpu.vector_load %arg8[%get3A_794, %get3A_795] {strides = array<i32>} : memref<96x128xf32, #tpu.memory_space<vmem>>, vector<16xf32>,
        %add3A_797 = arith.addf %add3A_763, %get3A_796 : vector<16xf32>
        %get3A_798 = arith.index_cast %scan3A_789 : i32 to index
        %get3A_799 = arith.constant 32 : index
        %get3A_800 = tpu.vector_load %arg8[%get3A_798, %get3A_799] {strides = array<i32>} : memref<96x128xf32, #tpu.memory_space<vmem>>, vector<16xf32>,
        %add3A_801 = arith.addf %add3A_767, %get3A_800 : vector<16xf32>
        %get3A_802 = arith.index_cast %scan3A_789 : i32 to index
        %get3A_803 = arith.constant 48 : index
        %get3A_804 = tpu.vector_load %arg8[%get3A_802, %get3A_803] {strides = array<i32>} : memref<96x128xf32, #tpu.memory_space<vmem>>, vector<16xf32>,
        %add3A_805 = arith.addf %add3A_771, %get3A_804 : vector<16xf32>
        %get3A_806 = arith.index_cast %scan3A_789 : i32 to index
        %get3A_807 = arith.constant 64 : index
        %get3A_808 = tpu.vector_load %arg8[%get3A_806, %get3A_807] {strides = array<i32>} : memref<96x128xf32, #tpu.memory_space<vmem>>, vector<16xf32>,
        %add3A_809 = arith.addf %add3A_775, %get3A_808 : vector<16xf32>
        %get3A_810 = arith.index_cast %scan3A_789 : i32 to index
        %get3A_811 = arith.constant 80 : index
        %get3A_812 = tpu.vector_load %arg8[%get3A_810, %get3A_811] {strides = array<i32>} : memref<96x128xf32, #tpu.memory_space<vmem>>, vector<16xf32>,
        %add3A_813 = arith.addf %add3A_779, %get3A_812 : vector<16xf32>
        %get3A_814 = arith.index_cast %scan3A_789 : i32 to index
        %get3A_815 = arith.constant 96 : index
        %get3A_816 = tpu.vector_load %arg8[%get3A_814, %get3A_815] {strides = array<i32>} : memref<96x128xf32, #tpu.memory_space<vmem>>, vector<16xf32>,
        %add3A_817 = arith.addf %add3A_783, %get3A_816 : vector<16xf32>
        %get3A_818 = arith.index_cast %scan3A_789 : i32 to index
        %get3A_819 = arith.constant 112 : index
        %get3A_820 = tpu.vector_load %arg8[%get3A_818, %get3A_819] {strides = array<i32>} : memref<96x128xf32, #tpu.memory_space<vmem>>, vector<16xf32>,
        %add3A_821 = arith.addf %add3A_787, %get3A_820 : vector<16xf32>
        %scan3A_822 = arith.constant 3 : i32
        %scan3A_823 = arith.addi %scan3A_713, %scan3A_822 : i32
        %get3A_824 = arith.index_cast %scan3A_823 : i32 to index
        %get3A_825 = arith.constant 0 : index
        %get3A_826 = tpu.vector_load %arg8[%get3A_824, %get3A_825] {strides = array<i32>} : memref<96x128xf32, #tpu.memory_space<vmem>>, vector<16xf32>,
        %add3A_827 = arith.addf %add3A_793, %get3A_826 : vector<16xf32>
        %get3A_828 = arith.index_cast %scan3A_823 : i32 to index
        %get3A_829 = arith.constant 16 : index
        %get3A_830 = tpu.vector_load %arg8[%get3A_828, %get3A_829] {strides = array<i32>} : memref<96x128xf32, #tpu.memory_space<vmem>>, vector<16xf32>,
        %add3A_831 = arith.addf %add3A_797, %get3A_830 : vector<16xf32>
        %get3A_832 = arith.index_cast %scan3A_823 : i32 to index
        %get3A_833 = arith.constant 32 : index
        %get3A_834 = tpu.vector_load %arg8[%get3A_832, %get3A_833] {strides = array<i32>} : memref<96x128xf32, #tpu.memory_space<vmem>>, vector<16xf32>,
        %add3A_835 = arith.addf %add3A_801, %get3A_834 : vector<16xf32>
        %get3A_836 = arith.index_cast %scan3A_823 : i32 to index
        %get3A_837 = arith.constant 48 : index
        %get3A_838 = tpu.vector_load %arg8[%get3A_836, %get3A_837] {strides = array<i32>} : memref<96x128xf32, #tpu.memory_space<vmem>>, vector<16xf32>,
        %add3A_839 = arith.addf %add3A_805, %get3A_838 : vector<16xf32>
        %get3A_840 = arith.index_cast %scan3A_823 : i32 to index
        %get3A_841 = arith.constant 64 : index
        %get3A_842 = tpu.vector_load %arg8[%get3A_840, %get3A_841] {strides = array<i32>} : memref<96x128xf32, #tpu.memory_space<vmem>>, vector<16xf32>,
        %add3A_843 = arith.addf %add3A_809, %get3A_842 : vector<16xf32>
        %get3A_844 = arith.index_cast %scan3A_823 : i32 to index
        %get3A_845 = arith.constant 80 : index
        %get3A_846 = tpu.vector_load %arg8[%get3A_844, %get3A_845] {strides = array<i32>} : memref<96x128xf32, #tpu.memory_space<vmem>>, vector<16xf32>,
        %add3A_847 = arith.addf %add3A_813, %get3A_846 : vector<16xf32>
        %get3A_848 = arith.index_cast %scan3A_823 : i32 to index
        %get3A_849 = arith.constant 96 : index
        %get3A_850 = tpu.vector_load %arg8[%get3A_848, %get3A_849] {strides = array<i32>} : memref<96x128xf32, #tpu.memory_space<vmem>>, vector<16xf32>,
        %add3A_851 = arith.addf %add3A_817, %get3A_850 : vector<16xf32>
        %get3A_852 = arith.index_cast %scan3A_823 : i32 to index
        %get3A_853 = arith.constant 112 : index
        %get3A_854 = tpu.vector_load %arg8[%get3A_852, %get3A_853] {strides = array<i32>} : memref<96x128xf32, #tpu.memory_space<vmem>>, vector<16xf32>,
        %add3A_855 = arith.addf %add3A_821, %get3A_854 : vector<16xf32>
        scf.yield %add3A_827, %add3A_831, %add3A_835, %add3A_839, %add3A_843, %add3A_847, %add3A_851, %add3A_855 : vector<16xf32>, vector<16xf32>, vector<16xf32>, vector<16xf32>, vector<16xf32>, vector<16xf32>, vector<16xf32>, vector<16xf32>
      }
      %scan3A_566 = arith.constant 96 : i32
      %mul3A_567 = arith.constant 128 : i32
      %mul3A_568 = arith.muli %scan3A_551, %mul3A_567 : i32
      %add3A_569 = arith.constant 0 : i32
      %add3A_570 = arith.addi %mul3A_568, %add3A_569 : i32
      %swap3A_571 = arith.index_cast %add3A_570 : i32 to index
      %swap3A_572 = tpu.vector_load %arg11[%swap3A_571] {strides = array<i32>} : memref<512xf32, #tpu.memory_space<vmem>>, vector<16xf32>,
      tpu.vector_store %arg11[%swap3A_571], %scan3A_565#0 {strides = array<i32>} : memref<512xf32, #tpu.memory_space<vmem>>, vector<16xf32>,
      %mul3A_573 = arith.constant 128 : i32
      %mul3A_574 = arith.muli %scan3A_551, %mul3A_573 : i32
      %add3A_575 = arith.constant 16 : i32
      %add3A_576 = arith.addi %mul3A_574, %add3A_575 : i32
      %swap3A_577 = arith.index_cast %add3A_576 : i32 to index
      %swap3A_578 = tpu.vector_load %arg11[%swap3A_577] {strides = array<i32>} : memref<512xf32, #tpu.memory_space<vmem>>, vector<16xf32>,
      tpu.vector_store %arg11[%swap3A_577], %scan3A_565#1 {strides = array<i32>} : memref<512xf32, #tpu.memory_space<vmem>>, vector<16xf32>,
      %mul3A_579 = arith.constant 128 : i32
      %mul3A_580 = arith.muli %scan3A_551, %mul3A_579 : i32
      %add3A_581 = arith.constant 32 : i32
      %add3A_582 = arith.addi %mul3A_580, %add3A_581 : i32
      %swap3A_583 = arith.index_cast %add3A_582 : i32 to index
      %swap3A_584 = tpu.vector_load %arg11[%swap3A_583] {strides = array<i32>} : memref<512xf32, #tpu.memory_space<vmem>>, vector<16xf32>,
      tpu.vector_store %arg11[%swap3A_583], %scan3A_565#2 {strides = array<i32>} : memref<512xf32, #tpu.memory_space<vmem>>, vector<16xf32>,
      %mul3A_585 = arith.constant 128 : i32
      %mul3A_586 = arith.muli %scan3A_551, %mul3A_585 : i32
      %add3A_587 = arith.constant 48 : i32
      %add3A_588 = arith.addi %mul3A_586, %add3A_587 : i32
      %swap3A_589 = arith.index_cast %add3A_588 : i32 to index
      %swap3A_590 = tpu.vector_load %arg11[%swap3A_589] {strides = array<i32>} : memref<512xf32, #tpu.memory_space<vmem>>, vector<16xf32>,
      tpu.vector_store %arg11[%swap3A_589], %scan3A_565#3 {strides = array<i32>} : memref<512xf32, #tpu.memory_space<vmem>>, vector<16xf32>,
      %mul3A_591 = arith.constant 128 : i32
      %mul3A_592 = arith.muli %scan3A_551, %mul3A_591 : i32
      %add3A_593 = arith.constant 64 : i32
      %add3A_594 = arith.addi %mul3A_592, %add3A_593 : i32
      %swap3A_595 = arith.index_cast %add3A_594 : i32 to index
      %swap3A_596 = tpu.vector_load %arg11[%swap3A_595] {strides = array<i32>} : memref<512xf32, #tpu.memory_space<vmem>>, vector<16xf32>,
      tpu.vector_store %arg11[%swap3A_595], %scan3A_565#4 {strides = array<i32>} : memref<512xf32, #tpu.memory_space<vmem>>, vector<16xf32>,
      %mul3A_597 = arith.constant 128 : i32
      %mul3A_598 = arith.muli %scan3A_551, %mul3A_597 : i32
      %add3A_599 = arith.constant 80 : i32
      %add3A_600 = arith.addi %mul3A_598, %add3A_599 : i32
      %swap3A_601 = arith.index_cast %add3A_600 : i32 to index
      %swap3A_602 = tpu.vector_load %arg11[%swap3A_601] {strides = array<i32>} : memref<512xf32, #tpu.memory_space<vmem>>, vector<16xf32>,
      tpu.vector_store %arg11[%swap3A_601], %scan3A_565#5 {strides = array<i32>} : memref<512xf32, #tpu.memory_space<vmem>>, vector<16xf32>,
      %mul3A_603 = arith.constant 128 : i32
      %mul3A_604 = arith.muli %scan3A_551, %mul3A_603 : i32
      %add3A_605 = arith.constant 96 : i32
      %add3A_606 = arith.addi %mul3A_604, %add3A_605 : i32
      %swap3A_607 = arith.index_cast %add3A_606 : i32 to index
      %swap3A_608 = tpu.vector_load %arg11[%swap3A_607] {strides = array<i32>} : memref<512xf32, #tpu.memory_space<vmem>>, vector<16xf32>,
      tpu.vector_store %arg11[%swap3A_607], %scan3A_565#6 {strides = array<i32>} : memref<512xf32, #tpu.memory_space<vmem>>, vector<16xf32>,
      %mul3A_609 = arith.constant 128 : i32
      %mul3A_610 = arith.muli %scan3A_551, %mul3A_609 : i32
      %add3A_611 = arith.constant 112 : i32
      %add3A_612 = arith.addi %mul3A_610, %add3A_611 : i32
      %swap3A_613 = arith.index_cast %add3A_612 : i32 to index
      %swap3A_614 = tpu.vector_load %arg11[%swap3A_613] {strides = array<i32>} : memref<512xf32, #tpu.memory_space<vmem>>, vector<16xf32>,
      tpu.vector_store %arg11[%swap3A_613], %scan3A_565#7 {strides = array<i32>} : memref<512xf32, #tpu.memory_space<vmem>>, vector<16xf32>,
      %dma_wait3A_615 = arith.constant 96 : i32
      %dma_wait3A_616 = tpu.memref_slice %arg2[%dma_wait3A_615, %mul3A_2] : memref<200x16384xi32, #tpu.memory_space<hbm>> -> memref<104x128xi32, #tpu.memory_space<hbm>>
      %dma_wait3A_617 = arith.constant 96 : i32
      %dma_wait3A_618 = tpu.memref_slice %arg2[%dma_wait3A_617, %mul3A_2] : memref<200x16384xi32, #tpu.memory_space<hbm>> -> memref<104x128xi32, #tpu.memory_space<hbm>>
      tpu.wait_dma2 semaphore(%arg17 : memref<!tpu.dma_semaphore, #tpu.memory_space<semaphore_mem>>) src(%dma_wait3A_618 : memref<104x128xi32, #tpu.memory_space<hbm>>) dst(%arg9 : memref<104x128xf32, #tpu.memory_space<vmem>>)
      %add3A_619 = arith.constant 1 : i32
      %add3A_620 = arith.addi %scan3A_551, %add3A_619 : i32
      %lt3A_621 = arith.constant 4 : i32
      %lt3A_622 = arith.cmpi slt, %add3A_620, %lt3A_621 : i32
      %convert_element_type3A_623 = arith.extui %lt3A_622 : i1 to i32
      %cond3A_624 = arith.constant 0 : i32
      %cond3A_625 = arith.cmpi ne, %convert_element_type3A_623, %cond3A_624 : i32
      scf.if %cond3A_625 {
        %add3A_713 = arith.constant 1 : i32
        %add3A_714 = arith.addi %scan3A_551, %add3A_713 : i32
        %mul3A_715 = arith.constant 128 : i32
        %mul3A_716 = arith.muli %add3A_714, %mul3A_715 : i32
        %add3A_717 = arith.addi %mul3A_2, %mul3A_716 : i32
        %dma_start3A_718 = arith.constant 96 : i32
        %dma_start3A_719 = tpu.memref_slice %arg2[%dma_start3A_718, %add3A_717] : memref<200x16384xi32, #tpu.memory_space<hbm>> -> memref<104x128xi32, #tpu.memory_space<hbm>>
        %dma_start3A_720 = arith.constant 96 : i32
        %dma_start3A_721 = tpu.memref_slice %arg2[%dma_start3A_720, %add3A_717] : memref<200x16384xi32, #tpu.memory_space<hbm>> -> memref<104x128xi32, #tpu.memory_space<hbm>>
        tpu.enqueue_dma source(%dma_start3A_721 : memref<104x128xi32, #tpu.memory_space<hbm>>) target(%arg7 : memref<104x128xi32, #tpu.memory_space<vmem>>) target_semaphore(%arg15 : memref<!tpu.dma_semaphore, #tpu.memory_space<semaphore_mem>>)
        %add3A_722 = arith.constant 1 : i32
        %add3A_723 = arith.addi %scan3A_551, %add3A_722 : i32
        %mul3A_724 = arith.constant 128 : i32
        %mul3A_725 = arith.muli %add3A_723, %mul3A_724 : i32
        %add3A_726 = arith.addi %mul3A_2, %mul3A_725 : i32
        %dma_wait3A_727 = arith.constant 0 : i32
        %dma_wait3A_728 = tpu.memref_slice %arg2[%dma_wait3A_727, %add3A_726] : memref<200x16384xi32, #tpu.memory_space<hbm>> -> memref<96x128xi32, #tpu.memory_space<hbm>>
        %dma_wait3A_729 = arith.constant 0 : i32
        %dma_wait3A_730 = tpu.memref_slice %arg2[%dma_wait3A_729, %add3A_726] : memref<200x16384xi32, #tpu.memory_space<hbm>> -> memref<96x128xi32, #tpu.memory_space<hbm>>
        tpu.wait_dma2 semaphore(%arg14 : memref<!tpu.dma_semaphore, #tpu.memory_space<semaphore_mem>>) src(%dma_wait3A_730 : memref<96x128xi32, #tpu.memory_space<hbm>>) dst(%arg6 : memref<96x128xi32, #tpu.memory_space<vmem>>)
        %scan3A_731 = arith.constant 0 : i32
        %scan3A_732 = arith.constant 0 : i32
        %scan3A_733 = arith.constant 96 : i32
        %scan3A_734 = arith.addi %scan3A_732, %scan3A_733 : i32
        %scan3A_735 = arith.constant 8 : i32
        scf.for %scan3A_737 = %scan3A_732 to %scan3A_734 step %scan3A_735  : i32 {
          %dma_start3A_738 = arith.constant 0 : i32
          %dma_start3A_739 = tpu.memref_slice %arg8[%scan3A_737, %dma_start3A_738] : memref<96x128xf32, #tpu.memory_space<vmem>> -> memref<1x128xf32, #tpu.memory_space<vmem>>
          %dma_start3A_740 = tpu.memref_squeeze %dma_start3A_739 : memref<1x128xf32, #tpu.memory_space<vmem>> -> memref<128xf32, #tpu.memory_space<vmem>>
          %dma_start3A_741 = arith.constant 0 : i32
          %dma_start3A_742 = tpu.memref_slice %arg6[%scan3A_737, %dma_start3A_741] : memref<96x128xi32, #tpu.memory_space<vmem>> -> memref<1x128xi32, #tpu.memory_space<vmem>>
          %dma_start3A_743 = tpu.memref_squeeze %dma_start3A_742 : memref<1x128xi32, #tpu.memory_space<vmem>> -> memref<128xi32, #tpu.memory_space<vmem>>
          %dma_start3A_744 = arith.constant 0 : i32
          %dma_start3A_745 = tpu.memref_slice %arg13[%dma_start3A_744] : memref<1048576xf32, #tpu.memory_space<vmem_shared>> -> memref<1048576xf32, #tpu.memory_space<vmem_shared>>
          tpu.enqueue_indirect_dma source(%dma_start3A_745 : memref<1048576xf32, #tpu.memory_space<vmem_shared>>) target(%dma_start3A_740 : memref<128xf32, #tpu.memory_space<vmem>>) offsets(%dma_start3A_743 : memref<128xi32, #tpu.memory_space<vmem>>) semaphore(%arg16 : memref<!tpu.dma_semaphore, #tpu.memory_space<semaphore_mem>>)
          %scan3A_746 = arith.constant 1 : i32
          %scan3A_747 = arith.addi %scan3A_737, %scan3A_746 : i32
          %dma_start3A_748 = arith.constant 0 : i32
          %dma_start3A_749 = tpu.memref_slice %arg8[%scan3A_747, %dma_start3A_748] : memref<96x128xf32, #tpu.memory_space<vmem>> -> memref<1x128xf32, #tpu.memory_space<vmem>>
          %dma_start3A_750 = tpu.memref_squeeze %dma_start3A_749 : memref<1x128xf32, #tpu.memory_space<vmem>> -> memref<128xf32, #tpu.memory_space<vmem>>
          %dma_start3A_751 = arith.constant 0 : i32
          %dma_start3A_752 = tpu.memref_slice %arg6[%scan3A_747, %dma_start3A_751] : memref<96x128xi32, #tpu.memory_space<vmem>> -> memref<1x128xi32, #tpu.memory_space<vmem>>
          %dma_start3A_753 = tpu.memref_squeeze %dma_start3A_752 : memref<1x128xi32, #tpu.memory_space<vmem>> -> memref<128xi32, #tpu.memory_space<vmem>>
          %dma_start3A_754 = arith.constant 0 : i32
          %dma_start3A_755 = tpu.memref_slice %arg13[%dma_start3A_754] : memref<1048576xf32, #tpu.memory_space<vmem_shared>> -> memref<1048576xf32, #tpu.memory_space<vmem_shared>>
          tpu.enqueue_indirect_dma source(%dma_start3A_755 : memref<1048576xf32, #tpu.memory_space<vmem_shared>>) target(%dma_start3A_750 : memref<128xf32, #tpu.memory_space<vmem>>) offsets(%dma_start3A_753 : memref<128xi32, #tpu.memory_space<vmem>>) semaphore(%arg16 : memref<!tpu.dma_semaphore, #tpu.memory_space<semaphore_mem>>)
          %scan3A_756 = arith.constant 2 : i32
          %scan3A_757 = arith.addi %scan3A_737, %scan3A_756 : i32
          %dma_start3A_758 = arith.constant 0 : i32
          %dma_start3A_759 = tpu.memref_slice %arg8[%scan3A_757, %dma_start3A_758] : memref<96x128xf32, #tpu.memory_space<vmem>> -> memref<1x128xf32, #tpu.memory_space<vmem>>
          %dma_start3A_760 = tpu.memref_squeeze %dma_start3A_759 : memref<1x128xf32, #tpu.memory_space<vmem>> -> memref<128xf32, #tpu.memory_space<vmem>>
          %dma_start3A_761 = arith.constant 0 : i32
          %dma_start3A_762 = tpu.memref_slice %arg6[%scan3A_757, %dma_start3A_761] : memref<96x128xi32, #tpu.memory_space<vmem>> -> memref<1x128xi32, #tpu.memory_space<vmem>>
          %dma_start3A_763 = tpu.memref_squeeze %dma_start3A_762 : memref<1x128xi32, #tpu.memory_space<vmem>> -> memref<128xi32, #tpu.memory_space<vmem>>
          %dma_start3A_764 = arith.constant 0 : i32
          %dma_start3A_765 = tpu.memref_slice %arg13[%dma_start3A_764] : memref<1048576xf32, #tpu.memory_space<vmem_shared>> -> memref<1048576xf32, #tpu.memory_space<vmem_shared>>
          tpu.enqueue_indirect_dma source(%dma_start3A_765 : memref<1048576xf32, #tpu.memory_space<vmem_shared>>) target(%dma_start3A_760 : memref<128xf32, #tpu.memory_space<vmem>>) offsets(%dma_start3A_763 : memref<128xi32, #tpu.memory_space<vmem>>) semaphore(%arg16 : memref<!tpu.dma_semaphore, #tpu.memory_space<semaphore_mem>>)
          %scan3A_766 = arith.constant 3 : i32
          %scan3A_767 = arith.addi %scan3A_737, %scan3A_766 : i32
          %dma_start3A_768 = arith.constant 0 : i32
          %dma_start3A_769 = tpu.memref_slice %arg8[%scan3A_767, %dma_start3A_768] : memref<96x128xf32, #tpu.memory_space<vmem>> -> memref<1x128xf32, #tpu.memory_space<vmem>>
          %dma_start3A_770 = tpu.memref_squeeze %dma_start3A_769 : memref<1x128xf32, #tpu.memory_space<vmem>> -> memref<128xf32, #tpu.memory_space<vmem>>
          %dma_start3A_771 = arith.constant 0 : i32
          %dma_start3A_772 = tpu.memref_slice %arg6[%scan3A_767, %dma_start3A_771] : memref<96x128xi32, #tpu.memory_space<vmem>> -> memref<1x128xi32, #tpu.memory_space<vmem>>
          %dma_start3A_773 = tpu.memref_squeeze %dma_start3A_772 : memref<1x128xi32, #tpu.memory_space<vmem>> -> memref<128xi32, #tpu.memory_space<vmem>>
          %dma_start3A_774 = arith.constant 0 : i32
          %dma_start3A_775 = tpu.memref_slice %arg13[%dma_start3A_774] : memref<1048576xf32, #tpu.memory_space<vmem_shared>> -> memref<1048576xf32, #tpu.memory_space<vmem_shared>>
          tpu.enqueue_indirect_dma source(%dma_start3A_775 : memref<1048576xf32, #tpu.memory_space<vmem_shared>>) target(%dma_start3A_770 : memref<128xf32, #tpu.memory_space<vmem>>) offsets(%dma_start3A_773 : memref<128xi32, #tpu.memory_space<vmem>>) semaphore(%arg16 : memref<!tpu.dma_semaphore, #tpu.memory_space<semaphore_mem>>)
          %scan3A_776 = arith.constant 4 : i32
          %scan3A_777 = arith.addi %scan3A_737, %scan3A_776 : i32
          %dma_start3A_778 = arith.constant 0 : i32
          %dma_start3A_779 = tpu.memref_slice %arg8[%scan3A_777, %dma_start3A_778] : memref<96x128xf32, #tpu.memory_space<vmem>> -> memref<1x128xf32, #tpu.memory_space<vmem>>
          %dma_start3A_780 = tpu.memref_squeeze %dma_start3A_779 : memref<1x128xf32, #tpu.memory_space<vmem>> -> memref<128xf32, #tpu.memory_space<vmem>>
          %dma_start3A_781 = arith.constant 0 : i32
          %dma_start3A_782 = tpu.memref_slice %arg6[%scan3A_777, %dma_start3A_781] : memref<96x128xi32, #tpu.memory_space<vmem>> -> memref<1x128xi32, #tpu.memory_space<vmem>>
          %dma_start3A_783 = tpu.memref_squeeze %dma_start3A_782 : memref<1x128xi32, #tpu.memory_space<vmem>> -> memref<128xi32, #tpu.memory_space<vmem>>
          %dma_start3A_784 = arith.constant 0 : i32
          %dma_start3A_785 = tpu.memref_slice %arg13[%dma_start3A_784] : memref<1048576xf32, #tpu.memory_space<vmem_shared>> -> memref<1048576xf32, #tpu.memory_space<vmem_shared>>
          tpu.enqueue_indirect_dma source(%dma_start3A_785 : memref<1048576xf32, #tpu.memory_space<vmem_shared>>) target(%dma_start3A_780 : memref<128xf32, #tpu.memory_space<vmem>>) offsets(%dma_start3A_783 : memref<128xi32, #tpu.memory_space<vmem>>) semaphore(%arg16 : memref<!tpu.dma_semaphore, #tpu.memory_space<semaphore_mem>>)
          %scan3A_786 = arith.constant 5 : i32
          %scan3A_787 = arith.addi %scan3A_737, %scan3A_786 : i32
          %dma_start3A_788 = arith.constant 0 : i32
          %dma_start3A_789 = tpu.memref_slice %arg8[%scan3A_787, %dma_start3A_788] : memref<96x128xf32, #tpu.memory_space<vmem>> -> memref<1x128xf32, #tpu.memory_space<vmem>>
          %dma_start3A_790 = tpu.memref_squeeze %dma_start3A_789 : memref<1x128xf32, #tpu.memory_space<vmem>> -> memref<128xf32, #tpu.memory_space<vmem>>
          %dma_start3A_791 = arith.constant 0 : i32
          %dma_start3A_792 = tpu.memref_slice %arg6[%scan3A_787, %dma_start3A_791] : memref<96x128xi32, #tpu.memory_space<vmem>> -> memref<1x128xi32, #tpu.memory_space<vmem>>
          %dma_start3A_793 = tpu.memref_squeeze %dma_start3A_792 : memref<1x128xi32, #tpu.memory_space<vmem>> -> memref<128xi32, #tpu.memory_space<vmem>>
          %dma_start3A_794 = arith.constant 0 : i32
          %dma_start3A_795 = tpu.memref_slice %arg13[%dma_start3A_794] : memref<1048576xf32, #tpu.memory_space<vmem_shared>> -> memref<1048576xf32, #tpu.memory_space<vmem_shared>>
          tpu.enqueue_indirect_dma source(%dma_start3A_795 : memref<1048576xf32, #tpu.memory_space<vmem_shared>>) target(%dma_start3A_790 : memref<128xf32, #tpu.memory_space<vmem>>) offsets(%dma_start3A_793 : memref<128xi32, #tpu.memory_space<vmem>>) semaphore(%arg16 : memref<!tpu.dma_semaphore, #tpu.memory_space<semaphore_mem>>)
          %scan3A_796 = arith.constant 6 : i32
          %scan3A_797 = arith.addi %scan3A_737, %scan3A_796 : i32
          %dma_start3A_798 = arith.constant 0 : i32
          %dma_start3A_799 = tpu.memref_slice %arg8[%scan3A_797, %dma_start3A_798] : memref<96x128xf32, #tpu.memory_space<vmem>> -> memref<1x128xf32, #tpu.memory_space<vmem>>
          %dma_start3A_800 = tpu.memref_squeeze %dma_start3A_799 : memref<1x128xf32, #tpu.memory_space<vmem>> -> memref<128xf32, #tpu.memory_space<vmem>>
          %dma_start3A_801 = arith.constant 0 : i32
          %dma_start3A_802 = tpu.memref_slice %arg6[%scan3A_797, %dma_start3A_801] : memref<96x128xi32, #tpu.memory_space<vmem>> -> memref<1x128xi32, #tpu.memory_space<vmem>>
          %dma_start3A_803 = tpu.memref_squeeze %dma_start3A_802 : memref<1x128xi32, #tpu.memory_space<vmem>> -> memref<128xi32, #tpu.memory_space<vmem>>
          %dma_start3A_804 = arith.constant 0 : i32
          %dma_start3A_805 = tpu.memref_slice %arg13[%dma_start3A_804] : memref<1048576xf32, #tpu.memory_space<vmem_shared>> -> memref<1048576xf32, #tpu.memory_space<vmem_shared>>
          tpu.enqueue_indirect_dma source(%dma_start3A_805 : memref<1048576xf32, #tpu.memory_space<vmem_shared>>) target(%dma_start3A_800 : memref<128xf32, #tpu.memory_space<vmem>>) offsets(%dma_start3A_803 : memref<128xi32, #tpu.memory_space<vmem>>) semaphore(%arg16 : memref<!tpu.dma_semaphore, #tpu.memory_space<semaphore_mem>>)
          %scan3A_806 = arith.constant 7 : i32
          %scan3A_807 = arith.addi %scan3A_737, %scan3A_806 : i32
          %dma_start3A_808 = arith.constant 0 : i32
          %dma_start3A_809 = tpu.memref_slice %arg8[%scan3A_807, %dma_start3A_808] : memref<96x128xf32, #tpu.memory_space<vmem>> -> memref<1x128xf32, #tpu.memory_space<vmem>>
          %dma_start3A_810 = tpu.memref_squeeze %dma_start3A_809 : memref<1x128xf32, #tpu.memory_space<vmem>> -> memref<128xf32, #tpu.memory_space<vmem>>
          %dma_start3A_811 = arith.constant 0 : i32
          %dma_start3A_812 = tpu.memref_slice %arg6[%scan3A_807, %dma_start3A_811] : memref<96x128xi32, #tpu.memory_space<vmem>> -> memref<1x128xi32, #tpu.memory_space<vmem>>
          %dma_start3A_813 = tpu.memref_squeeze %dma_start3A_812 : memref<1x128xi32, #tpu.memory_space<vmem>> -> memref<128xi32, #tpu.memory_space<vmem>>
          %dma_start3A_814 = arith.constant 0 : i32
          %dma_start3A_815 = tpu.memref_slice %arg13[%dma_start3A_814] : memref<1048576xf32, #tpu.memory_space<vmem_shared>> -> memref<1048576xf32, #tpu.memory_space<vmem_shared>>
          tpu.enqueue_indirect_dma source(%dma_start3A_815 : memref<1048576xf32, #tpu.memory_space<vmem_shared>>) target(%dma_start3A_810 : memref<128xf32, #tpu.memory_space<vmem>>) offsets(%dma_start3A_813 : memref<128xi32, #tpu.memory_space<vmem>>) semaphore(%arg16 : memref<!tpu.dma_semaphore, #tpu.memory_space<semaphore_mem>>)
        }
        %scan3A_736 = arith.constant 96 : i32
      } else {
      }
      %broadcast_in_dim3A_626 = arith.constant 0.000000e+00 : f32
      %broadcast_in_dim3A_627 = vector.broadcast %broadcast_in_dim3A_626 : f32 to vector<16xf32>
      %scan3A_628 = arith.constant 0 : i32
      %scan3A_629 = arith.constant 104 : i32
      %scan3A_630 = arith.addi %scan3A_628, %scan3A_629 : i32
      %scan3A_631 = arith.constant 4 : i32
      %scan3A_632:8 = scf.for %scan3A_713 = %scan3A_628 to %scan3A_630 step %scan3A_631 iter_args(%scan3A_714 = %broadcast_in_dim3A_627, %scan3A_715 = %broadcast_in_dim3A_627, %scan3A_716 = %broadcast_in_dim3A_627, %scan3A_717 = %broadcast_in_dim3A_627, %scan3A_718 = %broadcast_in_dim3A_627, %scan3A_719 = %broadcast_in_dim3A_627, %scan3A_720 = %broadcast_in_dim3A_627, %scan3A_721 = %broadcast_in_dim3A_627) -> (vector<16xf32>, vector<16xf32>, vector<16xf32>, vector<16xf32>, vector<16xf32>, vector<16xf32>, vector<16xf32>, vector<16xf32>)  : i32 {
        %get3A_722 = arith.index_cast %scan3A_713 : i32 to index
        %get3A_723 = arith.constant 0 : index
        %get3A_724 = tpu.vector_load %arg9[%get3A_722, %get3A_723] {strides = array<i32>} : memref<104x128xf32, #tpu.memory_space<vmem>>, vector<16xf32>,
        %add3A_725 = arith.addf %scan3A_714, %get3A_724 : vector<16xf32>
        %get3A_726 = arith.index_cast %scan3A_713 : i32 to index
        %get3A_727 = arith.constant 16 : index
        %get3A_728 = tpu.vector_load %arg9[%get3A_726, %get3A_727] {strides = array<i32>} : memref<104x128xf32, #tpu.memory_space<vmem>>, vector<16xf32>,
        %add3A_729 = arith.addf %scan3A_715, %get3A_728 : vector<16xf32>
        %get3A_730 = arith.index_cast %scan3A_713 : i32 to index
        %get3A_731 = arith.constant 32 : index
        %get3A_732 = tpu.vector_load %arg9[%get3A_730, %get3A_731] {strides = array<i32>} : memref<104x128xf32, #tpu.memory_space<vmem>>, vector<16xf32>,
        %add3A_733 = arith.addf %scan3A_716, %get3A_732 : vector<16xf32>
        %get3A_734 = arith.index_cast %scan3A_713 : i32 to index
        %get3A_735 = arith.constant 48 : index
        %get3A_736 = tpu.vector_load %arg9[%get3A_734, %get3A_735] {strides = array<i32>} : memref<104x128xf32, #tpu.memory_space<vmem>>, vector<16xf32>,
        %add3A_737 = arith.addf %scan3A_717, %get3A_736 : vector<16xf32>
        %get3A_738 = arith.index_cast %scan3A_713 : i32 to index
        %get3A_739 = arith.constant 64 : index
        %get3A_740 = tpu.vector_load %arg9[%get3A_738, %get3A_739] {strides = array<i32>} : memref<104x128xf32, #tpu.memory_space<vmem>>, vector<16xf32>,
        %add3A_741 = arith.addf %scan3A_718, %get3A_740 : vector<16xf32>
        %get3A_742 = arith.index_cast %scan3A_713 : i32 to index
        %get3A_743 = arith.constant 80 : index
        %get3A_744 = tpu.vector_load %arg9[%get3A_742, %get3A_743] {strides = array<i32>} : memref<104x128xf32, #tpu.memory_space<vmem>>, vector<16xf32>,
        %add3A_745 = arith.addf %scan3A_719, %get3A_744 : vector<16xf32>
        %get3A_746 = arith.index_cast %scan3A_713 : i32 to index
        %get3A_747 = arith.constant 96 : index
        %get3A_748 = tpu.vector_load %arg9[%get3A_746, %get3A_747] {strides = array<i32>} : memref<104x128xf32, #tpu.memory_space<vmem>>, vector<16xf32>,
        %add3A_749 = arith.addf %scan3A_720, %get3A_748 : vector<16xf32>
        %get3A_750 = arith.index_cast %scan3A_713 : i32 to index
        %get3A_751 = arith.constant 112 : index
        %get3A_752 = tpu.vector_load %arg9[%get3A_750, %get3A_751] {strides = array<i32>} : memref<104x128xf32, #tpu.memory_space<vmem>>, vector<16xf32>,
        %add3A_753 = arith.addf %scan3A_721, %get3A_752 : vector<16xf32>
        %scan3A_754 = arith.constant 1 : i32
        %scan3A_755 = arith.addi %scan3A_713, %scan3A_754 : i32
        %get3A_756 = arith.index_cast %scan3A_755 : i32 to index
        %get3A_757 = arith.constant 0 : index
        %get3A_758 = tpu.vector_load %arg9[%get3A_756, %get3A_757] {strides = array<i32>} : memref<104x128xf32, #tpu.memory_space<vmem>>, vector<16xf32>,
        %add3A_759 = arith.addf %add3A_725, %get3A_758 : vector<16xf32>
        %get3A_760 = arith.index_cast %scan3A_755 : i32 to index
        %get3A_761 = arith.constant 16 : index
        %get3A_762 = tpu.vector_load %arg9[%get3A_760, %get3A_761] {strides = array<i32>} : memref<104x128xf32, #tpu.memory_space<vmem>>, vector<16xf32>,
        %add3A_763 = arith.addf %add3A_729, %get3A_762 : vector<16xf32>
        %get3A_764 = arith.index_cast %scan3A_755 : i32 to index
        %get3A_765 = arith.constant 32 : index
        %get3A_766 = tpu.vector_load %arg9[%get3A_764, %get3A_765] {strides = array<i32>} : memref<104x128xf32, #tpu.memory_space<vmem>>, vector<16xf32>,
        %add3A_767 = arith.addf %add3A_733, %get3A_766 : vector<16xf32>
        %get3A_768 = arith.index_cast %scan3A_755 : i32 to index
        %get3A_769 = arith.constant 48 : index
        %get3A_770 = tpu.vector_load %arg9[%get3A_768, %get3A_769] {strides = array<i32>} : memref<104x128xf32, #tpu.memory_space<vmem>>, vector<16xf32>,
        %add3A_771 = arith.addf %add3A_737, %get3A_770 : vector<16xf32>
        %get3A_772 = arith.index_cast %scan3A_755 : i32 to index
        %get3A_773 = arith.constant 64 : index
        %get3A_774 = tpu.vector_load %arg9[%get3A_772, %get3A_773] {strides = array<i32>} : memref<104x128xf32, #tpu.memory_space<vmem>>, vector<16xf32>,
        %add3A_775 = arith.addf %add3A_741, %get3A_774 : vector<16xf32>
        %get3A_776 = arith.index_cast %scan3A_755 : i32 to index
        %get3A_777 = arith.constant 80 : index
        %get3A_778 = tpu.vector_load %arg9[%get3A_776, %get3A_777] {strides = array<i32>} : memref<104x128xf32, #tpu.memory_space<vmem>>, vector<16xf32>,
        %add3A_779 = arith.addf %add3A_745, %get3A_778 : vector<16xf32>
        %get3A_780 = arith.index_cast %scan3A_755 : i32 to index
        %get3A_781 = arith.constant 96 : index
        %get3A_782 = tpu.vector_load %arg9[%get3A_780, %get3A_781] {strides = array<i32>} : memref<104x128xf32, #tpu.memory_space<vmem>>, vector<16xf32>,
        %add3A_783 = arith.addf %add3A_749, %get3A_782 : vector<16xf32>
        %get3A_784 = arith.index_cast %scan3A_755 : i32 to index
        %get3A_785 = arith.constant 112 : index
        %get3A_786 = tpu.vector_load %arg9[%get3A_784, %get3A_785] {strides = array<i32>} : memref<104x128xf32, #tpu.memory_space<vmem>>, vector<16xf32>,
        %add3A_787 = arith.addf %add3A_753, %get3A_786 : vector<16xf32>
        %scan3A_788 = arith.constant 2 : i32
        %scan3A_789 = arith.addi %scan3A_713, %scan3A_788 : i32
        %get3A_790 = arith.index_cast %scan3A_789 : i32 to index
        %get3A_791 = arith.constant 0 : index
        %get3A_792 = tpu.vector_load %arg9[%get3A_790, %get3A_791] {strides = array<i32>} : memref<104x128xf32, #tpu.memory_space<vmem>>, vector<16xf32>,
        %add3A_793 = arith.addf %add3A_759, %get3A_792 : vector<16xf32>
        %get3A_794 = arith.index_cast %scan3A_789 : i32 to index
        %get3A_795 = arith.constant 16 : index
        %get3A_796 = tpu.vector_load %arg9[%get3A_794, %get3A_795] {strides = array<i32>} : memref<104x128xf32, #tpu.memory_space<vmem>>, vector<16xf32>,
        %add3A_797 = arith.addf %add3A_763, %get3A_796 : vector<16xf32>
        %get3A_798 = arith.index_cast %scan3A_789 : i32 to index
        %get3A_799 = arith.constant 32 : index
        %get3A_800 = tpu.vector_load %arg9[%get3A_798, %get3A_799] {strides = array<i32>} : memref<104x128xf32, #tpu.memory_space<vmem>>, vector<16xf32>,
        %add3A_801 = arith.addf %add3A_767, %get3A_800 : vector<16xf32>
        %get3A_802 = arith.index_cast %scan3A_789 : i32 to index
        %get3A_803 = arith.constant 48 : index
        %get3A_804 = tpu.vector_load %arg9[%get3A_802, %get3A_803] {strides = array<i32>} : memref<104x128xf32, #tpu.memory_space<vmem>>, vector<16xf32>,
        %add3A_805 = arith.addf %add3A_771, %get3A_804 : vector<16xf32>
        %get3A_806 = arith.index_cast %scan3A_789 : i32 to index
        %get3A_807 = arith.constant 64 : index
        %get3A_808 = tpu.vector_load %arg9[%get3A_806, %get3A_807] {strides = array<i32>} : memref<104x128xf32, #tpu.memory_space<vmem>>, vector<16xf32>,
        %add3A_809 = arith.addf %add3A_775, %get3A_808 : vector<16xf32>
        %get3A_810 = arith.index_cast %scan3A_789 : i32 to index
        %get3A_811 = arith.constant 80 : index
        %get3A_812 = tpu.vector_load %arg9[%get3A_810, %get3A_811] {strides = array<i32>} : memref<104x128xf32, #tpu.memory_space<vmem>>, vector<16xf32>,
        %add3A_813 = arith.addf %add3A_779, %get3A_812 : vector<16xf32>
        %get3A_814 = arith.index_cast %scan3A_789 : i32 to index
        %get3A_815 = arith.constant 96 : index
        %get3A_816 = tpu.vector_load %arg9[%get3A_814, %get3A_815] {strides = array<i32>} : memref<104x128xf32, #tpu.memory_space<vmem>>, vector<16xf32>,
        %add3A_817 = arith.addf %add3A_783, %get3A_816 : vector<16xf32>
        %get3A_818 = arith.index_cast %scan3A_789 : i32 to index
        %get3A_819 = arith.constant 112 : index
        %get3A_820 = tpu.vector_load %arg9[%get3A_818, %get3A_819] {strides = array<i32>} : memref<104x128xf32, #tpu.memory_space<vmem>>, vector<16xf32>,
        %add3A_821 = arith.addf %add3A_787, %get3A_820 : vector<16xf32>
        %scan3A_822 = arith.constant 3 : i32
        %scan3A_823 = arith.addi %scan3A_713, %scan3A_822 : i32
        %get3A_824 = arith.index_cast %scan3A_823 : i32 to index
        %get3A_825 = arith.constant 0 : index
        %get3A_826 = tpu.vector_load %arg9[%get3A_824, %get3A_825] {strides = array<i32>} : memref<104x128xf32, #tpu.memory_space<vmem>>, vector<16xf32>,
        %add3A_827 = arith.addf %add3A_793, %get3A_826 : vector<16xf32>
        %get3A_828 = arith.index_cast %scan3A_823 : i32 to index
        %get3A_829 = arith.constant 16 : index
        %get3A_830 = tpu.vector_load %arg9[%get3A_828, %get3A_829] {strides = array<i32>} : memref<104x128xf32, #tpu.memory_space<vmem>>, vector<16xf32>,
        %add3A_831 = arith.addf %add3A_797, %get3A_830 : vector<16xf32>
        %get3A_832 = arith.index_cast %scan3A_823 : i32 to index
        %get3A_833 = arith.constant 32 : index
        %get3A_834 = tpu.vector_load %arg9[%get3A_832, %get3A_833] {strides = array<i32>} : memref<104x128xf32, #tpu.memory_space<vmem>>, vector<16xf32>,
        %add3A_835 = arith.addf %add3A_801, %get3A_834 : vector<16xf32>
        %get3A_836 = arith.index_cast %scan3A_823 : i32 to index
        %get3A_837 = arith.constant 48 : index
        %get3A_838 = tpu.vector_load %arg9[%get3A_836, %get3A_837] {strides = array<i32>} : memref<104x128xf32, #tpu.memory_space<vmem>>, vector<16xf32>,
        %add3A_839 = arith.addf %add3A_805, %get3A_838 : vector<16xf32>
        %get3A_840 = arith.index_cast %scan3A_823 : i32 to index
        %get3A_841 = arith.constant 64 : index
        %get3A_842 = tpu.vector_load %arg9[%get3A_840, %get3A_841] {strides = array<i32>} : memref<104x128xf32, #tpu.memory_space<vmem>>, vector<16xf32>,
        %add3A_843 = arith.addf %add3A_809, %get3A_842 : vector<16xf32>
        %get3A_844 = arith.index_cast %scan3A_823 : i32 to index
        %get3A_845 = arith.constant 80 : index
        %get3A_846 = tpu.vector_load %arg9[%get3A_844, %get3A_845] {strides = array<i32>} : memref<104x128xf32, #tpu.memory_space<vmem>>, vector<16xf32>,
        %add3A_847 = arith.addf %add3A_813, %get3A_846 : vector<16xf32>
        %get3A_848 = arith.index_cast %scan3A_823 : i32 to index
        %get3A_849 = arith.constant 96 : index
        %get3A_850 = tpu.vector_load %arg9[%get3A_848, %get3A_849] {strides = array<i32>} : memref<104x128xf32, #tpu.memory_space<vmem>>, vector<16xf32>,
        %add3A_851 = arith.addf %add3A_817, %get3A_850 : vector<16xf32>
        %get3A_852 = arith.index_cast %scan3A_823 : i32 to index
        %get3A_853 = arith.constant 112 : index
        %get3A_854 = tpu.vector_load %arg9[%get3A_852, %get3A_853] {strides = array<i32>} : memref<104x128xf32, #tpu.memory_space<vmem>>, vector<16xf32>,
        %add3A_855 = arith.addf %add3A_821, %get3A_854 : vector<16xf32>
        scf.yield %add3A_827, %add3A_831, %add3A_835, %add3A_839, %add3A_843, %add3A_847, %add3A_851, %add3A_855 : vector<16xf32>, vector<16xf32>, vector<16xf32>, vector<16xf32>, vector<16xf32>, vector<16xf32>, vector<16xf32>, vector<16xf32>
      }
      %scan3A_633 = arith.constant 104 : i32
      %mul3A_634 = arith.constant 128 : i32
      %mul3A_635 = arith.muli %scan3A_551, %mul3A_634 : i32
      %add3A_636 = arith.constant 0 : i32
      %add3A_637 = arith.addi %mul3A_635, %add3A_636 : i32
      %get3A_638 = arith.index_cast %add3A_637 : i32 to index
      %get3A_639 = tpu.vector_load %arg11[%get3A_638] {strides = array<i32>} : memref<512xf32, #tpu.memory_space<vmem>>, vector<16xf32>,
      %add3A_640 = arith.addf %get3A_639, %scan3A_632#0 : vector<16xf32>
      %swap3A_641 = arith.index_cast %add3A_637 : i32 to index
      %swap3A_642 = tpu.vector_load %arg11[%swap3A_641] {strides = array<i32>} : memref<512xf32, #tpu.memory_space<vmem>>, vector<16xf32>,
      tpu.vector_store %arg11[%swap3A_641], %add3A_640 {strides = array<i32>} : memref<512xf32, #tpu.memory_space<vmem>>, vector<16xf32>,
      %mul3A_643 = arith.constant 128 : i32
      %mul3A_644 = arith.muli %scan3A_551, %mul3A_643 : i32
      %add3A_645 = arith.constant 16 : i32
      %add3A_646 = arith.addi %mul3A_644, %add3A_645 : i32
      %get3A_647 = arith.index_cast %add3A_646 : i32 to index
      %get3A_648 = tpu.vector_load %arg11[%get3A_647] {strides = array<i32>} : memref<512xf32, #tpu.memory_space<vmem>>, vector<16xf32>,
      %add3A_649 = arith.addf %get3A_648, %scan3A_632#1 : vector<16xf32>
      %swap3A_650 = arith.index_cast %add3A_646 : i32 to index
      %swap3A_651 = tpu.vector_load %arg11[%swap3A_650] {strides = array<i32>} : memref<512xf32, #tpu.memory_space<vmem>>, vector<16xf32>,
      tpu.vector_store %arg11[%swap3A_650], %add3A_649 {strides = array<i32>} : memref<512xf32, #tpu.memory_space<vmem>>, vector<16xf32>,
      %mul3A_652 = arith.constant 128 : i32
      %mul3A_653 = arith.muli %scan3A_551, %mul3A_652 : i32
      %add3A_654 = arith.constant 32 : i32
      %add3A_655 = arith.addi %mul3A_653, %add3A_654 : i32
      %get3A_656 = arith.index_cast %add3A_655 : i32 to index
      %get3A_657 = tpu.vector_load %arg11[%get3A_656] {strides = array<i32>} : memref<512xf32, #tpu.memory_space<vmem>>, vector<16xf32>,
      %add3A_658 = arith.addf %get3A_657, %scan3A_632#2 : vector<16xf32>
      %swap3A_659 = arith.index_cast %add3A_655 : i32 to index
      %swap3A_660 = tpu.vector_load %arg11[%swap3A_659] {strides = array<i32>} : memref<512xf32, #tpu.memory_space<vmem>>, vector<16xf32>,
      tpu.vector_store %arg11[%swap3A_659], %add3A_658 {strides = array<i32>} : memref<512xf32, #tpu.memory_space<vmem>>, vector<16xf32>,
      %mul3A_661 = arith.constant 128 : i32
      %mul3A_662 = arith.muli %scan3A_551, %mul3A_661 : i32
      %add3A_663 = arith.constant 48 : i32
      %add3A_664 = arith.addi %mul3A_662, %add3A_663 : i32
      %get3A_665 = arith.index_cast %add3A_664 : i32 to index
      %get3A_666 = tpu.vector_load %arg11[%get3A_665] {strides = array<i32>} : memref<512xf32, #tpu.memory_space<vmem>>, vector<16xf32>,
      %add3A_667 = arith.addf %get3A_666, %scan3A_632#3 : vector<16xf32>
      %swap3A_668 = arith.index_cast %add3A_664 : i32 to index
      %swap3A_669 = tpu.vector_load %arg11[%swap3A_668] {strides = array<i32>} : memref<512xf32, #tpu.memory_space<vmem>>, vector<16xf32>,
      tpu.vector_store %arg11[%swap3A_668], %add3A_667 {strides = array<i32>} : memref<512xf32, #tpu.memory_space<vmem>>, vector<16xf32>,
      %mul3A_670 = arith.constant 128 : i32
      %mul3A_671 = arith.muli %scan3A_551, %mul3A_670 : i32
      %add3A_672 = arith.constant 64 : i32
      %add3A_673 = arith.addi %mul3A_671, %add3A_672 : i32
      %get3A_674 = arith.index_cast %add3A_673 : i32 to index
      %get3A_675 = tpu.vector_load %arg11[%get3A_674] {strides = array<i32>} : memref<512xf32, #tpu.memory_space<vmem>>, vector<16xf32>,
      %add3A_676 = arith.addf %get3A_675, %scan3A_632#4 : vector<16xf32>
      %swap3A_677 = arith.index_cast %add3A_673 : i32 to index
      %swap3A_678 = tpu.vector_load %arg11[%swap3A_677] {strides = array<i32>} : memref<512xf32, #tpu.memory_space<vmem>>, vector<16xf32>,
      tpu.vector_store %arg11[%swap3A_677], %add3A_676 {strides = array<i32>} : memref<512xf32, #tpu.memory_space<vmem>>, vector<16xf32>,
      %mul3A_679 = arith.constant 128 : i32
      %mul3A_680 = arith.muli %scan3A_551, %mul3A_679 : i32
      %add3A_681 = arith.constant 80 : i32
      %add3A_682 = arith.addi %mul3A_680, %add3A_681 : i32
      %get3A_683 = arith.index_cast %add3A_682 : i32 to index
      %get3A_684 = tpu.vector_load %arg11[%get3A_683] {strides = array<i32>} : memref<512xf32, #tpu.memory_space<vmem>>, vector<16xf32>,
      %add3A_685 = arith.addf %get3A_684, %scan3A_632#5 : vector<16xf32>
      %swap3A_686 = arith.index_cast %add3A_682 : i32 to index
      %swap3A_687 = tpu.vector_load %arg11[%swap3A_686] {strides = array<i32>} : memref<512xf32, #tpu.memory_space<vmem>>, vector<16xf32>,
      tpu.vector_store %arg11[%swap3A_686], %add3A_685 {strides = array<i32>} : memref<512xf32, #tpu.memory_space<vmem>>, vector<16xf32>,
      %mul3A_688 = arith.constant 128 : i32
      %mul3A_689 = arith.muli %scan3A_551, %mul3A_688 : i32
      %add3A_690 = arith.constant 96 : i32
      %add3A_691 = arith.addi %mul3A_689, %add3A_690 : i32
      %get3A_692 = arith.index_cast %add3A_691 : i32 to index
      %get3A_693 = tpu.vector_load %arg11[%get3A_692] {strides = array<i32>} : memref<512xf32, #tpu.memory_space<vmem>>, vector<16xf32>,
      %add3A_694 = arith.addf %get3A_693, %scan3A_632#6 : vector<16xf32>
      %swap3A_695 = arith.index_cast %add3A_691 : i32 to index
      %swap3A_696 = tpu.vector_load %arg11[%swap3A_695] {strides = array<i32>} : memref<512xf32, #tpu.memory_space<vmem>>, vector<16xf32>,
      tpu.vector_store %arg11[%swap3A_695], %add3A_694 {strides = array<i32>} : memref<512xf32, #tpu.memory_space<vmem>>, vector<16xf32>,
      %mul3A_697 = arith.constant 128 : i32
      %mul3A_698 = arith.muli %scan3A_551, %mul3A_697 : i32
      %add3A_699 = arith.constant 112 : i32
      %add3A_700 = arith.addi %mul3A_698, %add3A_699 : i32
      %get3A_701 = arith.index_cast %add3A_700 : i32 to index
      %get3A_702 = tpu.vector_load %arg11[%get3A_701] {strides = array<i32>} : memref<512xf32, #tpu.memory_space<vmem>>, vector<16xf32>,
      %add3A_703 = arith.addf %get3A_702, %scan3A_632#7 : vector<16xf32>
      %swap3A_704 = arith.index_cast %add3A_700 : i32 to index
      %swap3A_705 = tpu.vector_load %arg11[%swap3A_704] {strides = array<i32>} : memref<512xf32, #tpu.memory_space<vmem>>, vector<16xf32>,
      tpu.vector_store %arg11[%swap3A_704], %add3A_703 {strides = array<i32>} : memref<512xf32, #tpu.memory_space<vmem>>, vector<16xf32>,
      %add3A_706 = arith.constant 1 : i32
      %add3A_707 = arith.addi %scan3A_551, %add3A_706 : i32
      %lt3A_708 = arith.constant 4 : i32
      %lt3A_709 = arith.cmpi slt, %add3A_707, %lt3A_708 : i32
      %convert_element_type3A_710 = arith.extui %lt3A_709 : i1 to i32
      %cond3A_711 = arith.constant 0 : i32
      %cond3A_712 = arith.cmpi ne, %convert_element_type3A_710, %cond3A_711 : i32
      scf.if %cond3A_712 {
        %add3A_713 = arith.constant 1 : i32
        %add3A_714 = arith.addi %scan3A_551, %add3A_713 : i32
        %mul3A_715 = arith.constant 128 : i32
        %mul3A_716 = arith.muli %add3A_714, %mul3A_715 : i32
        %add3A_717 = arith.addi %mul3A_2, %mul3A_716 : i32
        %dma_wait3A_718 = arith.constant 96 : i32
        %dma_wait3A_719 = tpu.memref_slice %arg2[%dma_wait3A_718, %add3A_717] : memref<200x16384xi32, #tpu.memory_space<hbm>> -> memref<104x128xi32, #tpu.memory_space<hbm>>
        %dma_wait3A_720 = arith.constant 96 : i32
        %dma_wait3A_721 = tpu.memref_slice %arg2[%dma_wait3A_720, %add3A_717] : memref<200x16384xi32, #tpu.memory_space<hbm>> -> memref<104x128xi32, #tpu.memory_space<hbm>>
        tpu.wait_dma2 semaphore(%arg15 : memref<!tpu.dma_semaphore, #tpu.memory_space<semaphore_mem>>) src(%dma_wait3A_721 : memref<104x128xi32, #tpu.memory_space<hbm>>) dst(%arg7 : memref<104x128xi32, #tpu.memory_space<vmem>>)
        %scan3A_722 = arith.constant 0 : i32
        %scan3A_723 = arith.constant 0 : i32
        %scan3A_724 = arith.constant 104 : i32
        %scan3A_725 = arith.addi %scan3A_723, %scan3A_724 : i32
        %scan3A_726 = arith.constant 8 : i32
        scf.for %scan3A_728 = %scan3A_723 to %scan3A_725 step %scan3A_726  : i32 {
          %dma_start3A_729 = arith.constant 0 : i32
          %dma_start3A_730 = tpu.memref_slice %arg9[%scan3A_728, %dma_start3A_729] : memref<104x128xf32, #tpu.memory_space<vmem>> -> memref<1x128xf32, #tpu.memory_space<vmem>>
          %dma_start3A_731 = tpu.memref_squeeze %dma_start3A_730 : memref<1x128xf32, #tpu.memory_space<vmem>> -> memref<128xf32, #tpu.memory_space<vmem>>
          %dma_start3A_732 = arith.constant 0 : i32
          %dma_start3A_733 = tpu.memref_slice %arg7[%scan3A_728, %dma_start3A_732] : memref<104x128xi32, #tpu.memory_space<vmem>> -> memref<1x128xi32, #tpu.memory_space<vmem>>
          %dma_start3A_734 = tpu.memref_squeeze %dma_start3A_733 : memref<1x128xi32, #tpu.memory_space<vmem>> -> memref<128xi32, #tpu.memory_space<vmem>>
          %dma_start3A_735 = arith.constant 0 : i32
          %dma_start3A_736 = tpu.memref_slice %arg13[%dma_start3A_735] : memref<1048576xf32, #tpu.memory_space<vmem_shared>> -> memref<1048576xf32, #tpu.memory_space<vmem_shared>>
          tpu.enqueue_indirect_dma source(%dma_start3A_736 : memref<1048576xf32, #tpu.memory_space<vmem_shared>>) target(%dma_start3A_731 : memref<128xf32, #tpu.memory_space<vmem>>) offsets(%dma_start3A_734 : memref<128xi32, #tpu.memory_space<vmem>>) semaphore(%arg17 : memref<!tpu.dma_semaphore, #tpu.memory_space<semaphore_mem>>)
          %scan3A_737 = arith.constant 1 : i32
          %scan3A_738 = arith.addi %scan3A_728, %scan3A_737 : i32
          %dma_start3A_739 = arith.constant 0 : i32
          %dma_start3A_740 = tpu.memref_slice %arg9[%scan3A_738, %dma_start3A_739] : memref<104x128xf32, #tpu.memory_space<vmem>> -> memref<1x128xf32, #tpu.memory_space<vmem>>
          %dma_start3A_741 = tpu.memref_squeeze %dma_start3A_740 : memref<1x128xf32, #tpu.memory_space<vmem>> -> memref<128xf32, #tpu.memory_space<vmem>>
          %dma_start3A_742 = arith.constant 0 : i32
          %dma_start3A_743 = tpu.memref_slice %arg7[%scan3A_738, %dma_start3A_742] : memref<104x128xi32, #tpu.memory_space<vmem>> -> memref<1x128xi32, #tpu.memory_space<vmem>>
          %dma_start3A_744 = tpu.memref_squeeze %dma_start3A_743 : memref<1x128xi32, #tpu.memory_space<vmem>> -> memref<128xi32, #tpu.memory_space<vmem>>
          %dma_start3A_745 = arith.constant 0 : i32
          %dma_start3A_746 = tpu.memref_slice %arg13[%dma_start3A_745] : memref<1048576xf32, #tpu.memory_space<vmem_shared>> -> memref<1048576xf32, #tpu.memory_space<vmem_shared>>
          tpu.enqueue_indirect_dma source(%dma_start3A_746 : memref<1048576xf32, #tpu.memory_space<vmem_shared>>) target(%dma_start3A_741 : memref<128xf32, #tpu.memory_space<vmem>>) offsets(%dma_start3A_744 : memref<128xi32, #tpu.memory_space<vmem>>) semaphore(%arg17 : memref<!tpu.dma_semaphore, #tpu.memory_space<semaphore_mem>>)
          %scan3A_747 = arith.constant 2 : i32
          %scan3A_748 = arith.addi %scan3A_728, %scan3A_747 : i32
          %dma_start3A_749 = arith.constant 0 : i32
          %dma_start3A_750 = tpu.memref_slice %arg9[%scan3A_748, %dma_start3A_749] : memref<104x128xf32, #tpu.memory_space<vmem>> -> memref<1x128xf32, #tpu.memory_space<vmem>>
          %dma_start3A_751 = tpu.memref_squeeze %dma_start3A_750 : memref<1x128xf32, #tpu.memory_space<vmem>> -> memref<128xf32, #tpu.memory_space<vmem>>
          %dma_start3A_752 = arith.constant 0 : i32
          %dma_start3A_753 = tpu.memref_slice %arg7[%scan3A_748, %dma_start3A_752] : memref<104x128xi32, #tpu.memory_space<vmem>> -> memref<1x128xi32, #tpu.memory_space<vmem>>
          %dma_start3A_754 = tpu.memref_squeeze %dma_start3A_753 : memref<1x128xi32, #tpu.memory_space<vmem>> -> memref<128xi32, #tpu.memory_space<vmem>>
          %dma_start3A_755 = arith.constant 0 : i32
          %dma_start3A_756 = tpu.memref_slice %arg13[%dma_start3A_755] : memref<1048576xf32, #tpu.memory_space<vmem_shared>> -> memref<1048576xf32, #tpu.memory_space<vmem_shared>>
          tpu.enqueue_indirect_dma source(%dma_start3A_756 : memref<1048576xf32, #tpu.memory_space<vmem_shared>>) target(%dma_start3A_751 : memref<128xf32, #tpu.memory_space<vmem>>) offsets(%dma_start3A_754 : memref<128xi32, #tpu.memory_space<vmem>>) semaphore(%arg17 : memref<!tpu.dma_semaphore, #tpu.memory_space<semaphore_mem>>)
          %scan3A_757 = arith.constant 3 : i32
          %scan3A_758 = arith.addi %scan3A_728, %scan3A_757 : i32
          %dma_start3A_759 = arith.constant 0 : i32
          %dma_start3A_760 = tpu.memref_slice %arg9[%scan3A_758, %dma_start3A_759] : memref<104x128xf32, #tpu.memory_space<vmem>> -> memref<1x128xf32, #tpu.memory_space<vmem>>
          %dma_start3A_761 = tpu.memref_squeeze %dma_start3A_760 : memref<1x128xf32, #tpu.memory_space<vmem>> -> memref<128xf32, #tpu.memory_space<vmem>>
          %dma_start3A_762 = arith.constant 0 : i32
          %dma_start3A_763 = tpu.memref_slice %arg7[%scan3A_758, %dma_start3A_762] : memref<104x128xi32, #tpu.memory_space<vmem>> -> memref<1x128xi32, #tpu.memory_space<vmem>>
          %dma_start3A_764 = tpu.memref_squeeze %dma_start3A_763 : memref<1x128xi32, #tpu.memory_space<vmem>> -> memref<128xi32, #tpu.memory_space<vmem>>
          %dma_start3A_765 = arith.constant 0 : i32
          %dma_start3A_766 = tpu.memref_slice %arg13[%dma_start3A_765] : memref<1048576xf32, #tpu.memory_space<vmem_shared>> -> memref<1048576xf32, #tpu.memory_space<vmem_shared>>
          tpu.enqueue_indirect_dma source(%dma_start3A_766 : memref<1048576xf32, #tpu.memory_space<vmem_shared>>) target(%dma_start3A_761 : memref<128xf32, #tpu.memory_space<vmem>>) offsets(%dma_start3A_764 : memref<128xi32, #tpu.memory_space<vmem>>) semaphore(%arg17 : memref<!tpu.dma_semaphore, #tpu.memory_space<semaphore_mem>>)
          %scan3A_767 = arith.constant 4 : i32
          %scan3A_768 = arith.addi %scan3A_728, %scan3A_767 : i32
          %dma_start3A_769 = arith.constant 0 : i32
          %dma_start3A_770 = tpu.memref_slice %arg9[%scan3A_768, %dma_start3A_769] : memref<104x128xf32, #tpu.memory_space<vmem>> -> memref<1x128xf32, #tpu.memory_space<vmem>>
          %dma_start3A_771 = tpu.memref_squeeze %dma_start3A_770 : memref<1x128xf32, #tpu.memory_space<vmem>> -> memref<128xf32, #tpu.memory_space<vmem>>
          %dma_start3A_772 = arith.constant 0 : i32
          %dma_start3A_773 = tpu.memref_slice %arg7[%scan3A_768, %dma_start3A_772] : memref<104x128xi32, #tpu.memory_space<vmem>> -> memref<1x128xi32, #tpu.memory_space<vmem>>
          %dma_start3A_774 = tpu.memref_squeeze %dma_start3A_773 : memref<1x128xi32, #tpu.memory_space<vmem>> -> memref<128xi32, #tpu.memory_space<vmem>>
          %dma_start3A_775 = arith.constant 0 : i32
          %dma_start3A_776 = tpu.memref_slice %arg13[%dma_start3A_775] : memref<1048576xf32, #tpu.memory_space<vmem_shared>> -> memref<1048576xf32, #tpu.memory_space<vmem_shared>>
          tpu.enqueue_indirect_dma source(%dma_start3A_776 : memref<1048576xf32, #tpu.memory_space<vmem_shared>>) target(%dma_start3A_771 : memref<128xf32, #tpu.memory_space<vmem>>) offsets(%dma_start3A_774 : memref<128xi32, #tpu.memory_space<vmem>>) semaphore(%arg17 : memref<!tpu.dma_semaphore, #tpu.memory_space<semaphore_mem>>)
          %scan3A_777 = arith.constant 5 : i32
          %scan3A_778 = arith.addi %scan3A_728, %scan3A_777 : i32
          %dma_start3A_779 = arith.constant 0 : i32
          %dma_start3A_780 = tpu.memref_slice %arg9[%scan3A_778, %dma_start3A_779] : memref<104x128xf32, #tpu.memory_space<vmem>> -> memref<1x128xf32, #tpu.memory_space<vmem>>
          %dma_start3A_781 = tpu.memref_squeeze %dma_start3A_780 : memref<1x128xf32, #tpu.memory_space<vmem>> -> memref<128xf32, #tpu.memory_space<vmem>>
          %dma_start3A_782 = arith.constant 0 : i32
          %dma_start3A_783 = tpu.memref_slice %arg7[%scan3A_778, %dma_start3A_782] : memref<104x128xi32, #tpu.memory_space<vmem>> -> memref<1x128xi32, #tpu.memory_space<vmem>>
          %dma_start3A_784 = tpu.memref_squeeze %dma_start3A_783 : memref<1x128xi32, #tpu.memory_space<vmem>> -> memref<128xi32, #tpu.memory_space<vmem>>
          %dma_start3A_785 = arith.constant 0 : i32
          %dma_start3A_786 = tpu.memref_slice %arg13[%dma_start3A_785] : memref<1048576xf32, #tpu.memory_space<vmem_shared>> -> memref<1048576xf32, #tpu.memory_space<vmem_shared>>
          tpu.enqueue_indirect_dma source(%dma_start3A_786 : memref<1048576xf32, #tpu.memory_space<vmem_shared>>) target(%dma_start3A_781 : memref<128xf32, #tpu.memory_space<vmem>>) offsets(%dma_start3A_784 : memref<128xi32, #tpu.memory_space<vmem>>) semaphore(%arg17 : memref<!tpu.dma_semaphore, #tpu.memory_space<semaphore_mem>>)
          %scan3A_787 = arith.constant 6 : i32
          %scan3A_788 = arith.addi %scan3A_728, %scan3A_787 : i32
          %dma_start3A_789 = arith.constant 0 : i32
          %dma_start3A_790 = tpu.memref_slice %arg9[%scan3A_788, %dma_start3A_789] : memref<104x128xf32, #tpu.memory_space<vmem>> -> memref<1x128xf32, #tpu.memory_space<vmem>>
          %dma_start3A_791 = tpu.memref_squeeze %dma_start3A_790 : memref<1x128xf32, #tpu.memory_space<vmem>> -> memref<128xf32, #tpu.memory_space<vmem>>
          %dma_start3A_792 = arith.constant 0 : i32
          %dma_start3A_793 = tpu.memref_slice %arg7[%scan3A_788, %dma_start3A_792] : memref<104x128xi32, #tpu.memory_space<vmem>> -> memref<1x128xi32, #tpu.memory_space<vmem>>
          %dma_start3A_794 = tpu.memref_squeeze %dma_start3A_793 : memref<1x128xi32, #tpu.memory_space<vmem>> -> memref<128xi32, #tpu.memory_space<vmem>>
          %dma_start3A_795 = arith.constant 0 : i32
          %dma_start3A_796 = tpu.memref_slice %arg13[%dma_start3A_795] : memref<1048576xf32, #tpu.memory_space<vmem_shared>> -> memref<1048576xf32, #tpu.memory_space<vmem_shared>>
          tpu.enqueue_indirect_dma source(%dma_start3A_796 : memref<1048576xf32, #tpu.memory_space<vmem_shared>>) target(%dma_start3A_791 : memref<128xf32, #tpu.memory_space<vmem>>) offsets(%dma_start3A_794 : memref<128xi32, #tpu.memory_space<vmem>>) semaphore(%arg17 : memref<!tpu.dma_semaphore, #tpu.memory_space<semaphore_mem>>)
          %scan3A_797 = arith.constant 7 : i32
          %scan3A_798 = arith.addi %scan3A_728, %scan3A_797 : i32
          %dma_start3A_799 = arith.constant 0 : i32
          %dma_start3A_800 = tpu.memref_slice %arg9[%scan3A_798, %dma_start3A_799] : memref<104x128xf32, #tpu.memory_space<vmem>> -> memref<1x128xf32, #tpu.memory_space<vmem>>
          %dma_start3A_801 = tpu.memref_squeeze %dma_start3A_800 : memref<1x128xf32, #tpu.memory_space<vmem>> -> memref<128xf32, #tpu.memory_space<vmem>>
          %dma_start3A_802 = arith.constant 0 : i32
          %dma_start3A_803 = tpu.memref_slice %arg7[%scan3A_798, %dma_start3A_802] : memref<104x128xi32, #tpu.memory_space<vmem>> -> memref<1x128xi32, #tpu.memory_space<vmem>>
          %dma_start3A_804 = tpu.memref_squeeze %dma_start3A_803 : memref<1x128xi32, #tpu.memory_space<vmem>> -> memref<128xi32, #tpu.memory_space<vmem>>
          %dma_start3A_805 = arith.constant 0 : i32
          %dma_start3A_806 = tpu.memref_slice %arg13[%dma_start3A_805] : memref<1048576xf32, #tpu.memory_space<vmem_shared>> -> memref<1048576xf32, #tpu.memory_space<vmem_shared>>
          tpu.enqueue_indirect_dma source(%dma_start3A_806 : memref<1048576xf32, #tpu.memory_space<vmem_shared>>) target(%dma_start3A_801 : memref<128xf32, #tpu.memory_space<vmem>>) offsets(%dma_start3A_804 : memref<128xi32, #tpu.memory_space<vmem>>) semaphore(%arg17 : memref<!tpu.dma_semaphore, #tpu.memory_space<semaphore_mem>>)
        }
        %scan3A_727 = arith.constant 104 : i32
      } else {
      }
    }
    %scan3A_73 = arith.constant 4 : i32
    %get3A = arith.constant 0 : index
    %get3A_74 = tpu.vector_load %arg10[%get3A] {strides = array<i32>} : memref<16xf32, #tpu.memory_space<vmem>>, vector<16xf32>,
    %get3A_75 = arith.constant 0 : index
    %get3A_76 = tpu.vector_load %arg11[%get3A_75] {strides = array<i32>} : memref<512xf32, #tpu.memory_space<vmem>>, vector<16xf32>,
    %add3A_77 = arith.addf %get3A_76, %get3A_74 : vector<16xf32>
    %neg3A = arith.constant 0.000000e+00 : f32
    %neg3A_78 = vector.broadcast %neg3A : f32 to vector<16xf32>
    %neg3A_79 = arith.subf %neg3A_78, %add3A_77 : vector<16xf32>
    %exp3A = math.exp %neg3A_79 : vector<16xf32>
    %add3A_80 = arith.constant 1.000000e+00 : f32
    %add3A_81 = vector.broadcast %add3A_80 : f32 to vector<16xf32>
    %add3A_82 = arith.addf %add3A_81, %exp3A : vector<16xf32>
    %div3A = arith.constant 1.000000e+00 : f32
    %div3A_83 = vector.broadcast %div3A : f32 to vector<16xf32>
    %div3A_84 = arith.divf %div3A_83, %add3A_82 : vector<16xf32>
    %swap3A = arith.constant 0 : index
    %swap3A_85 = tpu.vector_load %arg11[%swap3A] {strides = array<i32>} : memref<512xf32, #tpu.memory_space<vmem>>, vector<16xf32>,
    tpu.vector_store %arg11[%swap3A], %div3A_84 {strides = array<i32>} : memref<512xf32, #tpu.memory_space<vmem>>, vector<16xf32>,
    %get3A_86 = arith.constant 16 : index
    %get3A_87 = tpu.vector_load %arg11[%get3A_86] {strides = array<i32>} : memref<512xf32, #tpu.memory_space<vmem>>, vector<16xf32>,
    %add3A_88 = arith.addf %get3A_87, %get3A_74 : vector<16xf32>
    %neg3A_89 = arith.constant 0.000000e+00 : f32
    %neg3A_90 = vector.broadcast %neg3A_89 : f32 to vector<16xf32>
    %neg3A_91 = arith.subf %neg3A_90, %add3A_88 : vector<16xf32>
    %exp3A_92 = math.exp %neg3A_91 : vector<16xf32>
    %add3A_93 = arith.constant 1.000000e+00 : f32
    %add3A_94 = vector.broadcast %add3A_93 : f32 to vector<16xf32>
    %add3A_95 = arith.addf %add3A_94, %exp3A_92 : vector<16xf32>
    %div3A_96 = arith.constant 1.000000e+00 : f32
    %div3A_97 = vector.broadcast %div3A_96 : f32 to vector<16xf32>
    %div3A_98 = arith.divf %div3A_97, %add3A_95 : vector<16xf32>
    %swap3A_99 = arith.constant 16 : index
    %swap3A_100 = tpu.vector_load %arg11[%swap3A_99] {strides = array<i32>} : memref<512xf32, #tpu.memory_space<vmem>>, vector<16xf32>,
    tpu.vector_store %arg11[%swap3A_99], %div3A_98 {strides = array<i32>} : memref<512xf32, #tpu.memory_space<vmem>>, vector<16xf32>,
    %get3A_101 = arith.constant 32 : index
    %get3A_102 = tpu.vector_load %arg11[%get3A_101] {strides = array<i32>} : memref<512xf32, #tpu.memory_space<vmem>>, vector<16xf32>,
    %add3A_103 = arith.addf %get3A_102, %get3A_74 : vector<16xf32>
    %neg3A_104 = arith.constant 0.000000e+00 : f32
    %neg3A_105 = vector.broadcast %neg3A_104 : f32 to vector<16xf32>
    %neg3A_106 = arith.subf %neg3A_105, %add3A_103 : vector<16xf32>
    %exp3A_107 = math.exp %neg3A_106 : vector<16xf32>
    %add3A_108 = arith.constant 1.000000e+00 : f32
    %add3A_109 = vector.broadcast %add3A_108 : f32 to vector<16xf32>
    %add3A_110 = arith.addf %add3A_109, %exp3A_107 : vector<16xf32>
    %div3A_111 = arith.constant 1.000000e+00 : f32
    %div3A_112 = vector.broadcast %div3A_111 : f32 to vector<16xf32>
    %div3A_113 = arith.divf %div3A_112, %add3A_110 : vector<16xf32>
    %swap3A_114 = arith.constant 32 : index
    %swap3A_115 = tpu.vector_load %arg11[%swap3A_114] {strides = array<i32>} : memref<512xf32, #tpu.memory_space<vmem>>, vector<16xf32>,
    tpu.vector_store %arg11[%swap3A_114], %div3A_113 {strides = array<i32>} : memref<512xf32, #tpu.memory_space<vmem>>, vector<16xf32>,
    %get3A_116 = arith.constant 48 : index
    %get3A_117 = tpu.vector_load %arg11[%get3A_116] {strides = array<i32>} : memref<512xf32, #tpu.memory_space<vmem>>, vector<16xf32>,
    %add3A_118 = arith.addf %get3A_117, %get3A_74 : vector<16xf32>
    %neg3A_119 = arith.constant 0.000000e+00 : f32
    %neg3A_120 = vector.broadcast %neg3A_119 : f32 to vector<16xf32>
    %neg3A_121 = arith.subf %neg3A_120, %add3A_118 : vector<16xf32>
    %exp3A_122 = math.exp %neg3A_121 : vector<16xf32>
    %add3A_123 = arith.constant 1.000000e+00 : f32
    %add3A_124 = vector.broadcast %add3A_123 : f32 to vector<16xf32>
    %add3A_125 = arith.addf %add3A_124, %exp3A_122 : vector<16xf32>
    %div3A_126 = arith.constant 1.000000e+00 : f32
    %div3A_127 = vector.broadcast %div3A_126 : f32 to vector<16xf32>
    %div3A_128 = arith.divf %div3A_127, %add3A_125 : vector<16xf32>
    %swap3A_129 = arith.constant 48 : index
    %swap3A_130 = tpu.vector_load %arg11[%swap3A_129] {strides = array<i32>} : memref<512xf32, #tpu.memory_space<vmem>>, vector<16xf32>,
    tpu.vector_store %arg11[%swap3A_129], %div3A_128 {strides = array<i32>} : memref<512xf32, #tpu.memory_space<vmem>>, vector<16xf32>,
    %get3A_131 = arith.constant 64 : index
    %get3A_132 = tpu.vector_load %arg11[%get3A_131] {strides = array<i32>} : memref<512xf32, #tpu.memory_space<vmem>>, vector<16xf32>,
    %add3A_133 = arith.addf %get3A_132, %get3A_74 : vector<16xf32>
    %neg3A_134 = arith.constant 0.000000e+00 : f32
    %neg3A_135 = vector.broadcast %neg3A_134 : f32 to vector<16xf32>
    %neg3A_136 = arith.subf %neg3A_135, %add3A_133 : vector<16xf32>
    %exp3A_137 = math.exp %neg3A_136 : vector<16xf32>
    %add3A_138 = arith.constant 1.000000e+00 : f32
    %add3A_139 = vector.broadcast %add3A_138 : f32 to vector<16xf32>
    %add3A_140 = arith.addf %add3A_139, %exp3A_137 : vector<16xf32>
    %div3A_141 = arith.constant 1.000000e+00 : f32
    %div3A_142 = vector.broadcast %div3A_141 : f32 to vector<16xf32>
    %div3A_143 = arith.divf %div3A_142, %add3A_140 : vector<16xf32>
    %swap3A_144 = arith.constant 64 : index
    %swap3A_145 = tpu.vector_load %arg11[%swap3A_144] {strides = array<i32>} : memref<512xf32, #tpu.memory_space<vmem>>, vector<16xf32>,
    tpu.vector_store %arg11[%swap3A_144], %div3A_143 {strides = array<i32>} : memref<512xf32, #tpu.memory_space<vmem>>, vector<16xf32>,
    %get3A_146 = arith.constant 80 : index
    %get3A_147 = tpu.vector_load %arg11[%get3A_146] {strides = array<i32>} : memref<512xf32, #tpu.memory_space<vmem>>, vector<16xf32>,
    %add3A_148 = arith.addf %get3A_147, %get3A_74 : vector<16xf32>
    %neg3A_149 = arith.constant 0.000000e+00 : f32
    %neg3A_150 = vector.broadcast %neg3A_149 : f32 to vector<16xf32>
    %neg3A_151 = arith.subf %neg3A_150, %add3A_148 : vector<16xf32>
    %exp3A_152 = math.exp %neg3A_151 : vector<16xf32>
    %add3A_153 = arith.constant 1.000000e+00 : f32
    %add3A_154 = vector.broadcast %add3A_153 : f32 to vector<16xf32>
    %add3A_155 = arith.addf %add3A_154, %exp3A_152 : vector<16xf32>
    %div3A_156 = arith.constant 1.000000e+00 : f32
    %div3A_157 = vector.broadcast %div3A_156 : f32 to vector<16xf32>
    %div3A_158 = arith.divf %div3A_157, %add3A_155 : vector<16xf32>
    %swap3A_159 = arith.constant 80 : index
    %swap3A_160 = tpu.vector_load %arg11[%swap3A_159] {strides = array<i32>} : memref<512xf32, #tpu.memory_space<vmem>>, vector<16xf32>,
    tpu.vector_store %arg11[%swap3A_159], %div3A_158 {strides = array<i32>} : memref<512xf32, #tpu.memory_space<vmem>>, vector<16xf32>,
    %get3A_161 = arith.constant 96 : index
    %get3A_162 = tpu.vector_load %arg11[%get3A_161] {strides = array<i32>} : memref<512xf32, #tpu.memory_space<vmem>>, vector<16xf32>,
    %add3A_163 = arith.addf %get3A_162, %get3A_74 : vector<16xf32>
    %neg3A_164 = arith.constant 0.000000e+00 : f32
    %neg3A_165 = vector.broadcast %neg3A_164 : f32 to vector<16xf32>
    %neg3A_166 = arith.subf %neg3A_165, %add3A_163 : vector<16xf32>
    %exp3A_167 = math.exp %neg3A_166 : vector<16xf32>
    %add3A_168 = arith.constant 1.000000e+00 : f32
    %add3A_169 = vector.broadcast %add3A_168 : f32 to vector<16xf32>
    %add3A_170 = arith.addf %add3A_169, %exp3A_167 : vector<16xf32>
    %div3A_171 = arith.constant 1.000000e+00 : f32
    %div3A_172 = vector.broadcast %div3A_171 : f32 to vector<16xf32>
    %div3A_173 = arith.divf %div3A_172, %add3A_170 : vector<16xf32>
    %swap3A_174 = arith.constant 96 : index
    %swap3A_175 = tpu.vector_load %arg11[%swap3A_174] {strides = array<i32>} : memref<512xf32, #tpu.memory_space<vmem>>, vector<16xf32>,
    tpu.vector_store %arg11[%swap3A_174], %div3A_173 {strides = array<i32>} : memref<512xf32, #tpu.memory_space<vmem>>, vector<16xf32>,
    %get3A_176 = arith.constant 112 : index
    %get3A_177 = tpu.vector_load %arg11[%get3A_176] {strides = array<i32>} : memref<512xf32, #tpu.memory_space<vmem>>, vector<16xf32>,
    %add3A_178 = arith.addf %get3A_177, %get3A_74 : vector<16xf32>
    %neg3A_179 = arith.constant 0.000000e+00 : f32
    %neg3A_180 = vector.broadcast %neg3A_179 : f32 to vector<16xf32>
    %neg3A_181 = arith.subf %neg3A_180, %add3A_178 : vector<16xf32>
    %exp3A_182 = math.exp %neg3A_181 : vector<16xf32>
    %add3A_183 = arith.constant 1.000000e+00 : f32
    %add3A_184 = vector.broadcast %add3A_183 : f32 to vector<16xf32>
    %add3A_185 = arith.addf %add3A_184, %exp3A_182 : vector<16xf32>
    %div3A_186 = arith.constant 1.000000e+00 : f32
    %div3A_187 = vector.broadcast %div3A_186 : f32 to vector<16xf32>
    %div3A_188 = arith.divf %div3A_187, %add3A_185 : vector<16xf32>
    %swap3A_189 = arith.constant 112 : index
    %swap3A_190 = tpu.vector_load %arg11[%swap3A_189] {strides = array<i32>} : memref<512xf32, #tpu.memory_space<vmem>>, vector<16xf32>,
    tpu.vector_store %arg11[%swap3A_189], %div3A_188 {strides = array<i32>} : memref<512xf32, #tpu.memory_space<vmem>>, vector<16xf32>,
    %get3A_191 = arith.constant 128 : index
    %get3A_192 = tpu.vector_load %arg11[%get3A_191] {strides = array<i32>} : memref<512xf32, #tpu.memory_space<vmem>>, vector<16xf32>,
    %add3A_193 = arith.addf %get3A_192, %get3A_74 : vector<16xf32>
    %neg3A_194 = arith.constant 0.000000e+00 : f32
    %neg3A_195 = vector.broadcast %neg3A_194 : f32 to vector<16xf32>
    %neg3A_196 = arith.subf %neg3A_195, %add3A_193 : vector<16xf32>
    %exp3A_197 = math.exp %neg3A_196 : vector<16xf32>
    %add3A_198 = arith.constant 1.000000e+00 : f32
    %add3A_199 = vector.broadcast %add3A_198 : f32 to vector<16xf32>
    %add3A_200 = arith.addf %add3A_199, %exp3A_197 : vector<16xf32>
    %div3A_201 = arith.constant 1.000000e+00 : f32
    %div3A_202 = vector.broadcast %div3A_201 : f32 to vector<16xf32>
    %div3A_203 = arith.divf %div3A_202, %add3A_200 : vector<16xf32>
    %swap3A_204 = arith.constant 128 : index
    %swap3A_205 = tpu.vector_load %arg11[%swap3A_204] {strides = array<i32>} : memref<512xf32, #tpu.memory_space<vmem>>, vector<16xf32>,
    tpu.vector_store %arg11[%swap3A_204], %div3A_203 {strides = array<i32>} : memref<512xf32, #tpu.memory_space<vmem>>, vector<16xf32>,
    %get3A_206 = arith.constant 144 : index
    %get3A_207 = tpu.vector_load %arg11[%get3A_206] {strides = array<i32>} : memref<512xf32, #tpu.memory_space<vmem>>, vector<16xf32>,
    %add3A_208 = arith.addf %get3A_207, %get3A_74 : vector<16xf32>
    %neg3A_209 = arith.constant 0.000000e+00 : f32
    %neg3A_210 = vector.broadcast %neg3A_209 : f32 to vector<16xf32>
    %neg3A_211 = arith.subf %neg3A_210, %add3A_208 : vector<16xf32>
    %exp3A_212 = math.exp %neg3A_211 : vector<16xf32>
    %add3A_213 = arith.constant 1.000000e+00 : f32
    %add3A_214 = vector.broadcast %add3A_213 : f32 to vector<16xf32>
    %add3A_215 = arith.addf %add3A_214, %exp3A_212 : vector<16xf32>
    %div3A_216 = arith.constant 1.000000e+00 : f32
    %div3A_217 = vector.broadcast %div3A_216 : f32 to vector<16xf32>
    %div3A_218 = arith.divf %div3A_217, %add3A_215 : vector<16xf32>
    %swap3A_219 = arith.constant 144 : index
    %swap3A_220 = tpu.vector_load %arg11[%swap3A_219] {strides = array<i32>} : memref<512xf32, #tpu.memory_space<vmem>>, vector<16xf32>,
    tpu.vector_store %arg11[%swap3A_219], %div3A_218 {strides = array<i32>} : memref<512xf32, #tpu.memory_space<vmem>>, vector<16xf32>,
    %get3A_221 = arith.constant 160 : index
    %get3A_222 = tpu.vector_load %arg11[%get3A_221] {strides = array<i32>} : memref<512xf32, #tpu.memory_space<vmem>>, vector<16xf32>,
    %add3A_223 = arith.addf %get3A_222, %get3A_74 : vector<16xf32>
    %neg3A_224 = arith.constant 0.000000e+00 : f32
    %neg3A_225 = vector.broadcast %neg3A_224 : f32 to vector<16xf32>
    %neg3A_226 = arith.subf %neg3A_225, %add3A_223 : vector<16xf32>
    %exp3A_227 = math.exp %neg3A_226 : vector<16xf32>
    %add3A_228 = arith.constant 1.000000e+00 : f32
    %add3A_229 = vector.broadcast %add3A_228 : f32 to vector<16xf32>
    %add3A_230 = arith.addf %add3A_229, %exp3A_227 : vector<16xf32>
    %div3A_231 = arith.constant 1.000000e+00 : f32
    %div3A_232 = vector.broadcast %div3A_231 : f32 to vector<16xf32>
    %div3A_233 = arith.divf %div3A_232, %add3A_230 : vector<16xf32>
    %swap3A_234 = arith.constant 160 : index
    %swap3A_235 = tpu.vector_load %arg11[%swap3A_234] {strides = array<i32>} : memref<512xf32, #tpu.memory_space<vmem>>, vector<16xf32>,
    tpu.vector_store %arg11[%swap3A_234], %div3A_233 {strides = array<i32>} : memref<512xf32, #tpu.memory_space<vmem>>, vector<16xf32>,
    %get3A_236 = arith.constant 176 : index
    %get3A_237 = tpu.vector_load %arg11[%get3A_236] {strides = array<i32>} : memref<512xf32, #tpu.memory_space<vmem>>, vector<16xf32>,
    %add3A_238 = arith.addf %get3A_237, %get3A_74 : vector<16xf32>
    %neg3A_239 = arith.constant 0.000000e+00 : f32
    %neg3A_240 = vector.broadcast %neg3A_239 : f32 to vector<16xf32>
    %neg3A_241 = arith.subf %neg3A_240, %add3A_238 : vector<16xf32>
    %exp3A_242 = math.exp %neg3A_241 : vector<16xf32>
    %add3A_243 = arith.constant 1.000000e+00 : f32
    %add3A_244 = vector.broadcast %add3A_243 : f32 to vector<16xf32>
    %add3A_245 = arith.addf %add3A_244, %exp3A_242 : vector<16xf32>
    %div3A_246 = arith.constant 1.000000e+00 : f32
    %div3A_247 = vector.broadcast %div3A_246 : f32 to vector<16xf32>
    %div3A_248 = arith.divf %div3A_247, %add3A_245 : vector<16xf32>
    %swap3A_249 = arith.constant 176 : index
    %swap3A_250 = tpu.vector_load %arg11[%swap3A_249] {strides = array<i32>} : memref<512xf32, #tpu.memory_space<vmem>>, vector<16xf32>,
    tpu.vector_store %arg11[%swap3A_249], %div3A_248 {strides = array<i32>} : memref<512xf32, #tpu.memory_space<vmem>>, vector<16xf32>,
    %get3A_251 = arith.constant 192 : index
    %get3A_252 = tpu.vector_load %arg11[%get3A_251] {strides = array<i32>} : memref<512xf32, #tpu.memory_space<vmem>>, vector<16xf32>,
    %add3A_253 = arith.addf %get3A_252, %get3A_74 : vector<16xf32>
    %neg3A_254 = arith.constant 0.000000e+00 : f32
    %neg3A_255 = vector.broadcast %neg3A_254 : f32 to vector<16xf32>
    %neg3A_256 = arith.subf %neg3A_255, %add3A_253 : vector<16xf32>
    %exp3A_257 = math.exp %neg3A_256 : vector<16xf32>
    %add3A_258 = arith.constant 1.000000e+00 : f32
    %add3A_259 = vector.broadcast %add3A_258 : f32 to vector<16xf32>
    %add3A_260 = arith.addf %add3A_259, %exp3A_257 : vector<16xf32>
    %div3A_261 = arith.constant 1.000000e+00 : f32
    %div3A_262 = vector.broadcast %div3A_261 : f32 to vector<16xf32>
    %div3A_263 = arith.divf %div3A_262, %add3A_260 : vector<16xf32>
    %swap3A_264 = arith.constant 192 : index
    %swap3A_265 = tpu.vector_load %arg11[%swap3A_264] {strides = array<i32>} : memref<512xf32, #tpu.memory_space<vmem>>, vector<16xf32>,
    tpu.vector_store %arg11[%swap3A_264], %div3A_263 {strides = array<i32>} : memref<512xf32, #tpu.memory_space<vmem>>, vector<16xf32>,
    %get3A_266 = arith.constant 208 : index
    %get3A_267 = tpu.vector_load %arg11[%get3A_266] {strides = array<i32>} : memref<512xf32, #tpu.memory_space<vmem>>, vector<16xf32>,
    %add3A_268 = arith.addf %get3A_267, %get3A_74 : vector<16xf32>
    %neg3A_269 = arith.constant 0.000000e+00 : f32
    %neg3A_270 = vector.broadcast %neg3A_269 : f32 to vector<16xf32>
    %neg3A_271 = arith.subf %neg3A_270, %add3A_268 : vector<16xf32>
    %exp3A_272 = math.exp %neg3A_271 : vector<16xf32>
    %add3A_273 = arith.constant 1.000000e+00 : f32
    %add3A_274 = vector.broadcast %add3A_273 : f32 to vector<16xf32>
    %add3A_275 = arith.addf %add3A_274, %exp3A_272 : vector<16xf32>
    %div3A_276 = arith.constant 1.000000e+00 : f32
    %div3A_277 = vector.broadcast %div3A_276 : f32 to vector<16xf32>
    %div3A_278 = arith.divf %div3A_277, %add3A_275 : vector<16xf32>
    %swap3A_279 = arith.constant 208 : index
    %swap3A_280 = tpu.vector_load %arg11[%swap3A_279] {strides = array<i32>} : memref<512xf32, #tpu.memory_space<vmem>>, vector<16xf32>,
    tpu.vector_store %arg11[%swap3A_279], %div3A_278 {strides = array<i32>} : memref<512xf32, #tpu.memory_space<vmem>>, vector<16xf32>,
    %get3A_281 = arith.constant 224 : index
    %get3A_282 = tpu.vector_load %arg11[%get3A_281] {strides = array<i32>} : memref<512xf32, #tpu.memory_space<vmem>>, vector<16xf32>,
    %add3A_283 = arith.addf %get3A_282, %get3A_74 : vector<16xf32>
    %neg3A_284 = arith.constant 0.000000e+00 : f32
    %neg3A_285 = vector.broadcast %neg3A_284 : f32 to vector<16xf32>
    %neg3A_286 = arith.subf %neg3A_285, %add3A_283 : vector<16xf32>
    %exp3A_287 = math.exp %neg3A_286 : vector<16xf32>
    %add3A_288 = arith.constant 1.000000e+00 : f32
    %add3A_289 = vector.broadcast %add3A_288 : f32 to vector<16xf32>
    %add3A_290 = arith.addf %add3A_289, %exp3A_287 : vector<16xf32>
    %div3A_291 = arith.constant 1.000000e+00 : f32
    %div3A_292 = vector.broadcast %div3A_291 : f32 to vector<16xf32>
    %div3A_293 = arith.divf %div3A_292, %add3A_290 : vector<16xf32>
    %swap3A_294 = arith.constant 224 : index
    %swap3A_295 = tpu.vector_load %arg11[%swap3A_294] {strides = array<i32>} : memref<512xf32, #tpu.memory_space<vmem>>, vector<16xf32>,
    tpu.vector_store %arg11[%swap3A_294], %div3A_293 {strides = array<i32>} : memref<512xf32, #tpu.memory_space<vmem>>, vector<16xf32>,
    %get3A_296 = arith.constant 240 : index
    %get3A_297 = tpu.vector_load %arg11[%get3A_296] {strides = array<i32>} : memref<512xf32, #tpu.memory_space<vmem>>, vector<16xf32>,
    %add3A_298 = arith.addf %get3A_297, %get3A_74 : vector<16xf32>
    %neg3A_299 = arith.constant 0.000000e+00 : f32
    %neg3A_300 = vector.broadcast %neg3A_299 : f32 to vector<16xf32>
    %neg3A_301 = arith.subf %neg3A_300, %add3A_298 : vector<16xf32>
    %exp3A_302 = math.exp %neg3A_301 : vector<16xf32>
    %add3A_303 = arith.constant 1.000000e+00 : f32
    %add3A_304 = vector.broadcast %add3A_303 : f32 to vector<16xf32>
    %add3A_305 = arith.addf %add3A_304, %exp3A_302 : vector<16xf32>
    %div3A_306 = arith.constant 1.000000e+00 : f32
    %div3A_307 = vector.broadcast %div3A_306 : f32 to vector<16xf32>
    %div3A_308 = arith.divf %div3A_307, %add3A_305 : vector<16xf32>
    %swap3A_309 = arith.constant 240 : index
    %swap3A_310 = tpu.vector_load %arg11[%swap3A_309] {strides = array<i32>} : memref<512xf32, #tpu.memory_space<vmem>>, vector<16xf32>,
    tpu.vector_store %arg11[%swap3A_309], %div3A_308 {strides = array<i32>} : memref<512xf32, #tpu.memory_space<vmem>>, vector<16xf32>,
    %get3A_311 = arith.constant 256 : index
    %get3A_312 = tpu.vector_load %arg11[%get3A_311] {strides = array<i32>} : memref<512xf32, #tpu.memory_space<vmem>>, vector<16xf32>,
    %add3A_313 = arith.addf %get3A_312, %get3A_74 : vector<16xf32>
    %neg3A_314 = arith.constant 0.000000e+00 : f32
    %neg3A_315 = vector.broadcast %neg3A_314 : f32 to vector<16xf32>
    %neg3A_316 = arith.subf %neg3A_315, %add3A_313 : vector<16xf32>
    %exp3A_317 = math.exp %neg3A_316 : vector<16xf32>
    %add3A_318 = arith.constant 1.000000e+00 : f32
    %add3A_319 = vector.broadcast %add3A_318 : f32 to vector<16xf32>
    %add3A_320 = arith.addf %add3A_319, %exp3A_317 : vector<16xf32>
    %div3A_321 = arith.constant 1.000000e+00 : f32
    %div3A_322 = vector.broadcast %div3A_321 : f32 to vector<16xf32>
    %div3A_323 = arith.divf %div3A_322, %add3A_320 : vector<16xf32>
    %swap3A_324 = arith.constant 256 : index
    %swap3A_325 = tpu.vector_load %arg11[%swap3A_324] {strides = array<i32>} : memref<512xf32, #tpu.memory_space<vmem>>, vector<16xf32>,
    tpu.vector_store %arg11[%swap3A_324], %div3A_323 {strides = array<i32>} : memref<512xf32, #tpu.memory_space<vmem>>, vector<16xf32>,
    %get3A_326 = arith.constant 272 : index
    %get3A_327 = tpu.vector_load %arg11[%get3A_326] {strides = array<i32>} : memref<512xf32, #tpu.memory_space<vmem>>, vector<16xf32>,
    %add3A_328 = arith.addf %get3A_327, %get3A_74 : vector<16xf32>
    %neg3A_329 = arith.constant 0.000000e+00 : f32
    %neg3A_330 = vector.broadcast %neg3A_329 : f32 to vector<16xf32>
    %neg3A_331 = arith.subf %neg3A_330, %add3A_328 : vector<16xf32>
    %exp3A_332 = math.exp %neg3A_331 : vector<16xf32>
    %add3A_333 = arith.constant 1.000000e+00 : f32
    %add3A_334 = vector.broadcast %add3A_333 : f32 to vector<16xf32>
    %add3A_335 = arith.addf %add3A_334, %exp3A_332 : vector<16xf32>
    %div3A_336 = arith.constant 1.000000e+00 : f32
    %div3A_337 = vector.broadcast %div3A_336 : f32 to vector<16xf32>
    %div3A_338 = arith.divf %div3A_337, %add3A_335 : vector<16xf32>
    %swap3A_339 = arith.constant 272 : index
    %swap3A_340 = tpu.vector_load %arg11[%swap3A_339] {strides = array<i32>} : memref<512xf32, #tpu.memory_space<vmem>>, vector<16xf32>,
    tpu.vector_store %arg11[%swap3A_339], %div3A_338 {strides = array<i32>} : memref<512xf32, #tpu.memory_space<vmem>>, vector<16xf32>,
    %get3A_341 = arith.constant 288 : index
    %get3A_342 = tpu.vector_load %arg11[%get3A_341] {strides = array<i32>} : memref<512xf32, #tpu.memory_space<vmem>>, vector<16xf32>,
    %add3A_343 = arith.addf %get3A_342, %get3A_74 : vector<16xf32>
    %neg3A_344 = arith.constant 0.000000e+00 : f32
    %neg3A_345 = vector.broadcast %neg3A_344 : f32 to vector<16xf32>
    %neg3A_346 = arith.subf %neg3A_345, %add3A_343 : vector<16xf32>
    %exp3A_347 = math.exp %neg3A_346 : vector<16xf32>
    %add3A_348 = arith.constant 1.000000e+00 : f32
    %add3A_349 = vector.broadcast %add3A_348 : f32 to vector<16xf32>
    %add3A_350 = arith.addf %add3A_349, %exp3A_347 : vector<16xf32>
    %div3A_351 = arith.constant 1.000000e+00 : f32
    %div3A_352 = vector.broadcast %div3A_351 : f32 to vector<16xf32>
    %div3A_353 = arith.divf %div3A_352, %add3A_350 : vector<16xf32>
    %swap3A_354 = arith.constant 288 : index
    %swap3A_355 = tpu.vector_load %arg11[%swap3A_354] {strides = array<i32>} : memref<512xf32, #tpu.memory_space<vmem>>, vector<16xf32>,
    tpu.vector_store %arg11[%swap3A_354], %div3A_353 {strides = array<i32>} : memref<512xf32, #tpu.memory_space<vmem>>, vector<16xf32>,
    %get3A_356 = arith.constant 304 : index
    %get3A_357 = tpu.vector_load %arg11[%get3A_356] {strides = array<i32>} : memref<512xf32, #tpu.memory_space<vmem>>, vector<16xf32>,
    %add3A_358 = arith.addf %get3A_357, %get3A_74 : vector<16xf32>
    %neg3A_359 = arith.constant 0.000000e+00 : f32
    %neg3A_360 = vector.broadcast %neg3A_359 : f32 to vector<16xf32>
    %neg3A_361 = arith.subf %neg3A_360, %add3A_358 : vector<16xf32>
    %exp3A_362 = math.exp %neg3A_361 : vector<16xf32>
    %add3A_363 = arith.constant 1.000000e+00 : f32
    %add3A_364 = vector.broadcast %add3A_363 : f32 to vector<16xf32>
    %add3A_365 = arith.addf %add3A_364, %exp3A_362 : vector<16xf32>
    %div3A_366 = arith.constant 1.000000e+00 : f32
    %div3A_367 = vector.broadcast %div3A_366 : f32 to vector<16xf32>
    %div3A_368 = arith.divf %div3A_367, %add3A_365 : vector<16xf32>
    %swap3A_369 = arith.constant 304 : index
    %swap3A_370 = tpu.vector_load %arg11[%swap3A_369] {strides = array<i32>} : memref<512xf32, #tpu.memory_space<vmem>>, vector<16xf32>,
    tpu.vector_store %arg11[%swap3A_369], %div3A_368 {strides = array<i32>} : memref<512xf32, #tpu.memory_space<vmem>>, vector<16xf32>,
    %get3A_371 = arith.constant 320 : index
    %get3A_372 = tpu.vector_load %arg11[%get3A_371] {strides = array<i32>} : memref<512xf32, #tpu.memory_space<vmem>>, vector<16xf32>,
    %add3A_373 = arith.addf %get3A_372, %get3A_74 : vector<16xf32>
    %neg3A_374 = arith.constant 0.000000e+00 : f32
    %neg3A_375 = vector.broadcast %neg3A_374 : f32 to vector<16xf32>
    %neg3A_376 = arith.subf %neg3A_375, %add3A_373 : vector<16xf32>
    %exp3A_377 = math.exp %neg3A_376 : vector<16xf32>
    %add3A_378 = arith.constant 1.000000e+00 : f32
    %add3A_379 = vector.broadcast %add3A_378 : f32 to vector<16xf32>
    %add3A_380 = arith.addf %add3A_379, %exp3A_377 : vector<16xf32>
    %div3A_381 = arith.constant 1.000000e+00 : f32
    %div3A_382 = vector.broadcast %div3A_381 : f32 to vector<16xf32>
    %div3A_383 = arith.divf %div3A_382, %add3A_380 : vector<16xf32>
    %swap3A_384 = arith.constant 320 : index
    %swap3A_385 = tpu.vector_load %arg11[%swap3A_384] {strides = array<i32>} : memref<512xf32, #tpu.memory_space<vmem>>, vector<16xf32>,
    tpu.vector_store %arg11[%swap3A_384], %div3A_383 {strides = array<i32>} : memref<512xf32, #tpu.memory_space<vmem>>, vector<16xf32>,
    %get3A_386 = arith.constant 336 : index
    %get3A_387 = tpu.vector_load %arg11[%get3A_386] {strides = array<i32>} : memref<512xf32, #tpu.memory_space<vmem>>, vector<16xf32>,
    %add3A_388 = arith.addf %get3A_387, %get3A_74 : vector<16xf32>
    %neg3A_389 = arith.constant 0.000000e+00 : f32
    %neg3A_390 = vector.broadcast %neg3A_389 : f32 to vector<16xf32>
    %neg3A_391 = arith.subf %neg3A_390, %add3A_388 : vector<16xf32>
    %exp3A_392 = math.exp %neg3A_391 : vector<16xf32>
    %add3A_393 = arith.constant 1.000000e+00 : f32
    %add3A_394 = vector.broadcast %add3A_393 : f32 to vector<16xf32>
    %add3A_395 = arith.addf %add3A_394, %exp3A_392 : vector<16xf32>
    %div3A_396 = arith.constant 1.000000e+00 : f32
    %div3A_397 = vector.broadcast %div3A_396 : f32 to vector<16xf32>
    %div3A_398 = arith.divf %div3A_397, %add3A_395 : vector<16xf32>
    %swap3A_399 = arith.constant 336 : index
    %swap3A_400 = tpu.vector_load %arg11[%swap3A_399] {strides = array<i32>} : memref<512xf32, #tpu.memory_space<vmem>>, vector<16xf32>,
    tpu.vector_store %arg11[%swap3A_399], %div3A_398 {strides = array<i32>} : memref<512xf32, #tpu.memory_space<vmem>>, vector<16xf32>,
    %get3A_401 = arith.constant 352 : index
    %get3A_402 = tpu.vector_load %arg11[%get3A_401] {strides = array<i32>} : memref<512xf32, #tpu.memory_space<vmem>>, vector<16xf32>,
    %add3A_403 = arith.addf %get3A_402, %get3A_74 : vector<16xf32>
    %neg3A_404 = arith.constant 0.000000e+00 : f32
    %neg3A_405 = vector.broadcast %neg3A_404 : f32 to vector<16xf32>
    %neg3A_406 = arith.subf %neg3A_405, %add3A_403 : vector<16xf32>
    %exp3A_407 = math.exp %neg3A_406 : vector<16xf32>
    %add3A_408 = arith.constant 1.000000e+00 : f32
    %add3A_409 = vector.broadcast %add3A_408 : f32 to vector<16xf32>
    %add3A_410 = arith.addf %add3A_409, %exp3A_407 : vector<16xf32>
    %div3A_411 = arith.constant 1.000000e+00 : f32
    %div3A_412 = vector.broadcast %div3A_411 : f32 to vector<16xf32>
    %div3A_413 = arith.divf %div3A_412, %add3A_410 : vector<16xf32>
    %swap3A_414 = arith.constant 352 : index
    %swap3A_415 = tpu.vector_load %arg11[%swap3A_414] {strides = array<i32>} : memref<512xf32, #tpu.memory_space<vmem>>, vector<16xf32>,
    tpu.vector_store %arg11[%swap3A_414], %div3A_413 {strides = array<i32>} : memref<512xf32, #tpu.memory_space<vmem>>, vector<16xf32>,
    %get3A_416 = arith.constant 368 : index
    %get3A_417 = tpu.vector_load %arg11[%get3A_416] {strides = array<i32>} : memref<512xf32, #tpu.memory_space<vmem>>, vector<16xf32>,
    %add3A_418 = arith.addf %get3A_417, %get3A_74 : vector<16xf32>
    %neg3A_419 = arith.constant 0.000000e+00 : f32
    %neg3A_420 = vector.broadcast %neg3A_419 : f32 to vector<16xf32>
    %neg3A_421 = arith.subf %neg3A_420, %add3A_418 : vector<16xf32>
    %exp3A_422 = math.exp %neg3A_421 : vector<16xf32>
    %add3A_423 = arith.constant 1.000000e+00 : f32
    %add3A_424 = vector.broadcast %add3A_423 : f32 to vector<16xf32>
    %add3A_425 = arith.addf %add3A_424, %exp3A_422 : vector<16xf32>
    %div3A_426 = arith.constant 1.000000e+00 : f32
    %div3A_427 = vector.broadcast %div3A_426 : f32 to vector<16xf32>
    %div3A_428 = arith.divf %div3A_427, %add3A_425 : vector<16xf32>
    %swap3A_429 = arith.constant 368 : index
    %swap3A_430 = tpu.vector_load %arg11[%swap3A_429] {strides = array<i32>} : memref<512xf32, #tpu.memory_space<vmem>>, vector<16xf32>,
    tpu.vector_store %arg11[%swap3A_429], %div3A_428 {strides = array<i32>} : memref<512xf32, #tpu.memory_space<vmem>>, vector<16xf32>,
    %get3A_431 = arith.constant 384 : index
    %get3A_432 = tpu.vector_load %arg11[%get3A_431] {strides = array<i32>} : memref<512xf32, #tpu.memory_space<vmem>>, vector<16xf32>,
    %add3A_433 = arith.addf %get3A_432, %get3A_74 : vector<16xf32>
    %neg3A_434 = arith.constant 0.000000e+00 : f32
    %neg3A_435 = vector.broadcast %neg3A_434 : f32 to vector<16xf32>
    %neg3A_436 = arith.subf %neg3A_435, %add3A_433 : vector<16xf32>
    %exp3A_437 = math.exp %neg3A_436 : vector<16xf32>
    %add3A_438 = arith.constant 1.000000e+00 : f32
    %add3A_439 = vector.broadcast %add3A_438 : f32 to vector<16xf32>
    %add3A_440 = arith.addf %add3A_439, %exp3A_437 : vector<16xf32>
    %div3A_441 = arith.constant 1.000000e+00 : f32
    %div3A_442 = vector.broadcast %div3A_441 : f32 to vector<16xf32>
    %div3A_443 = arith.divf %div3A_442, %add3A_440 : vector<16xf32>
    %swap3A_444 = arith.constant 384 : index
    %swap3A_445 = tpu.vector_load %arg11[%swap3A_444] {strides = array<i32>} : memref<512xf32, #tpu.memory_space<vmem>>, vector<16xf32>,
    tpu.vector_store %arg11[%swap3A_444], %div3A_443 {strides = array<i32>} : memref<512xf32, #tpu.memory_space<vmem>>, vector<16xf32>,
    %get3A_446 = arith.constant 400 : index
    %get3A_447 = tpu.vector_load %arg11[%get3A_446] {strides = array<i32>} : memref<512xf32, #tpu.memory_space<vmem>>, vector<16xf32>,
    %add3A_448 = arith.addf %get3A_447, %get3A_74 : vector<16xf32>
    %neg3A_449 = arith.constant 0.000000e+00 : f32
    %neg3A_450 = vector.broadcast %neg3A_449 : f32 to vector<16xf32>
    %neg3A_451 = arith.subf %neg3A_450, %add3A_448 : vector<16xf32>
    %exp3A_452 = math.exp %neg3A_451 : vector<16xf32>
    %add3A_453 = arith.constant 1.000000e+00 : f32
    %add3A_454 = vector.broadcast %add3A_453 : f32 to vector<16xf32>
    %add3A_455 = arith.addf %add3A_454, %exp3A_452 : vector<16xf32>
    %div3A_456 = arith.constant 1.000000e+00 : f32
    %div3A_457 = vector.broadcast %div3A_456 : f32 to vector<16xf32>
    %div3A_458 = arith.divf %div3A_457, %add3A_455 : vector<16xf32>
    %swap3A_459 = arith.constant 400 : index
    %swap3A_460 = tpu.vector_load %arg11[%swap3A_459] {strides = array<i32>} : memref<512xf32, #tpu.memory_space<vmem>>, vector<16xf32>,
    tpu.vector_store %arg11[%swap3A_459], %div3A_458 {strides = array<i32>} : memref<512xf32, #tpu.memory_space<vmem>>, vector<16xf32>,
    %get3A_461 = arith.constant 416 : index
    %get3A_462 = tpu.vector_load %arg11[%get3A_461] {strides = array<i32>} : memref<512xf32, #tpu.memory_space<vmem>>, vector<16xf32>,
    %add3A_463 = arith.addf %get3A_462, %get3A_74 : vector<16xf32>
    %neg3A_464 = arith.constant 0.000000e+00 : f32
    %neg3A_465 = vector.broadcast %neg3A_464 : f32 to vector<16xf32>
    %neg3A_466 = arith.subf %neg3A_465, %add3A_463 : vector<16xf32>
    %exp3A_467 = math.exp %neg3A_466 : vector<16xf32>
    %add3A_468 = arith.constant 1.000000e+00 : f32
    %add3A_469 = vector.broadcast %add3A_468 : f32 to vector<16xf32>
    %add3A_470 = arith.addf %add3A_469, %exp3A_467 : vector<16xf32>
    %div3A_471 = arith.constant 1.000000e+00 : f32
    %div3A_472 = vector.broadcast %div3A_471 : f32 to vector<16xf32>
    %div3A_473 = arith.divf %div3A_472, %add3A_470 : vector<16xf32>
    %swap3A_474 = arith.constant 416 : index
    %swap3A_475 = tpu.vector_load %arg11[%swap3A_474] {strides = array<i32>} : memref<512xf32, #tpu.memory_space<vmem>>, vector<16xf32>,
    tpu.vector_store %arg11[%swap3A_474], %div3A_473 {strides = array<i32>} : memref<512xf32, #tpu.memory_space<vmem>>, vector<16xf32>,
    %get3A_476 = arith.constant 432 : index
    %get3A_477 = tpu.vector_load %arg11[%get3A_476] {strides = array<i32>} : memref<512xf32, #tpu.memory_space<vmem>>, vector<16xf32>,
    %add3A_478 = arith.addf %get3A_477, %get3A_74 : vector<16xf32>
    %neg3A_479 = arith.constant 0.000000e+00 : f32
    %neg3A_480 = vector.broadcast %neg3A_479 : f32 to vector<16xf32>
    %neg3A_481 = arith.subf %neg3A_480, %add3A_478 : vector<16xf32>
    %exp3A_482 = math.exp %neg3A_481 : vector<16xf32>
    %add3A_483 = arith.constant 1.000000e+00 : f32
    %add3A_484 = vector.broadcast %add3A_483 : f32 to vector<16xf32>
    %add3A_485 = arith.addf %add3A_484, %exp3A_482 : vector<16xf32>
    %div3A_486 = arith.constant 1.000000e+00 : f32
    %div3A_487 = vector.broadcast %div3A_486 : f32 to vector<16xf32>
    %div3A_488 = arith.divf %div3A_487, %add3A_485 : vector<16xf32>
    %swap3A_489 = arith.constant 432 : index
    %swap3A_490 = tpu.vector_load %arg11[%swap3A_489] {strides = array<i32>} : memref<512xf32, #tpu.memory_space<vmem>>, vector<16xf32>,
    tpu.vector_store %arg11[%swap3A_489], %div3A_488 {strides = array<i32>} : memref<512xf32, #tpu.memory_space<vmem>>, vector<16xf32>,
    %get3A_491 = arith.constant 448 : index
    %get3A_492 = tpu.vector_load %arg11[%get3A_491] {strides = array<i32>} : memref<512xf32, #tpu.memory_space<vmem>>, vector<16xf32>,
    %add3A_493 = arith.addf %get3A_492, %get3A_74 : vector<16xf32>
    %neg3A_494 = arith.constant 0.000000e+00 : f32
    %neg3A_495 = vector.broadcast %neg3A_494 : f32 to vector<16xf32>
    %neg3A_496 = arith.subf %neg3A_495, %add3A_493 : vector<16xf32>
    %exp3A_497 = math.exp %neg3A_496 : vector<16xf32>
    %add3A_498 = arith.constant 1.000000e+00 : f32
    %add3A_499 = vector.broadcast %add3A_498 : f32 to vector<16xf32>
    %add3A_500 = arith.addf %add3A_499, %exp3A_497 : vector<16xf32>
    %div3A_501 = arith.constant 1.000000e+00 : f32
    %div3A_502 = vector.broadcast %div3A_501 : f32 to vector<16xf32>
    %div3A_503 = arith.divf %div3A_502, %add3A_500 : vector<16xf32>
    %swap3A_504 = arith.constant 448 : index
    %swap3A_505 = tpu.vector_load %arg11[%swap3A_504] {strides = array<i32>} : memref<512xf32, #tpu.memory_space<vmem>>, vector<16xf32>,
    tpu.vector_store %arg11[%swap3A_504], %div3A_503 {strides = array<i32>} : memref<512xf32, #tpu.memory_space<vmem>>, vector<16xf32>,
    %get3A_506 = arith.constant 464 : index
    %get3A_507 = tpu.vector_load %arg11[%get3A_506] {strides = array<i32>} : memref<512xf32, #tpu.memory_space<vmem>>, vector<16xf32>,
    %add3A_508 = arith.addf %get3A_507, %get3A_74 : vector<16xf32>
    %neg3A_509 = arith.constant 0.000000e+00 : f32
    %neg3A_510 = vector.broadcast %neg3A_509 : f32 to vector<16xf32>
    %neg3A_511 = arith.subf %neg3A_510, %add3A_508 : vector<16xf32>
    %exp3A_512 = math.exp %neg3A_511 : vector<16xf32>
    %add3A_513 = arith.constant 1.000000e+00 : f32
    %add3A_514 = vector.broadcast %add3A_513 : f32 to vector<16xf32>
    %add3A_515 = arith.addf %add3A_514, %exp3A_512 : vector<16xf32>
    %div3A_516 = arith.constant 1.000000e+00 : f32
    %div3A_517 = vector.broadcast %div3A_516 : f32 to vector<16xf32>
    %div3A_518 = arith.divf %div3A_517, %add3A_515 : vector<16xf32>
    %swap3A_519 = arith.constant 464 : index
    %swap3A_520 = tpu.vector_load %arg11[%swap3A_519] {strides = array<i32>} : memref<512xf32, #tpu.memory_space<vmem>>, vector<16xf32>,
    tpu.vector_store %arg11[%swap3A_519], %div3A_518 {strides = array<i32>} : memref<512xf32, #tpu.memory_space<vmem>>, vector<16xf32>,
    %get3A_521 = arith.constant 480 : index
    %get3A_522 = tpu.vector_load %arg11[%get3A_521] {strides = array<i32>} : memref<512xf32, #tpu.memory_space<vmem>>, vector<16xf32>,
    %add3A_523 = arith.addf %get3A_522, %get3A_74 : vector<16xf32>
    %neg3A_524 = arith.constant 0.000000e+00 : f32
    %neg3A_525 = vector.broadcast %neg3A_524 : f32 to vector<16xf32>
    %neg3A_526 = arith.subf %neg3A_525, %add3A_523 : vector<16xf32>
    %exp3A_527 = math.exp %neg3A_526 : vector<16xf32>
    %add3A_528 = arith.constant 1.000000e+00 : f32
    %add3A_529 = vector.broadcast %add3A_528 : f32 to vector<16xf32>
    %add3A_530 = arith.addf %add3A_529, %exp3A_527 : vector<16xf32>
    %div3A_531 = arith.constant 1.000000e+00 : f32
    %div3A_532 = vector.broadcast %div3A_531 : f32 to vector<16xf32>
    %div3A_533 = arith.divf %div3A_532, %add3A_530 : vector<16xf32>
    %swap3A_534 = arith.constant 480 : index
    %swap3A_535 = tpu.vector_load %arg11[%swap3A_534] {strides = array<i32>} : memref<512xf32, #tpu.memory_space<vmem>>, vector<16xf32>,
    tpu.vector_store %arg11[%swap3A_534], %div3A_533 {strides = array<i32>} : memref<512xf32, #tpu.memory_space<vmem>>, vector<16xf32>,
    %get3A_536 = arith.constant 496 : index
    %get3A_537 = tpu.vector_load %arg11[%get3A_536] {strides = array<i32>} : memref<512xf32, #tpu.memory_space<vmem>>, vector<16xf32>,
    %add3A_538 = arith.addf %get3A_537, %get3A_74 : vector<16xf32>
    %neg3A_539 = arith.constant 0.000000e+00 : f32
    %neg3A_540 = vector.broadcast %neg3A_539 : f32 to vector<16xf32>
    %neg3A_541 = arith.subf %neg3A_540, %add3A_538 : vector<16xf32>
    %exp3A_542 = math.exp %neg3A_541 : vector<16xf32>
    %add3A_543 = arith.constant 1.000000e+00 : f32
    %add3A_544 = vector.broadcast %add3A_543 : f32 to vector<16xf32>
    %add3A_545 = arith.addf %add3A_544, %exp3A_542 : vector<16xf32>
    %div3A_546 = arith.constant 1.000000e+00 : f32
    %div3A_547 = vector.broadcast %div3A_546 : f32 to vector<16xf32>
    %div3A_548 = arith.divf %div3A_547, %add3A_545 : vector<16xf32>
    %swap3A_549 = arith.constant 496 : index
    %swap3A_550 = tpu.vector_load %arg11[%swap3A_549] {strides = array<i32>} : memref<512xf32, #tpu.memory_space<vmem>>, vector<16xf32>,
    tpu.vector_store %arg11[%swap3A_549], %div3A_548 {strides = array<i32>} : memref<512xf32, #tpu.memory_space<vmem>>, vector<16xf32>,
    "tpu.region"() ({
      %run_scoped3A = tpu.sem_alloc : memref<!tpu.dma_semaphore, #tpu.memory_space<semaphore_mem>>
      %dma_start3A_551 = tpu.memref_slice %arg5[%mul3A_2] : memref<16384xf32, #tpu.memory_space<hbm>> -> memref<512xf32, #tpu.memory_space<hbm>>
      %dma_start3A_552 = tpu.memref_slice %arg5[%mul3A_2] : memref<16384xf32, #tpu.memory_space<hbm>> -> memref<512xf32, #tpu.memory_space<hbm>>
      tpu.enqueue_dma source(%arg11 : memref<512xf32, #tpu.memory_space<vmem>>) target(%dma_start3A_552 : memref<512xf32, #tpu.memory_space<hbm>>) target_semaphore(%run_scoped3A : memref<!tpu.dma_semaphore, #tpu.memory_space<semaphore_mem>>)
      %dma_wait3A_553 = tpu.memref_slice %arg5[%mul3A_2] : memref<16384xf32, #tpu.memory_space<hbm>> -> memref<512xf32, #tpu.memory_space<hbm>>
      %dma_wait3A_554 = tpu.memref_slice %arg5[%mul3A_2] : memref<16384xf32, #tpu.memory_space<hbm>> -> memref<512xf32, #tpu.memory_space<hbm>>
      tpu.wait_dma2 semaphore(%run_scoped3A : memref<!tpu.dma_semaphore, #tpu.memory_space<semaphore_mem>>) src(%arg11 : memref<512xf32, #tpu.memory_space<vmem>>) dst(%dma_wait3A_554 : memref<512xf32, #tpu.memory_space<hbm>>)
      tpu.yield
    }) : () -> ()
    return
  }
}

module attributes {stable_mosaic.version = 14 : i64} {
  func.func @_tw_body(%arg0: i32, %arg1: memref<16x131072xf32, #tpu.memory_space<vmem>>, %arg2: memref<16x128xf32, #tpu.memory_space<vmem>>, %arg3: memref<131072xf32, #tpu.memory_space<vmem>>) attributes {dimension_semantics = [#tpu.dimension_semantics<arbitrary>], iteration_bounds = array<i64: 8>, scalar_prefetch = 0 : i64, scratch_operands = 0 : i64, tpu.core_type = #tpu.core_type<tc>, window_params = [{transform_indices = @transform_0, window_bounds = array<i64: 16, 131072>}, {pipeline_mode = #tpu.pipeline_mode<synchronous>, transform_indices = @transform_1, window_bounds = array<i64: 16, 128>}, {transform_indices = @transform_2, window_bounds = array<i64: 131072>}]} {
    %get3A = arith.constant 0 : index
    %get3A_0 = arith.constant 0 : index
    %get3A_1 = vector.load %arg2[%get3A, %get3A_0] : memref<16x128xf32, #tpu.memory_space<vmem>>, vector<16x1xf32>
    %get3A_2 = arith.constant 0 : index
    %get3A_3 = arith.constant 0 : index
    %get3A_4 = vector.load %arg1[%get3A_2, %get3A_3] : memref<16x131072xf32, #tpu.memory_space<vmem>>, vector<16x131072xf32>
    %mul3A = vector.broadcast %get3A_1 : vector<16x1xf32> to vector<16x131072xf32>
    %mul3A_5 = arith.mulf %get3A_4, %mul3A : vector<16x131072xf32>
    %reduce_sum3A = arith.constant dense<0.000000e+00> : vector<131072xf32>
    %reduce_sum3A_6 = vector.multi_reduction <add>, %mul3A_5, %reduce_sum3A [0] : vector<16x131072xf32> to vector<131072xf32>
    %swap3A = arith.constant 0 : index
    %swap3A_7 = vector.load %arg3[%swap3A] : memref<131072xf32, #tpu.memory_space<vmem>>, vector<131072xf32>
    tpu.vector_store %arg3[%swap3A], %reduce_sum3A_6 {strides = array<i32>} : memref<131072xf32, #tpu.memory_space<vmem>>, vector<131072xf32>,
    return
  }
  func.func @transform_0(%arg0: i32) -> (i32, i32) {
    %c0_i32 = arith.constant 0 : i32
    %c0_i32_0 = arith.constant 0 : i32
    return %c0_i32, %arg0 : i32, i32
  }
  func.func @transform_1(%arg0: i32) -> (i32, i32) {
    %c0_i32 = arith.constant 0 : i32
    %c0_i32_0 = arith.constant 0 : i32
    %c0_i32_1 = arith.constant 0 : i32
    return %c0_i32, %c0_i32_0 : i32, i32
  }
  func.func @transform_2(%arg0: i32) -> i32 {
    %c0_i32 = arith.constant 0 : i32
    return %arg0 : i32
  }
}

</mosaic_0001>

<sc_bundles>
// kernel: kernel.4.cloned.1.call-start
scs
__scs_entry_jumppad:
0x0: {  	(pc) =	sbr.rel $0x88, $3  }
0x1: {  	(tag) =	ssettag $0x0;
	lr =	simm.s32 $0x1  }
0x2: {  	[smem:$0x3F9D] =	sst lr;
	_ =	strace $0xD0000000  }
0x3: {  	_ = 	snop  }
0x4: {  	_ = 	snop  }
0x5: {  	_ = 	snop  }
0x6: {  	_ = 	snop  }
0x7: {  	_ = 	snop  }
__scs_overlays_trampoline_lowered:
0x8: {  	[smem:$0x3FAC] =	sst s0  }
0x9: {  	[smem:$0x3FAD] =	sst s1  }
0xa: {  	[smem:$0x3FAE] =	sst s2  }
0xb: {  	[smem:$0x3FAF] =	sst s3  }
0xc: {  	[smem:$0x3FB0] =	sst s4  }
0xd: {  	[smem:$0x3FB1] =	sst s5  }
0xe: {  	[smem:$0x3FB2] =	sst s6  }
0xf: {  	[smem:$0x3FB3] =	sst s7  }
0x10: {  	[smem:$0x3FB4] =	sst s8  }
0x11: {  	[smem:$0x3FB5] =	sst s9;
	s0 =	simm.s32 @!p0 $0x0  }
0x12: {  	s1 =	sld [smem:$0x3F9B];
	s0 =	simm.s32 @p0 $0x1  }
0x13: {  	[smem:$0x3FB6] =	sst s0;
	s0 =	simm.s32 @!p1 $0x0  }
0x14: {  	s2 =	sld [smem:$0x3F9A];
	s0 =	simm.s32 @p1 $0x1  }
0x15: {  	[smem:$0x3FB7] =	sst s0;
	s0 =	simm.s32 @!p2 $0x0  }
0x16: {  	s3 =	sld [smem:$0x3FDB];
	s0 =	simm.s32 @p2 $0x1  }
0x17: {  	s4 =	simm.s32 $0x1BF5;
	[smem:$0x3FB9] =	sst s0  }
0x18: {  	s0 =	sld [smem:$0x3F9C];
	_ =	swait.ge [sflag:s4], $0x0  }
0x19: {  	s7 =	sld [smem:$0x3F9D]  }
0x1a: {  	s8 =	sadd.s32 $0xFFFFE003, lr  }
0x1b: {  	s9 =	sadd.s32 $0xFFFFFEF7, lr;
	s5 =	simm.s32 $0xFFFFFFFF;
	p2 =	slt.u32 s8, $0xFFFFF086  }
0x1c: {  	p1 =	slt.u32 s9, $0xF7A;
	s5 =	simm.s32 @!p2 $0x0  }
0x1d: {  	s5 =	simm.s32 @p1 $0x1;
	p0 =	seq.s32 s7, s2  }
0x1e: {  	s7 =	smul.u32 @!p0 $0xF7A, s2;
	p2 =	seq.s32 @!p0 s5, $0x0  }
0x1f: {  	s9 =	smul.u32 $0xF7A, s1;
	s8 =	simm.s32 @!p0 $0x1BF5;
	p2 =	por !p2, p0  }
0x20: {  	[sflag:s8] =	ssyncset.s32 @!p0 $0xFFFFF086;
	s6 =	sadd.s32 @!p0 s3, s7;
	s7 =	simm.s32 @!p0 $0x108  }
0x21: {  	s3 =	sadd.s32 s3, s9;
	s6 =	sadd.s32 @!p0 $0x88, s6;
	s7 =	simm.s32 @p2 $0x1082  }
0x22: {  	[simem:s7], [sflag:s8] =	dma.local @!p0 [hbm:s6], $0xF7A  }
0x23: {  	s9 =	sor.u32 $0xD0000000, s2;
	s6 =	simm.s32 $0x108;
	_ =	swait.ge @!p0 [sflag:s8], $0x0  }
0x24: {  	s3 =	sadd.s32 $0x88, s3;
	s6 =	simm.s32 @!p1 $0x1082;
	[sflag:s4] =	ssyncset.s32 $0xFFFFF086  }
0x25: {  	[simem:s6], [sflag:s4] =	dma.local [hbm:s3], $0xF7A  }
0x26: {  	[smem:$0x3F9D] =	sst s1;
	(tag) =	ssettag s2;
	_ =	strace s9  }
0x27: {  	s1 =	sld [smem:$0x3FAD]  }
0x28: {  	s2 =	sld [smem:$0x3FAE]  }
0x29: {  	s4 =	sld [smem:$0x3FB0]  }
0x2a: {  	p0 =	seq.s32 s5, $0x0;
	s5 =	sld [smem:$0x3FB1]  }
0x2b: {  	s6 =	sld [smem:$0x3FB2]  }
0x2c: {  	s7 =	sld [smem:$0x3FB3]  }
0x2d: {  	s3 =	simm.s32 $0x108;
	s8 =	sld [smem:$0x3FB4]  }
0x2e: {  	s3 =	simm.s32 @!p0 $0x1082;
	s9 =	sld [smem:$0x3FB5]  }
0x2f: {  	lr =	sadd.s32 s0, s3;
	s0 =	sld [smem:$0x3FAC]  }
0x30: {  	s3 =	sld [smem:$0x3FAF]  }
0x31: {  	[smem:$0x3FB8] =	sst s10  }
0x32: {  	s10 =	sld [smem:$0x3FB6];
	_ =	sdelay $0x3  }
0x33: {  	p0 =	seq.s32 s10, $0x1;
	s10 =	sld [smem:$0x3FB8];
	_ =	sdelay $0x3  }
0x34: {  	[smem:$0x3FB8] =	sst s10  }
0x35: {  	s10 =	sld [smem:$0x3FB7];
	_ =	sdelay $0x3  }
0x36: {  	p1 =	seq.s32 s10, $0x1;
	s10 =	sld [smem:$0x3FB8];
	_ =	sdelay $0x3  }
0x37: {  	[smem:$0x3FB8] =	sst s10  }
0x38: {  	s10 =	sld [smem:$0x3FB9]  }
0x39: {  	_ = 	snop;
	(pc) =	sbr.ind lr, $3  }
0x3a: {  	_ = 	snop  }
0x3b: {  	_ = 	snop  }
0x3c: {  	p2 =	seq.s32 s10, $0x1;
	s10 =	sld [smem:$0x3FB8]  }
0x3d: {  	_ =	shalt  }
0x3e: {  	_ =	shalt  }
0x3f: {  	_ =	shalt  }
0x40: {  	_ =	shalt  }
0x41: {  	_ =	shalt  }
0x42: {  	_ =	shalt  }
0x43: {  	_ =	shalt  }
0x44: {  	_ =	shalt  }
0x45: {  	_ =	shalt  }
0x46: {  	_ =	shalt  }
0x47: {  	_ =	shalt  }
0x48: {  	_ =	shalt  }
0x49: {  	_ =	shalt  }
0x4a: {  	_ =	shalt  }
0x4b: {  	_ =	shalt  }
0x4c: {  	_ =	shalt  }
0x4d: {  	_ =	shalt  }
0x4e: {  	_ =	shalt  }
0x4f: {  	_ =	shalt  }
0x50: {  	_ =	shalt  }
0x51: {  	_ =	shalt  }
0x52: {  	_ =	shalt  }
0x53: {  	_ =	shalt  }
0x54: {  	_ =	shalt  }
0x55: {  	_ =	shalt  }
0x56: {  	_ =	shalt  }
0x57: {  	_ =	shalt  }
0x58: {  	_ =	shalt  }
0x59: {  	_ =	shalt  }
0x5a: {  	_ =	shalt  }
0x5b: {  	_ =	shalt  }
0x5c: {  	_ =	shalt  }
0x5d: {  	_ =	shalt  }
0x5e: {  	_ =	shalt  }
0x5f: {  	_ =	shalt  }
0x60: {  	_ =	shalt  }
0x61: {  	_ =	shalt  }
0x62: {  	_ =	shalt  }
0x63: {  	_ =	shalt  }
0x64: {  	_ =	shalt  }
0x65: {  	_ =	shalt  }
0x66: {  	_ =	shalt  }
0x67: {  	_ =	shalt  }
0x68: {  	_ =	shalt  }
0x69: {  	_ =	shalt  }
0x6a: {  	_ =	shalt  }
0x6b: {  	_ =	shalt  }
0x6c: {  	_ =	shalt  }
0x6d: {  	_ =	shalt  }
0x6e: {  	_ =	shalt  }
0x6f: {  	_ =	shalt  }
0x70: {  	_ =	shalt  }
0x71: {  	_ =	shalt  }
0x72: {  	_ =	shalt  }
0x73: {  	_ =	shalt  }
0x74: {  	_ =	shalt  }
0x75: {  	_ =	shalt  }
0x76: {  	_ =	shalt  }
0x77: {  	_ =	shalt  }
0x78: {  	_ =	shalt  }
0x79: {  	_ =	shalt  }
0x7a: {  	_ =	shalt  }
0x7b: {  	_ =	shalt  }
0x7c: {  	_ =	shalt  }
0x7d: {  	_ =	shalt  }
0x7e: {  	_ =	shalt  }
0x7f: {  	_ =	shalt  }
0x80: {  	_ =	shalt  }
0x81: {  	_ =	shalt  }
0x82: {  	_ =	shalt  }
0x83: {  	_ =	shalt  }
0x84: {  	_ =	shalt  }
0x85: {  	_ =	shalt  }
0x86: {  	_ =	shalt  }
0x87: {  	_ =	shalt  }
.Lfunc_end0:
.L_simem_size_0:
called_computation_lowered:
.L_overlay_start_0:
0x88: {  	s2 =	sld [smem:$0x3FD9]  }
0x89: {  	s3 =	sld [smem:$0x3FFE];
	_ =	sdelay $0x1  }
0x8a: {  	s1 =	srdreg.scid  }
0x8b: {  	s0 =	sand.u32 $0x1, s1  }
0x8c: {  	s17 =	sshll.u32 s0, $0xA;
	s2 =	sadd.s32 s3, s2  }
0x8d: {  	s2 =	sadd.s32 s2, s17  }
0x8e: {  	[smem:$0x3FC4] =	sst s2  }
0x8f: {  	_ = 	snop  }
0x90: {  	s2 =	sld [smem:$0x3FC9]  }
0x91: {  	s18 =	sld [smem:$0x3FD0];
	(tm) =	ssettm $0x1  }
0x92: {  	s4 =	sld [smem:$0x3FFB];
	_ =	sdelay $0x3  }
0x93: {  	_ =	strace s4  }
0x94: {  	s4 =	sld [smem:$0x3FFC];
	_ =	sdelay $0x3  }
0x95: {  	_ =	strace s4  }
0x96: {  	s4 =	sld [smem:$0x3FFD];
	_ =	sdelay $0x3  }
0x97: {  	_ =	strace s4  }
0x98: {  	_ =	strace $0x8FFFFFFF  }
0x99: {  	s19 =	sld [smem:$0x3FDB];
	_ =	sdelay $0x1  }
0x9a: {  	s5 =	simm.s32 $_scs_section_size  }
0x9b: {  	s6 =	simm.s32 $_size__tile_overlayer_lowered;
	s7 =	simm.s32 $_tile_overlayer_lowered  }
0x9c: {  	s22 =	simm.s32 $0x1BFF;
	s21 =	sshll.u32 s7, $0x1;
	s4 =	sadd.s32 s5, s19  }
0x9d: {  	s8 =	simm.s32 $0x0;
	s20 =	sshll.u32 s6, $0x1;
	s6 =	sadd.s32 s21, s4  }
0x9e: {  	[timem:s8], [sflag:s22] =	dma.local [hbm:s6], s20  }
0x9f: {  	_ =	swait.ge [sflag:s22], s20  }
0xa0: {  	s5 =	ssub.s32 $0x0, s20;
	[sflag:s22] =	ssyncset.done $0x0  }
0xa1: {  	[sflag:s22] =	ssyncadd.s32 s5;
	_ =	sdelay $0x1  }
0xa2: {  	s23 =	simm.s32 $0x1B8B  }
0xa3: {  	_ =	swait.ge [sflag:s23], $0x1  }
0xa4: {  	[sflag:s23] =	ssyncset.done $0x0  }
0xa5: {  	s25 =	simm.s32 $0x1B8E;
	s24 =	sld [smem:$0x3FFE];
	[sflag:s23] =	ssyncadd.s32 $0xFFFFFFFF  }
0xa6: {  	s26 =	simm.s32 $execute0_lowered;
	[smem:$0x3FD2] =	sst s25  }
0xa7: {  	s6 =	sshll.u32 s26, $0x1;
	_ =	strace $0x80000046;
	[dreg:$0x1] =	wrdreg $0xFFFFFFFF  }
0xa8: {  	s28 =	simm.s32 $_size_execute0_lowered;
	s4 =	sadd.s32 s4, s6;
	[dreg:$0x0] =	wrdreg $0x0  }
0xa9: {  	s6 =	sshll.u32 s28, $0x1;
	[dreg:$0x2] =	wrdreg s4  }
0xaa: {  	[dreg:$0x3] =	wrdreg s6  }
0xab: {  	[dreg:$0x4] =	wrdreg $0xC0  }
0xac: {  	_ =	task [dreg:s8], $0x5FFFF  }
0xad: {  	[dreg:$0x1] =	wrdreg $0xFFFFFFFF  }
0xae: {  	[dreg:$0x0] =	wrdreg $0x60  }
0xaf: {  	[dreg:$0x2] =	wrdreg s2  }
0xb0: {  	[dreg:$0x3] =	wrdreg s24  }
0xb1: {  	[dreg:$0x4] =	wrdreg s18  }
0xb2: {  	[dreg:$0x5] =	wrdreg $0xEA800  }
0xb3: {  	[dreg:$0x6] =	wrdreg $0x9  }
0xb4: {  	_ =	task.clear_ibuf [dreg:s8], $0x7FFFF;
	_ =	strace $0x90000046  }
0xb5: {  	s29 =	simm.s32 $0x9;
	_ =	strace $0x80000048  }
0xb6: {  	_ =	swait.ge [sflag:s29], $0x1  }
0xb7: {  	[sflag:s29] =	ssyncadd.s32 $0xFFFFFFFF  }
0xb8: {  	_ =	strace $0x90000048  }
0xb9: {  	_ =	sfence  }
0xba: {  	s30 =	sld [smem:$0x0];
	_ =	sdelay $0x2  }
0xbb: {  	s31 =	sshll.u32 s1, $0xD;
	s1 =	sshrl.u32 s1, $0x2  }
0xbc: {  	s3 =	sand.u32 $0x4000, s31;
	s1 =	sadd.s32 s1, s30  }
0xbd: {  	s0 =	sor.u32 s3, s0;
	s1 =	sshll.u32 s1, $0x11  }
0xbe: {  	s0 =	sor.u32 s1, s0  }
0xbf: {  	s0 =	sadd.s32 $0x8F2B, s0  }
0xc0: {  	[sflag:s0] =	ssyncadd.remote.s32 $0x1  }
0xc1: {  	_ =	sfence.sel $0xFFFF  }
0xc2: {  	[dreg:$0x0] =	wrdreg $0xFFFFFFFF;
	(pc) =	sbr.abs _section_cstart, $3  }
0xc3: {  	[dreg:$0x1] =	wrdreg $0xFFFFFFFF  }
0xc4: {  	_ =	task.clear_ibuf [dreg:s8], $0x2FFFF;
	_ =	strace $0x9FFFFFFF  }
0xc5: {  	(tm) =	ssettm $0x7FFFFFFF  }
tec
execute0_lowered:
.L_overlay_start_1:
0x0: {  	(tag) =	ssettag $0x1  }
0x1: {  	s0 =	rddreg [dreg:$0x0]  }
0x2: {  	s3 =	rddreg [dreg:$0x1]  }
0x3: {  	s4 =	rddreg [dreg:$0x2]  }
0x4: {  	s1 =	rddreg [dreg:$0x3];
	s2 =	simm.s32 $0x0;
	s5 =	srdreg.scid  }
0x5: {  	s8 =	stileid.u32;
	s28 =	simm.s32 $0x400;
	s29 =	simm.s32 $0x20000  }
0x6: {  	s30 =	simm.s32 $0x3000;
	s31 =	simm.s32 $0xCA80;
	[smem:$0x7FF] =	sst s2  }
0x7: {  	s6 =	sadd.s32 $0x600, s3;
	s5 =	sand.u32 $0x1, s5;
	s3 =	sadd.s32 $0x20600, s3  }
0x8: {  	s7 =	sshll.u32 s8, $0xA;
	s8 =	sshll.u32 s8, $0xD;
	_ =	strace $0x80000047  }
0x9: {  	[dreg:$0x5] =	wrdreg s3;
	s25 =	ssub.s32 $0x2, s5;
	s5 =	sshll.u32 s5, $0x9  }
0xa: {  	s11 =	sor.u32 $0x20000, s8;
	s17 =	sor.u32 $0x60000, s8;
	s12 =	sor.u32 $0x80000, s8  }
0xb: {  	s20 =	sor.u32 $0xA0000, s8;
	s15 =	sor.u32 $0xC0000, s8;
	s22 =	sor.u32 $0xE0000, s8  }
0xc: {  	s24 =	sadd.s32 s8, s1;
	s9 =	sshrl.u32 s25, $0x1;
	s10 =	sor.u32 s5, s7  }
0xd: {  	s26 =	sshrl.u32 s11, $0x3;
	s7 =	sadd.s32 s6, s7;
	s18 =	sshrl.u32 s17, $0x3  }
0xe: {  	s13 =	sshrl.u32 s12, $0x3;
	s21 =	sshrl.u32 s20, $0x3;
	s23 =	sshrl.u32 s15, $0x3  }
0xf: {  	s14 =	sshrl.u32 s22, $0x3;
	[dreg:$0xe] =	wrdreg s24;
	s20 =	sadd.s32 s20, s1  }
0x10: {  	s22 =	sadd.s32 s22, s1;
	s3 =	ssub.s32 s25, s9;
	s5 =	sadd.s32 s0, s10  }
0x11: {  	[dreg:$0x6] =	wrdreg s7;
	s0 =	sadd.s32 s6, s26;
	s9 =	sor.u32 $0x40000, s8  }
0x12: {  	s19 =	sadd.s32 s6, s13;
	s13 =	sadd.s32 s6, s21;
	[dreg:$0x7] =	wrdreg s0  }
0x13: {  	s25 =	sadd.s32 s11, s1;
	s21 =	sadd.s32 s15, s1;
	[dreg:$0xa] =	wrdreg s19  }
0x14: {  	s26 =	sshrl.u32 s10, $0x3;
	s16 =	sshrl.u32 s9, $0x3;
	[dreg:$0xb] =	wrdreg s13  }
0x15: {  	s13 =	sadd.s32 s6, s23;
	[dreg:$0xf] =	wrdreg s25;
	s0 =	sadd.s32 s9, s1  }
0x16: {  	s19 =	sadd.s32 s12, s1;
	s23 =	sadd.s32 s4, s26;
	s24 =	smax.u32 s3, $0x1  }
0x17: {  	s26 =	simm.s32 $0x5;
	s3 =	simm.s32 $0x80;
	s25 =	simm.s32 $0x2  }
.Ltmp0:
0x18: {  	s4 =	simm.s32 $0x3;
	[dreg:$0xc] =	wrdreg s13;
	(pc) =	sbr.rel .LBB2_1-.Ltmp0, $4  }
0x19: {  	s7 =	sadd.s32 s6, s16;
	[dreg:$0x10] =	wrdreg s0;
	s0 =	simm.s32 $0x1  }
0x1a: {  	[dreg:$0x8] =	wrdreg s7;
	s7 =	sadd.s32 s6, s18;
	s6 =	sadd.s32 s6, s14  }
0x1b: {  	s14 =	sadd.s32 $0x30000, s5;
	s18 =	sadd.s32 s17, s1;
	[dreg:$0x9] =	wrdreg s7  }
0x1c: {  	[dreg:$0xd] =	wrdreg s6;
	s6 =	simm.s32 $0x4;
	s7 =	simm.s32 $0x0  }
.LBB2_18:
0x1d: {  	v0 =	vld [tilespmem:$0xC800]  }
0x1e: {  	v1 =	vld [tilespmem:$0xC880];
	_ =	sdelay $0x4  }
0x1f: {  	v1 =	vadd.f32 v1, v0;
	_ =	sdelay $0x1  }
0x20: {  	v1 =	vsub.f32 $0.0e+00, v1;
	_ =	sdelay $0x1  }
0x21: {  	v1 =	vmul.f32 $1.442695020e+00, v1;
	_ =	sdelay $0x1  }
0x22: {  	(erf) = vpow2.f32 v1;
	_ =	sdelay $0x1  }
0x23: {  	v36 =	vld [tilespmem:$0xC890];
	_ =	sdelay $0x4  }
0x24: {  	v1 =	vadd.f32 v36, v0;
	_ =	sdelay $0x1  }
0x25: {  	v1 =	vsub.f32 $0.0e+00, v1;
	v2 =	vpop (erf)  }
0x26: {  	v2 =	vadd.f32 $1.000000000e+00, v2  }
0x27: {  	v1 =	vmul.f32 $1.442695020e+00, v1  }
0x28: {  	(erf) = vrcp.f32 v2  }
0x29: {  	(erf) = vpow2.f32 v1;
	_ =	sdelay $0x1  }
0x2a: {  	v37 =	vld [tilespmem:$0xC8A0];
	_ =	sdelay $0x4  }
0x2b: {  	v38 =	vadd.f32 v37, v0  }
0x2c: {  	v1 =	vpop (erf)  }
0x2d: {  	v2 =	vsub.f32 $0.0e+00, v38;
	v3 =	vpop (erf)  }
0x2e: {  	v3 =	vadd.f32 $1.000000000e+00, v3  }
0x2f: {  	v2 =	vmul.f32 $1.442695020e+00, v2  }
0x30: {  	(erf) = vrcp.f32 v3  }
0x31: {  	(erf) = vpow2.f32 v2;
	_ =	sdelay $0x1  }
0x32: {  	v39 =	vld [tilespmem:$0xC8B0];
	_ =	sdelay $0x4  }
0x33: {  	v40 =	vadd.f32 v39, v0  }
0x34: {  	v2 =	vpop (erf)  }
0x35: {  	v3 =	vsub.f32 $0.0e+00, v40;
	v4 =	vpop (erf)  }
0x36: {  	v4 =	vadd.f32 $1.000000000e+00, v4  }
0x37: {  	v3 =	vmul.f32 $1.442695020e+00, v3  }
0x38: {  	(erf) = vrcp.f32 v4  }
0x39: {  	(erf) = vpow2.f32 v3;
	_ =	sdelay $0x1  }
0x3a: {  	v41 =	vld [tilespmem:$0xC8C0];
	_ =	sdelay $0x4  }
0x3b: {  	v42 =	vadd.f32 v41, v0  }
0x3c: {  	v3 =	vpop (erf)  }
0x3d: {  	v4 =	vsub.f32 $0.0e+00, v42;
	v5 =	vpop (erf)  }
0x3e: {  	v5 =	vadd.f32 $1.000000000e+00, v5  }
0x3f: {  	v4 =	vmul.f32 $1.442695020e+00, v4  }
0x40: {  	(erf) = vrcp.f32 v5  }
0x41: {  	(erf) = vpow2.f32 v4;
	_ =	sdelay $0x1  }
0x42: {  	v43 =	vld [tilespmem:$0xC8D0];
	_ =	sdelay $0x4  }
0x43: {  	v44 =	vadd.f32 v43, v0  }
0x44: {  	v4 =	vpop (erf)  }
0x45: {  	v5 =	vsub.f32 $0.0e+00, v44;
	v6 =	vpop (erf)  }
0x46: {  	v6 =	vadd.f32 $1.000000000e+00, v6  }
0x47: {  	v5 =	vmul.f32 $1.442695020e+00, v5  }
0x48: {  	(erf) = vrcp.f32 v6  }
0x49: {  	(erf) = vpow2.f32 v5;
	_ =	sdelay $0x1  }
0x4a: {  	v45 =	vld [tilespmem:$0xC8E0];
	_ =	sdelay $0x4  }
0x4b: {  	v46 =	vadd.f32 v45, v0  }
0x4c: {  	v5 =	vpop (erf)  }
0x4d: {  	v6 =	vsub.f32 $0.0e+00, v46;
	v7 =	vpop (erf)  }
0x4e: {  	v7 =	vadd.f32 $1.000000000e+00, v7  }
0x4f: {  	v6 =	vmul.f32 $1.442695020e+00, v6  }
0x50: {  	(erf) = vrcp.f32 v7  }
0x51: {  	(erf) = vpow2.f32 v6;
	_ =	sdelay $0x1  }
0x52: {  	v47 =	vld [tilespmem:$0xC8F0];
	_ =	sdelay $0x4  }
0x53: {  	v48 =	vadd.f32 v47, v0  }
0x54: {  	v6 =	vpop (erf)  }
0x55: {  	v7 =	vsub.f32 $0.0e+00, v48;
	v8 =	vpop (erf)  }
0x56: {  	v8 =	vadd.f32 $1.000000000e+00, v8  }
0x57: {  	v7 =	vmul.f32 $1.442695020e+00, v7  }
0x58: {  	(erf) = vrcp.f32 v8  }
0x59: {  	(erf) = vpow2.f32 v7;
	_ =	sdelay $0x1  }
0x5a: {  	v49 =	vld [tilespmem:$0xC900];
	_ =	sdelay $0x4  }
0x5b: {  	v50 =	vadd.f32 v49, v0  }
0x5c: {  	v7 =	vpop (erf)  }
0x5d: {  	v8 =	vsub.f32 $0.0e+00, v50;
	v9 =	vpop (erf)  }
0x5e: {  	v9 =	vadd.f32 $1.000000000e+00, v9  }
0x5f: {  	v8 =	vmul.f32 $1.442695020e+00, v8  }
0x60: {  	(erf) = vrcp.f32 v9  }
0x61: {  	(erf) = vpow2.f32 v8;
	_ =	sdelay $0x1  }
0x62: {  	v51 =	vld [tilespmem:$0xC910];
	_ =	sdelay $0x4  }
0x63: {  	v52 =	vadd.f32 v51, v0  }
0x64: {  	v8 =	vpop (erf)  }
0x65: {  	v9 =	vsub.f32 $0.0e+00, v52;
	v10 =	vpop (erf)  }
0x66: {  	v10 =	vadd.f32 $1.000000000e+00, v10  }
0x67: {  	v9 =	vmul.f32 $1.442695020e+00, v9  }
0x68: {  	(erf) = vrcp.f32 v10  }
0x69: {  	(erf) = vpow2.f32 v9;
	_ =	sdelay $0x1  }
0x6a: {  	v53 =	vld [tilespmem:$0xC920];
	_ =	sdelay $0x4  }
0x6b: {  	v54 =	vadd.f32 v53, v0  }
0x6c: {  	v9 =	vpop (erf)  }
0x6d: {  	v10 =	vsub.f32 $0.0e+00, v54;
	v11 =	vpop (erf)  }
0x6e: {  	v11 =	vadd.f32 $1.000000000e+00, v11  }
0x6f: {  	v10 =	vmul.f32 $1.442695020e+00, v10  }
0x70: {  	(erf) = vrcp.f32 v11  }
0x71: {  	(erf) = vpow2.f32 v10;
	_ =	sdelay $0x1  }
0x72: {  	v55 =	vld [tilespmem:$0xC930];
	_ =	sdelay $0x4  }
0x73: {  	v56 =	vadd.f32 v55, v0  }
0x74: {  	v10 =	vpop (erf)  }
0x75: {  	v11 =	vsub.f32 $0.0e+00, v56;
	v12 =	vpop (erf)  }
0x76: {  	v12 =	vadd.f32 $1.000000000e+00, v12  }
0x77: {  	v11 =	vmul.f32 $1.442695020e+00, v11  }
0x78: {  	(erf) = vrcp.f32 v12  }
0x79: {  	(erf) = vpow2.f32 v11;
	_ =	sdelay $0x1  }
0x7a: {  	v57 =	vld [tilespmem:$0xC940];
	_ =	sdelay $0x4  }
0x7b: {  	v58 =	vadd.f32 v57, v0  }
0x7c: {  	v11 =	vpop (erf)  }
0x7d: {  	v12 =	vsub.f32 $0.0e+00, v58;
	v13 =	vpop (erf)  }
0x7e: {  	v13 =	vadd.f32 $1.000000000e+00, v13  }
0x7f: {  	v12 =	vmul.f32 $1.442695020e+00, v12  }
0x80: {  	(erf) = vrcp.f32 v13  }
0x81: {  	(erf) = vpow2.f32 v12;
	_ =	sdelay $0x1  }
0x82: {  	v59 =	vld [tilespmem:$0xC950];
	_ =	sdelay $0x4  }
0x83: {  	v60 =	vadd.f32 v59, v0  }
0x84: {  	v12 =	vpop (erf)  }
0x85: {  	v13 =	vsub.f32 $0.0e+00, v60;
	v14 =	vpop (erf)  }
0x86: {  	v14 =	vadd.f32 $1.000000000e+00, v14  }
0x87: {  	v13 =	vmul.f32 $1.442695020e+00, v13  }
0x88: {  	(erf) = vrcp.f32 v14  }
0x89: {  	(erf) = vpow2.f32 v13;
	_ =	sdelay $0x1  }
0x8a: {  	v61 =	vld [tilespmem:$0xC960];
	_ =	sdelay $0x4  }
0x8b: {  	v62 =	vadd.f32 v61, v0  }
0x8c: {  	v63 =	vpop (erf)  }
0x8d: {  	v14 =	vsub.f32 $0.0e+00, v62;
	v15 =	vpop (erf)  }
0x8e: {  	v15 =	vadd.f32 $1.000000000e+00, v15  }
0x8f: {  	v14 =	vmul.f32 $1.442695020e+00, v14  }
0x90: {  	(erf) = vrcp.f32 v15  }
0x91: {  	(erf) = vpow2.f32 v14;
	_ =	sdelay $0x1  }
0x92: {  	v32 =	vld [tilespmem:$0xC970];
	_ =	sdelay $0x4  }
0x93: {  	v33 =	vadd.f32 v32, v0  }
0x94: {  	v34 =	vpop (erf)  }
0x95: {  	v15 =	vsub.f32 $0.0e+00, v33;
	v16 =	vpop (erf)  }
0x96: {  	v16 =	vadd.f32 $1.000000000e+00, v16  }
0x97: {  	v15 =	vmul.f32 $1.442695020e+00, v15  }
0x98: {  	(erf) = vrcp.f32 v16  }
0x99: {  	(erf) = vpow2.f32 v15;
	_ =	sdelay $0x1  }
0x9a: {  	v35 =	vld [tilespmem:$0xC980];
	_ =	sdelay $0x4  }
0x9b: {  	v36 =	vadd.f32 v35, v0  }
0x9c: {  	v37 =	vpop (erf)  }
0x9d: {  	v16 =	vsub.f32 $0.0e+00, v36;
	v17 =	vpop (erf)  }
0x9e: {  	v17 =	vadd.f32 $1.000000000e+00, v17  }
0x9f: {  	v16 =	vmul.f32 $1.442695020e+00, v16  }
0xa0: {  	(erf) = vrcp.f32 v17  }
0xa1: {  	(erf) = vpow2.f32 v16;
	_ =	sdelay $0x1  }
0xa2: {  	v38 =	vld [tilespmem:$0xC990];
	_ =	sdelay $0x4  }
0xa3: {  	v39 =	vadd.f32 v38, v0  }
0xa4: {  	v40 =	vpop (erf)  }
0xa5: {  	v17 =	vsub.f32 $0.0e+00, v39;
	v18 =	vpop (erf)  }
0xa6: {  	v18 =	vadd.f32 $1.000000000e+00, v18  }
0xa7: {  	v17 =	vmul.f32 $1.442695020e+00, v17  }
0xa8: {  	(erf) = vrcp.f32 v18  }
0xa9: {  	(erf) = vpow2.f32 v17;
	_ =	sdelay $0x1  }
0xaa: {  	v41 =	vld [tilespmem:$0xC9A0];
	_ =	sdelay $0x4  }
0xab: {  	v42 =	vadd.f32 v41, v0  }
0xac: {  	v43 =	vpop (erf)  }
0xad: {  	v18 =	vsub.f32 $0.0e+00, v42;
	v19 =	vpop (erf)  }
0xae: {  	v19 =	vadd.f32 $1.000000000e+00, v19  }
0xaf: {  	v18 =	vmul.f32 $1.442695020e+00, v18  }
0xb0: {  	(erf) = vrcp.f32 v19  }
0xb1: {  	(erf) = vpow2.f32 v18;
	_ =	sdelay $0x1  }
0xb2: {  	v44 =	vld [tilespmem:$0xC9B0];
	_ =	sdelay $0x4  }
0xb3: {  	v45 =	vadd.f32 v44, v0  }
0xb4: {  	v46 =	vpop (erf)  }
0xb5: {  	v19 =	vsub.f32 $0.0e+00, v45;
	v20 =	vpop (erf)  }
0xb6: {  	v20 =	vadd.f32 $1.000000000e+00, v20  }
0xb7: {  	v19 =	vmul.f32 $1.442695020e+00, v19  }
0xb8: {  	(erf) = vrcp.f32 v20  }
0xb9: {  	(erf) = vpow2.f32 v19;
	_ =	sdelay $0x1  }
0xba: {  	v47 =	vld [tilespmem:$0xC9C0];
	_ =	sdelay $0x4  }
0xbb: {  	v19 =	vadd.f32 v47, v0  }
0xbc: {  	v20 =	vpop (erf)  }
0xbd: {  	v19 =	vsub.f32 $0.0e+00, v19;
	v21 =	vpop (erf)  }
0xbe: {  	v21 =	vadd.f32 $1.000000000e+00, v21  }
0xbf: {  	v19 =	vmul.f32 $1.442695020e+00, v19  }
0xc0: {  	(erf) = vrcp.f32 v21  }
0xc1: {  	(erf) = vpow2.f32 v19;
	_ =	sdelay $0x1  }
0xc2: {  	v48 =	vld [tilespmem:$0xC9D0];
	_ =	sdelay $0x4  }
0xc3: {  	v19 =	vadd.f32 v48, v0  }
0xc4: {  	v21 =	vpop (erf)  }
0xc5: {  	v19 =	vsub.f32 $0.0e+00, v19;
	v22 =	vpop (erf)  }
0xc6: {  	v22 =	vadd.f32 $1.000000000e+00, v22  }
0xc7: {  	v19 =	vmul.f32 $1.442695020e+00, v19  }
0xc8: {  	(erf) = vrcp.f32 v22  }
0xc9: {  	(erf) = vpow2.f32 v19;
	_ =	sdelay $0x1  }
0xca: {  	v49 =	vld [tilespmem:$0xC9E0];
	_ =	sdelay $0x4  }
0xcb: {  	v19 =	vadd.f32 v49, v0  }
0xcc: {  	v22 =	vpop (erf)  }
0xcd: {  	v19 =	vsub.f32 $0.0e+00, v19;
	v23 =	vpop (erf)  }
0xce: {  	v23 =	vadd.f32 $1.000000000e+00, v23  }
0xcf: {  	v19 =	vmul.f32 $1.442695020e+00, v19  }
0xd0: {  	(erf) = vrcp.f32 v23  }
0xd1: {  	(erf) = vpow2.f32 v19;
	_ =	sdelay $0x1  }
0xd2: {  	v50 =	vld [tilespmem:$0xC9F0];
	_ =	sdelay $0x4  }
0xd3: {  	v19 =	vadd.f32 v50, v0  }
0xd4: {  	v23 =	vpop (erf)  }
0xd5: {  	v19 =	vsub.f32 $0.0e+00, v19;
	v24 =	vpop (erf)  }
0xd6: {  	v24 =	vadd.f32 $1.000000000e+00, v24  }
0xd7: {  	v19 =	vmul.f32 $1.442695020e+00, v19  }
0xd8: {  	(erf) = vrcp.f32 v24  }
0xd9: {  	(erf) = vpow2.f32 v19;
	_ =	sdelay $0x1  }
0xda: {  	v51 =	vld [tilespmem:$0xCA00];
	_ =	sdelay $0x4  }
0xdb: {  	v19 =	vadd.f32 v51, v0  }
0xdc: {  	v24 =	vpop (erf)  }
0xdd: {  	v19 =	vsub.f32 $0.0e+00, v19;
	v25 =	vpop (erf)  }
0xde: {  	v25 =	vadd.f32 $1.000000000e+00, v25  }
0xdf: {  	v19 =	vmul.f32 $1.442695020e+00, v19  }
0xe0: {  	(erf) = vrcp.f32 v25  }
0xe1: {  	(erf) = vpow2.f32 v19;
	_ =	sdelay $0x1  }
0xe2: {  	v52 =	vld [tilespmem:$0xCA10];
	_ =	sdelay $0x4  }
0xe3: {  	v19 =	vadd.f32 v52, v0  }
0xe4: {  	v25 =	vpop (erf)  }
0xe5: {  	v19 =	vsub.f32 $0.0e+00, v19;
	v26 =	vpop (erf)  }
0xe6: {  	v26 =	vadd.f32 $1.000000000e+00, v26  }
0xe7: {  	v19 =	vmul.f32 $1.442695020e+00, v19  }
0xe8: {  	(erf) = vrcp.f32 v26  }
0xe9: {  	(erf) = vpow2.f32 v19;
	_ =	sdelay $0x1  }
0xea: {  	v53 =	vld [tilespmem:$0xCA20];
	_ =	sdelay $0x4  }
0xeb: {  	v19 =	vadd.f32 v53, v0  }
0xec: {  	v26 =	vpop (erf)  }
0xed: {  	v19 =	vsub.f32 $0.0e+00, v19;
	v27 =	vpop (erf)  }
0xee: {  	v27 =	vadd.f32 $1.000000000e+00, v27  }
0xef: {  	v19 =	vmul.f32 $1.442695020e+00, v19  }
0xf0: {  	(erf) = vrcp.f32 v27  }
0xf1: {  	(erf) = vpow2.f32 v19;
	_ =	sdelay $0x1  }
0xf2: {  	v54 =	vld [tilespmem:$0xCA30];
	_ =	sdelay $0x4  }
0xf3: {  	v19 =	vadd.f32 v54, v0  }
0xf4: {  	v27 =	vpop (erf)  }
0xf5: {  	v19 =	vsub.f32 $0.0e+00, v19;
	v28 =	vpop (erf)  }
0xf6: {  	v28 =	vadd.f32 $1.000000000e+00, v28  }
0xf7: {  	v19 =	vmul.f32 $1.442695020e+00, v19  }
0xf8: {  	(erf) = vrcp.f32 v28  }
0xf9: {  	(erf) = vpow2.f32 v19;
	_ =	sdelay $0x1  }
0xfa: {  	v55 =	vld [tilespmem:$0xCA40];
	_ =	sdelay $0x4  }
0xfb: {  	v19 =	vadd.f32 v55, v0  }
0xfc: {  	v28 =	vpop (erf)  }
0xfd: {  	v19 =	vsub.f32 $0.0e+00, v19;
	v29 =	vpop (erf)  }
0xfe: {  	v29 =	vadd.f32 $1.000000000e+00, v29  }
0xff: {  	v19 =	vmul.f32 $1.442695020e+00, v19  }
0x100: {  	(erf) = vrcp.f32 v29  }
0x101: {  	(erf) = vpow2.f32 v19;
	_ =	sdelay $0x1  }
0x102: {  	v56 =	vld [tilespmem:$0xCA50];
	_ =	sdelay $0x4  }
0x103: {  	v19 =	vadd.f32 v56, v0  }
0x104: {  	v29 =	vpop (erf)  }
0x105: {  	v19 =	vsub.f32 $0.0e+00, v19;
	v30 =	vpop (erf)  }
0x106: {  	v30 =	vadd.f32 $1.000000000e+00, v30  }
0x107: {  	v19 =	vmul.f32 $1.442695020e+00, v19  }
0x108: {  	(erf) = vrcp.f32 v30  }
0x109: {  	(erf) = vpow2.f32 v19;
	_ =	sdelay $0x1  }
0x10a: {  	v57 =	vld [tilespmem:$0xCA60];
	_ =	sdelay $0x4  }
0x10b: {  	v19 =	vadd.f32 v57, v0  }
0x10c: {  	v30 =	vpop (erf)  }
0x10d: {  	v19 =	vsub.f32 $0.0e+00, v19;
	v31 =	vpop (erf)  }
0x10e: {  	v31 =	vadd.f32 $1.000000000e+00, v31  }
0x10f: {  	v19 =	vmul.f32 $1.442695020e+00, v19  }
0x110: {  	(erf) = vrcp.f32 v31  }
0x111: {  	(erf) = vpow2.f32 v19;
	_ =	sdelay $0x1  }
0x112: {  	v58 =	vld [tilespmem:$0xCA70];
	_ =	sdelay $0x1  }
0x113: {  	[tilespmem:$0xC880] =	vst v1  }
0x114: {  	[tilespmem:$0xC890] =	vst v2  }
0x115: {  	[tilespmem:$0xC8A0] =	vst v3  }
0x116: {  	[tilespmem:$0xC8B0] =	vst v4;
	v0 =	vadd.f32 v58, v0  }
0x117: {  	[tilespmem:$0xC8C0] =	vst v5;
	v59 =	vpop (erf)  }
0x118: {  	[tilespmem:$0xC8D0] =	vst v6;
	v0 =	vsub.f32 $0.0e+00, v0;
	v60 =	vpop (erf)  }
0x119: {  	[tilespmem:$0xC8E0] =	vst v7;
	v2 =	vadd.f32 $1.000000000e+00, v60  }
0x11a: {  	[tilespmem:$0xC8F0] =	vst v8;
	v0 =	vmul.f32 $1.442695020e+00, v0  }
0x11b: {  	[tilespmem:$0xC900] =	vst v9;
	(erf) = vrcp.f32 v2  }
0x11c: {  	[tilespmem:$0xC910] =	vst v10;
	(erf) = vpow2.f32 v0  }
0x11d: {  	[tilespmem:$0xC920] =	vst v11  }
0x11e: {  	[tilespmem:$0xC930] =	vst v12  }
0x11f: {  	[tilespmem:$0xC940] =	vst v63  }
0x120: {  	[tilespmem:$0xC950] =	vst v34  }
0x121: {  	[tilespmem:$0xC960] =	vst v37  }
0x122: {  	[tilespmem:$0xC970] =	vst v40  }
0x123: {  	[tilespmem:$0xC980] =	vst v43  }
0x124: {  	[tilespmem:$0xC990] =	vst v46;
	v61 =	vpop (erf)  }
0x125: {  	[tilespmem:$0xC9A0] =	vst v20;
	v62 =	vpop (erf)  }
0x126: {  	[tilespmem:$0xC9B0] =	vst v21;
	v2 =	vadd.f32 $1.000000000e+00, v62  }
0x127: {  	[tilespmem:$0xC9C0] =	vst v22  }
0x128: {  	[tilespmem:$0xC9D0] =	vst v23;
	(erf) = vrcp.f32 v2  }
0x129: {  	[tilespmem:$0xC9E0] =	vst v24  }
0x12a: {  	[tilespmem:$0xC9F0] =	vst v25  }
0x12b: {  	[tilespmem:$0xCA00] =	vst v26  }
0x12c: {  	[tilespmem:$0xCA10] =	vst v27  }
0x12d: {  	[tilespmem:$0xCA20] =	vst v28  }
0x12e: {  	[tilespmem:$0xCA30] =	vst v29  }
0x12f: {  	[tilespmem:$0xCA40] =	vst v30  }
0x130: {  	s7 =	sadd.s32 $0x1, s7;
	[tilespmem:$0xCA50] =	vst v59  }
0x131: {  	p0 =	sne.s32 s7, s24;
	[tilespmem:$0xCA60] =	vst v61;
	v63 =	vpop (erf)  }
.Ltmp1:
0x132: {  	s8 =	simm.s32 $0xC880;
	[tilespmem:$0xCA70] =	vst v63;
	(pc) =	sbr.rel @!p0 .LBB2_19-.Ltmp1, $4  }
0x133: {  	[hbm4b:s23+s2] =	stream.linear.scatter [tilespmem:s8], [sflag:$0x5], $0x200, $0x38;
	[tilespmem:$0x1EA80] =	vst v63  }
0x134: {  	_ =	swait.ge [sflag:s26], $0x200  }
0x135: {  	[sflag:s26] =	ssyncset.done $0x0  }
0x136: {  	[sflag:s26] =	ssyncadd.s32 $0xFFFFFE00  }
.LBB2_1:
0x137: {  	s8 =	rddreg [dreg:$0x5];
	s9 =	simm.s32 $0xC800  }
0x138: {  	[tilespmem:s9], [sflag:$0x5] =	stream.linear.gather [hbm4b:s8+s2], $0x80, $0x38;
	[tilespmem:$0x1EA80] =	vst v63  }
0x139: {  	_ =	swait.ge [sflag:s26], $0x80  }
0x13a: {  	[sflag:s26] =	ssyncset.done $0x0  }
0x13b: {  	[sflag:s26] =	ssyncadd.s32 $0xFFFFFF80  }
0x13c: {  	[tilespmem:s2], [sflag:$0x1] =	stream.strided.gather [hbm4b:s5+s28], $0x3000, s29, s28, $0x38;
	[tilespmem:$0x1EA80] =	vst v63  }
0x13d: {  	_ = 	snop  }
0x13e: {  	[tilespmem:s30], [sflag:$0x2] =	stream.strided.gather [hbm4b:s14+s28], $0x3400, s29, s28, $0x38;
	[tilespmem:$0x1EA80] =	vst v63  }
0x13f: {  	s17 =	rddreg [dreg:$0x6]  }
0x140: {  	[tilespmem:s31], [sflag:$0x5] =	stream.linear.gather [hbm4b:s17+s2], $0x2000, $0x38;
	[tilespmem:$0x1EA80] =	vst v63  }
0x141: {  	_ =	swait.ge [sflag:s26], $0x2000  }
0x142: {  	[sflag:s26] =	ssyncset.done $0x0  }
0x143: {  	s9 =	rddreg [dreg:$0xe];
	[sflag:s26] =	ssyncadd.s32 $0xFFFFE000  }
0x144: {  	[spmem:s9] =	stream.linear.scatter [tilespmem:s31], [sflag:$0x5], $0x2000, $0x38;
	[tilespmem:$0x1EA80] =	vst v63  }
0x145: {  	_ =	swait.ge [sflag:s26], $0x2000  }
0x146: {  	[sflag:s26] =	ssyncset.done $0x0  }
0x147: {  	s10 =	rddreg [dreg:$0x7];
	[sflag:s26] =	ssyncadd.s32 $0xFFFFE000  }
0x148: {  	[tilespmem:s31], [sflag:$0x5] =	stream.linear.gather [hbm4b:s10+s2], $0x2000, $0x38;
	[tilespmem:$0x1EA80] =	vst v63  }
0x149: {  	_ =	swait.ge [sflag:s26], $0x2000  }
0x14a: {  	[sflag:s26] =	ssyncset.done $0x0  }
0x14b: {  	s11 =	rddreg [dreg:$0xf];
	[sflag:s26] =	ssyncadd.s32 $0xFFFFE000  }
0x14c: {  	[spmem:s11] =	stream.linear.scatter [tilespmem:s31], [sflag:$0x5], $0x2000, $0x38;
	[tilespmem:$0x1EA80] =	vst v63  }
0x14d: {  	_ =	swait.ge [sflag:s26], $0x2000  }
0x14e: {  	[sflag:s26] =	ssyncset.done $0x0  }
0x14f: {  	s12 =	rddreg [dreg:$0x8];
	[sflag:s26] =	ssyncadd.s32 $0xFFFFE000  }
0x150: {  	[tilespmem:s31], [sflag:$0x5] =	stream.linear.gather [hbm4b:s12+s2], $0x2000, $0x38;
	[tilespmem:$0x1EA80] =	vst v63  }
0x151: {  	_ =	swait.ge [sflag:s26], $0x2000  }
0x152: {  	[sflag:s26] =	ssyncset.done $0x0  }
0x153: {  	s13 =	rddreg [dreg:$0x10];
	[sflag:s26] =	ssyncadd.s32 $0xFFFFE000  }
0x154: {  	[spmem:s13] =	stream.linear.scatter [tilespmem:s31], [sflag:$0x5], $0x2000, $0x38;
	[tilespmem:$0x1EA80] =	vst v63  }
0x155: {  	_ =	swait.ge [sflag:s26], $0x2000  }
0x156: {  	[sflag:s26] =	ssyncset.done $0x0  }
0x157: {  	s15 =	rddreg [dreg:$0x9];
	[sflag:s26] =	ssyncadd.s32 $0xFFFFE000  }
0x158: {  	[tilespmem:s31], [sflag:$0x5] =	stream.linear.gather [hbm4b:s15+s2], $0x2000, $0x38;
	[tilespmem:$0x1EA80] =	vst v63  }
0x159: {  	_ =	swait.ge [sflag:s26], $0x2000  }
0x15a: {  	[sflag:s26] =	ssyncset.done $0x0  }
0x15b: {  	[sflag:s26] =	ssyncadd.s32 $0xFFFFE000  }
0x15c: {  	[spmem:s18] =	stream.linear.scatter [tilespmem:s31], [sflag:$0x5], $0x2000, $0x38;
	[tilespmem:$0x1EA80] =	vst v63  }
0x15d: {  	_ =	swait.ge [sflag:s26], $0x2000  }
0x15e: {  	[sflag:s26] =	ssyncset.done $0x0  }
0x15f: {  	s16 =	rddreg [dreg:$0xa];
	[sflag:s26] =	ssyncadd.s32 $0xFFFFE000  }
0x160: {  	[tilespmem:s31], [sflag:$0x5] =	stream.linear.gather [hbm4b:s16+s2], $0x2000, $0x38;
	[tilespmem:$0x1EA80] =	vst v63  }
0x161: {  	_ =	swait.ge [sflag:s26], $0x2000  }
0x162: {  	[sflag:s26] =	ssyncset.done $0x0  }
0x163: {  	[sflag:s26] =	ssyncadd.s32 $0xFFFFE000  }
0x164: {  	[spmem:s19] =	stream.linear.scatter [tilespmem:s31], [sflag:$0x5], $0x2000, $0x38;
	[tilespmem:$0x1EA80] =	vst v63  }
0x165: {  	_ =	swait.ge [sflag:s26], $0x2000  }
0x166: {  	[sflag:s26] =	ssyncset.done $0x0  }
0x167: {  	s17 =	rddreg [dreg:$0xb];
	[sflag:s26] =	ssyncadd.s32 $0xFFFFE000  }
0x168: {  	[tilespmem:s31], [sflag:$0x5] =	stream.linear.gather [hbm4b:s17+s2], $0x2000, $0x38;
	[tilespmem:$0x1EA80] =	vst v63  }
0x169: {  	_ =	swait.ge [sflag:s26], $0x2000  }
0x16a: {  	[sflag:s26] =	ssyncset.done $0x0  }
0x16b: {  	[sflag:s26] =	ssyncadd.s32 $0xFFFFE000  }
0x16c: {  	[spmem:s20] =	stream.linear.scatter [tilespmem:s31], [sflag:$0x5], $0x2000, $0x38;
	[tilespmem:$0x1EA80] =	vst v63  }
0x16d: {  	_ =	swait.ge [sflag:s26], $0x2000  }
0x16e: {  	[sflag:s26] =	ssyncset.done $0x0  }
0x16f: {  	s9 =	rddreg [dreg:$0xc];
	[sflag:s26] =	ssyncadd.s32 $0xFFFFE000  }
0x170: {  	[tilespmem:s31], [sflag:$0x5] =	stream.linear.gather [hbm4b:s9+s2], $0x2000, $0x38;
	[tilespmem:$0x1EA80] =	vst v63  }
0x171: {  	_ =	swait.ge [sflag:s26], $0x2000  }
0x172: {  	[sflag:s26] =	ssyncset.done $0x0  }
0x173: {  	[sflag:s26] =	ssyncadd.s32 $0xFFFFE000  }
0x174: {  	[spmem:s21] =	stream.linear.scatter [tilespmem:s31], [sflag:$0x5], $0x2000, $0x38;
	[tilespmem:$0x1EA80] =	vst v63  }
0x175: {  	_ =	swait.ge [sflag:s26], $0x2000  }
0x176: {  	[sflag:s26] =	ssyncset.done $0x0  }
0x177: {  	s10 =	rddreg [dreg:$0xd];
	[sflag:s26] =	ssyncadd.s32 $0xFFFFE000  }
0x178: {  	[tilespmem:s31], [sflag:$0x5] =	stream.linear.gather [hbm4b:s10+s2], $0x2000, $0x38;
	[tilespmem:$0x1EA80] =	vst v63  }
0x179: {  	_ =	swait.ge [sflag:s26], $0x2000  }
0x17a: {  	[sflag:s26] =	ssyncset.done $0x0  }
0x17b: {  	[sflag:s26] =	ssyncadd.s32 $0xFFFFE000  }
0x17c: {  	[spmem:s22] =	stream.linear.scatter [tilespmem:s31], [sflag:$0x5], $0x2000, $0x38;
	[tilespmem:$0x1EA80] =	vst v63  }
0x17d: {  	_ =	swait.ge [sflag:s26], $0x2000  }
0x17e: {  	[sflag:s26] =	ssyncset.done $0x0  }
0x17f: {  	[sflag:s26] =	ssyncadd.s32 $0xFFFFE000  }
0x180: {  	[bflag:$0x0] =	sbarrier.arrive $0xFFFF  }
0x181: {  	_ =	swait.ge [sflag:s0], $0x3000  }
0x182: {  	[sflag:s0] =	ssyncset.done $0x0  }
0x183: {  	s11 =	simm.s32 $0x0;
	s12 =	simm.s32 $0x6400;
	[sflag:s0] =	ssyncadd.s32 $0xFFFFD000  }
0x184: {  	[tilespmem:s12], [sflag:$0x3] =	stream.indirect.gather [spmem:s1], $0x1, s11, s3, $0xb8;
	[tilespmem:$0x1EA80] =	vst v63  }
0x185: {  	s13 =	simm.s32 $0x6480;
	s15 =	simm.s32 $0x80  }
0x186: {  	[tilespmem:s13], [sflag:$0x3] =	stream.indirect.gather [spmem:s1], $0x1, s15, s3, $0xb8;
	[tilespmem:$0x1EA80] =	vst v63  }
0x187: {  	s8 =	simm.s32 $0x400;
	s16 =	simm.s32 $0x6500;
	s17 =	simm.s32 $0x100  }
0x188: {  	[tilespmem:s16], [sflag:$0x3] =	stream.indirect.gather [spmem:s1], $0x1, s17, s3, $0xb8;
	[tilespmem:$0x1EA80] =	vst v63  }
0x189: {  	s9 =	simm.s32 $0x6580;
	s10 =	simm.s32 $0x180;
	s11 =	simm.s32 $0x6600  }
0x18a: {  	[tilespmem:s9], [sflag:$0x3] =	stream.indirect.gather [spmem:s1], $0x1, s10, s3, $0xb8;
	[tilespmem:$0x1EA80] =	vst v63  }
0x18b: {  	s12 =	simm.s32 $0x200;
	s13 =	simm.s32 $0x6680;
	s15 =	simm.s32 $0x280  }
0x18c: {  	[tilespmem:s11], [sflag:$0x3] =	stream.indirect.gather [spmem:s1], $0x1, s12, s3, $0xb8;
	[tilespmem:$0x1EA80] =	vst v63  }
0x18d: {  	s16 =	simm.s32 $0x6700;
	s17 =	simm.s32 $0x300;
	s9 =	simm.s32 $0x8  }
0x18e: {  	[tilespmem:s13], [sflag:$0x3] =	stream.indirect.gather [spmem:s1], $0x1, s15, s3, $0xb8;
	[tilespmem:$0x1EA80] =	vst v63  }
0x18f: {  	s10 =	simm.s32 $0x2000;
	s11 =	simm.s32 $0x6780;
	s12 =	simm.s32 $0x380  }
0x190: {  	[tilespmem:s16], [sflag:$0x3] =	stream.indirect.gather [spmem:s1], $0x1, s17, s3, $0xb8;
	[tilespmem:$0x1EA80] =	vst v63  }
.LBB2_2:
0x191: {  	[tilespmem:s11], [sflag:$0x3] =	stream.indirect.gather [spmem:s1], $0x1, s12, s3, $0xb8;
	[tilespmem:$0x1EA80] =	vst v63  }
0x192: {  	s11 =	sshra.s32 s10, $0x2;
	s9 =	sadd.s32 $0x8, s9;
	s12 =	sadd.s32 $0x6400, s8  }
0x193: {  	[tilespmem:s12], [sflag:$0x3] =	stream.indirect.gather [spmem:s1], $0x1, s8, s3, $0xb8;
	[tilespmem:$0x1EA80] =	vst v63  }
0x194: {  	s13 =	sadd.s32 $0x80, s8;
	p0 =	slt.u32 s9, $0x58;
	s12 =	sadd.s32 $0x6480, s8  }
0x195: {  	[tilespmem:s12], [sflag:$0x3] =	stream.indirect.gather [spmem:s1], $0x1, s13, s3, $0xb8;
	[tilespmem:$0x1EA80] =	vst v63  }
0x196: {  	s15 =	smov.u32 s8;
	s12 =	sadd.s32 $0x6500, s8;
	s13 =	sadd.s32 $0x100, s8  }
0x197: {  	[tilespmem:s12], [sflag:$0x3] =	stream.indirect.gather [spmem:s1], $0x1, s13, s3, $0xb8;
	[tilespmem:$0x1EA80] =	vst v63  }
0x198: {  	s8 =	smov.u32 s11;
	s12 =	sadd.s32 $0x6580, s15;
	s13 =	sadd.s32 $0x180, s15  }
0x199: {  	[tilespmem:s12], [sflag:$0x3] =	stream.indirect.gather [spmem:s1], $0x1, s13, s3, $0xb8;
	[tilespmem:$0x1EA80] =	vst v63  }
0x19a: {  	s11 =	sadd.s32 $0x6600, s15;
	s12 =	sadd.s32 $0x200, s15  }
0x19b: {  	[tilespmem:s11], [sflag:$0x3] =	stream.indirect.gather [spmem:s1], $0x1, s12, s3, $0xb8;
	[tilespmem:$0x1EA80] =	vst v63  }
.Ltmp2:
0x19c: {  	s11 =	sadd.s32 $0x6680, s15;
	s12 =	sadd.s32 $0x280, s15;
	(pc) =	sbr.rel @p0 .LBB2_2-.Ltmp2, $4  }
0x19d: {  	[tilespmem:s11], [sflag:$0x3] =	stream.indirect.gather [spmem:s1], $0x1, s12, s3, $0xb8;
	[tilespmem:$0x1EA80] =	vst v63  }
0x19e: {  	s11 =	sadd.s32 $0x6700, s15;
	s12 =	sadd.s32 $0x300, s15  }
0x19f: {  	[tilespmem:s11], [sflag:$0x3] =	stream.indirect.gather [spmem:s1], $0x1, s12, s3, $0xb8;
	[tilespmem:$0x1EA80] =	vst v63  }
0x1a0: {  	s10 =	sadd.s32 $0x1000, s10;
	s11 =	sadd.s32 $0x6780, s15;
	s12 =	sadd.s32 $0x380, s15  }
0x1a1: {  	[tilespmem:s11], [sflag:$0x3] =	stream.indirect.gather [spmem:s1], $0x1, s12, s3, $0xb8;
	[tilespmem:$0x1EA80] =	vst v63  }
0x1a2: {  	s9 =	sadd.s32 $0x6400, s8  }
0x1a3: {  	[tilespmem:s9], [sflag:$0x3] =	stream.indirect.gather [spmem:s1], $0x1, s8, s3, $0xb8;
	[tilespmem:$0x1EA80] =	vst v63  }
0x1a4: {  	s12 =	sadd.s32 $0x6480, s8;
	s10 =	sadd.s32 $0x80, s8  }
0x1a5: {  	[tilespmem:s12], [sflag:$0x3] =	stream.indirect.gather [spmem:s1], $0x1, s10, s3, $0xb8;
	[tilespmem:$0x1EA80] =	vst v63  }
0x1a6: {  	s13 =	sadd.s32 $0x6500, s8;
	s15 =	sadd.s32 $0x100, s8  }
0x1a7: {  	[tilespmem:s13], [sflag:$0x3] =	stream.indirect.gather [spmem:s1], $0x1, s15, s3, $0xb8;
	[tilespmem:$0x1EA80] =	vst v63  }
0x1a8: {  	s16 =	sadd.s32 $0x6580, s8;
	s17 =	sadd.s32 $0x180, s8  }
0x1a9: {  	[tilespmem:s16], [sflag:$0x3] =	stream.indirect.gather [spmem:s1], $0x1, s17, s3, $0xb8;
	[tilespmem:$0x1EA80] =	vst v63  }
0x1aa: {  	s11 =	sadd.s32 $0x200, s8;
	s10 =	sadd.s32 $0x6600, s8  }
0x1ab: {  	[tilespmem:s10], [sflag:$0x3] =	stream.indirect.gather [spmem:s1], $0x1, s11, s3, $0xb8;
	[tilespmem:$0x1EA80] =	vst v63  }
0x1ac: {  	s12 =	sadd.s32 $0x6680, s8;
	s13 =	sadd.s32 $0x280, s8  }
0x1ad: {  	[tilespmem:s12], [sflag:$0x3] =	stream.indirect.gather [spmem:s1], $0x1, s13, s3, $0xb8;
	[tilespmem:$0x1EA80] =	vst v63  }
0x1ae: {  	s15 =	sadd.s32 $0x6700, s8;
	s16 =	sadd.s32 $0x300, s8  }
0x1af: {  	[tilespmem:s15], [sflag:$0x3] =	stream.indirect.gather [spmem:s1], $0x1, s16, s3, $0xb8;
	[tilespmem:$0x1EA80] =	vst v63  }
0x1b0: {  	s17 =	sadd.s32 $0x6780, s8;
	s10 =	sadd.s32 $0x380, s8  }
0x1b1: {  	[tilespmem:s17], [sflag:$0x3] =	stream.indirect.gather [spmem:s1], $0x1, s10, s3, $0xb8;
	[tilespmem:$0x1EA80] =	vst v63  }
0x1b2: {  	_ =	swait.ge [sflag:s25], $0x3400  }
0x1b3: {  	[sflag:s25] =	ssyncset.done $0x0  }
0x1b4: {  	s11 =	simm.s32 $0x9400;
	s12 =	simm.s32 $0x3000;
	[sflag:s25] =	ssyncadd.s32 $0xFFFFCC00  }
0x1b5: {  	[tilespmem:s11], [sflag:$0x4] =	stream.indirect.gather [spmem:s1], $0x1, s12, s3, $0xb8;
	[tilespmem:$0x1EA80] =	vst v63  }
0x1b6: {  	s9 =	simm.s32 $0x9580;
	s13 =	simm.s32 $0x9480;
	s15 =	simm.s32 $0x3080  }
0x1b7: {  	[tilespmem:s13], [sflag:$0x4] =	stream.indirect.gather [spmem:s1], $0x1, s15, s3, $0xb8;
	[tilespmem:$0x1EA80] =	vst v63  }
0x1b8: {  	s8 =	simm.s32 $0x400;
	s16 =	simm.s32 $0x9500;
	s17 =	simm.s32 $0x3100  }
0x1b9: {  	[tilespmem:s16], [sflag:$0x4] =	stream.indirect.gather [spmem:s1], $0x1, s17, s3, $0xb8;
	[tilespmem:$0x1EA80] =	vst v63  }
0x1ba: {  	s10 =	simm.s32 $0x3180;
	s11 =	simm.s32 $0x9600;
	s12 =	simm.s32 $0x3200  }
0x1bb: {  	[tilespmem:s9], [sflag:$0x4] =	stream.indirect.gather [spmem:s1], $0x1, s10, s3, $0xb8;
	[tilespmem:$0x1EA80] =	vst v63  }
0x1bc: {  	s13 =	simm.s32 $0x9680;
	s15 =	simm.s32 $0x3280;
	s16 =	simm.s32 $0x9700  }
0x1bd: {  	[tilespmem:s11], [sflag:$0x4] =	stream.indirect.gather [spmem:s1], $0x1, s12, s3, $0xb8;
	[tilespmem:$0x1EA80] =	vst v63  }
0x1be: {  	s17 =	simm.s32 $0x3300;
	s9 =	simm.s32 $0x0;
	s10 =	simm.s32 $0x8  }
0x1bf: {  	[tilespmem:s13], [sflag:$0x4] =	stream.indirect.gather [spmem:s1], $0x1, s15, s3, $0xb8;
	[tilespmem:$0x1EA80] =	vst v63  }
0x1c0: {  	s11 =	simm.s32 $0x2000;
	s12 =	simm.s32 $0x9780;
	s13 =	simm.s32 $0x3380  }
0x1c1: {  	[tilespmem:s16], [sflag:$0x4] =	stream.indirect.gather [spmem:s1], $0x1, s17, s3, $0xb8;
	[tilespmem:$0x1EA80] =	vst v63  }
.LBB2_4:
0x1c2: {  	[tilespmem:s12], [sflag:$0x4] =	stream.indirect.gather [spmem:s1], $0x1, s13, s3, $0xb8;
	[tilespmem:$0x1EA80] =	vst v63  }
0x1c3: {  	s12 =	sshra.s32 s11, $0x2;
	s13 =	sadd.s32 $0x9400, s8;
	s15 =	sadd.s32 $0x3000, s8  }
0x1c4: {  	[tilespmem:s13], [sflag:$0x4] =	stream.indirect.gather [spmem:s1], $0x1, s15, s3, $0xb8;
	[tilespmem:$0x1EA80] =	vst v63  }
0x1c5: {  	s10 =	sadd.s32 $0x8, s10;
	s13 =	sadd.s32 $0x9480, s8;
	s15 =	sadd.s32 $0x3080, s8  }
0x1c6: {  	[tilespmem:s13], [sflag:$0x4] =	stream.indirect.gather [spmem:s1], $0x1, s15, s3, $0xb8;
	[tilespmem:$0x1EA80] =	vst v63  }
0x1c7: {  	p0 =	slt.u32 s10, $0x60;
	s13 =	sadd.s32 $0x9500, s8;
	s15 =	sadd.s32 $0x3100, s8  }
0x1c8: {  	[tilespmem:s13], [sflag:$0x4] =	stream.indirect.gather [spmem:s1], $0x1, s15, s3, $0xb8;
	[tilespmem:$0x1EA80] =	vst v63  }
0x1c9: {  	s16 =	smov.u32 s8;
	s13 =	sadd.s32 $0x9580, s8;
	s15 =	sadd.s32 $0x3180, s8  }
0x1ca: {  	[tilespmem:s13], [sflag:$0x4] =	stream.indirect.gather [spmem:s1], $0x1, s15, s3, $0xb8;
	[tilespmem:$0x1EA80] =	vst v63  }
0x1cb: {  	s8 =	smov.u32 s12;
	s13 =	sadd.s32 $0x9600, s16;
	s15 =	sadd.s32 $0x3200, s16  }
0x1cc: {  	[tilespmem:s13], [sflag:$0x4] =	stream.indirect.gather [spmem:s1], $0x1, s15, s3, $0xb8;
	[tilespmem:$0x1EA80] =	vst v63  }
.Ltmp3:
0x1cd: {  	s12 =	sadd.s32 $0x9680, s16;
	s13 =	sadd.s32 $0x3280, s16;
	(pc) =	sbr.rel @p0 .LBB2_4-.Ltmp3, $4  }
0x1ce: {  	[tilespmem:s12], [sflag:$0x4] =	stream.indirect.gather [spmem:s1], $0x1, s13, s3, $0xb8;
	[tilespmem:$0x1EA80] =	vst v63  }
0x1cf: {  	s12 =	sadd.s32 $0x9700, s16;
	s13 =	sadd.s32 $0x3300, s16  }
0x1d0: {  	[tilespmem:s12], [sflag:$0x4] =	stream.indirect.gather [spmem:s1], $0x1, s13, s3, $0xb8;
	[tilespmem:$0x1EA80] =	vst v63  }
0x1d1: {  	s11 =	sadd.s32 $0x1000, s11;
	s12 =	sadd.s32 $0x9780, s16;
	s13 =	sadd.s32 $0x3380, s16  }
0x1d2: {  	[tilespmem:s12], [sflag:$0x4] =	stream.indirect.gather [spmem:s1], $0x1, s13, s3, $0xb8;
	[tilespmem:$0x1EA80] =	vst v63  }
0x1d3: {  	s10 =	sadd.s32 $0x9400, s8;
	s11 =	sadd.s32 $0x3000, s8  }
0x1d4: {  	[tilespmem:s10], [sflag:$0x4] =	stream.indirect.gather [spmem:s1], $0x1, s11, s3, $0xb8;
	[tilespmem:$0x1EA80] =	vst v63  }
0x1d5: {  	s16 =	sadd.s32 $0x9480, s8;
	s17 =	sadd.s32 $0x3080, s8  }
0x1d6: {  	[tilespmem:s16], [sflag:$0x4] =	stream.indirect.gather [spmem:s1], $0x1, s17, s3, $0xb8;
	[tilespmem:$0x1EA80] =	vst v63  }
0x1d7: {  	s12 =	sadd.s32 $0x3100, s8;
	s11 =	sadd.s32 $0x9500, s8  }
0x1d8: {  	[tilespmem:s11], [sflag:$0x4] =	stream.indirect.gather [spmem:s1], $0x1, s12, s3, $0xb8;
	[tilespmem:$0x1EA80] =	vst v63  }
0x1d9: {  	s13 =	sadd.s32 $0x9580, s8;
	s15 =	sadd.s32 $0x3180, s8  }
0x1da: {  	[tilespmem:s13], [sflag:$0x4] =	stream.indirect.gather [spmem:s1], $0x1, s15, s3, $0xb8;
	[tilespmem:$0x1EA80] =	vst v63  }
0x1db: {  	s16 =	sadd.s32 $0x9600, s8;
	s17 =	sadd.s32 $0x3200, s8  }
0x1dc: {  	[tilespmem:s16], [sflag:$0x4] =	stream.indirect.gather [spmem:s1], $0x1, s17, s3, $0xb8;
	[tilespmem:$0x1EA80] =	vst v63  }
0x1dd: {  	s11 =	sadd.s32 $0x9680, s8;
	s12 =	sadd.s32 $0x3280, s8  }
0x1de: {  	[tilespmem:s11], [sflag:$0x4] =	stream.indirect.gather [spmem:s1], $0x1, s12, s3, $0xb8;
	[tilespmem:$0x1EA80] =	vst v63  }
0x1df: {  	s13 =	sadd.s32 $0x9700, s8;
	s15 =	sadd.s32 $0x3300, s8  }
0x1e0: {  	[tilespmem:s13], [sflag:$0x4] =	stream.indirect.gather [spmem:s1], $0x1, s15, s3, $0xb8;
	[tilespmem:$0x1EA80] =	vst v63  }
0x1e1: {  	s16 =	sadd.s32 $0x9780, s8;
	s17 =	sadd.s32 $0x3380, s8  }
0x1e2: {  	[tilespmem:s16], [sflag:$0x4] =	stream.indirect.gather [spmem:s1], $0x1, s17, s3, $0xb8;
	[tilespmem:$0x1EA80] =	vst v63  }
.LBB2_6:
0x1e3: {  	_ =	swait.ge [sflag:s4], $0x3000;
	s8 =	sadd.s32 $0x1, s9  }
0x1e4: {  	p0 =	seq.s32 s9, $0x3;
	s17 =	simm.s32 $0x6500;
	[sflag:s4] =	ssyncset.done $0x0  }
0x1e5: {  	s10 =	sshll.u32 @!p0 s8, $0x7;
	s11 =	simm.s32 @!p0 $0x400;
	s12 =	simm.s32 @!p0 $0x20000  }
0x1e6: {  	s13 =	simm.s32 @!p0 $0x0;
	[sflag:s4] =	ssyncadd.s32 $0xFFFFD000;
	s10 =	sadd.s32 @!p0 s10, s5  }
0x1e7: {  	[tilespmem:s13], [sflag:$0x1] =	stream.strided.gather @!p0 [hbm4b:s10+s11], $0x3000, s12, s11, $0x38;
	[tilespmem:$0x1EA80] =	vst v63  }
0x1e8: {  	v4 =	vld [tilespmem:s17+$0x80]  }
0x1e9: {  	v5 =	vld [tilespmem:s17+$0x90]  }
0x1ea: {  	v11 =	vld [tilespmem:s17+$0xA0]  }
0x1eb: {  	v12 =	vld [tilespmem:s17+$0xB0]  }
0x1ec: {  	v0 =	vld [tilespmem:s17+$0xC0]  }
0x1ed: {  	v1 =	vld [tilespmem:s17+$0xD0]  }
0x1ee: {  	v6 =	vld [tilespmem:s17+$0x0]  }
0x1ef: {  	v7 =	vld [tilespmem:s17+$0x10]  }
0x1f0: {  	v9 =	vld [tilespmem:s17+$0x20]  }
0x1f1: {  	v10 =	vld [tilespmem:s17+$0x30]  }
0x1f2: {  	v3 =	vld [tilespmem:s17+$0x40]  }
0x1f3: {  	v2 =	vld [tilespmem:s17+$0x50]  }
0x1f4: {  	v8 =	vld [tilespmem:s17+$0xFFFFFF80]  }
0x1f5: {  	v13 =	vld [tilespmem:s17+$0xFFFFFF90]  }
0x1f6: {  	v14 =	vld [tilespmem:s17+$0xFFFFFF00]  }
0x1f7: {  	v15 =	vld [tilespmem:s17+$0xFFFFFF10]  }
0x1f8: {  	v16 =	vld [tilespmem:s17+$0xFFFFFF20]  }
0x1f9: {  	v17 =	vld [tilespmem:s17+$0xFFFFFF30]  }
0x1fa: {  	v18 =	vld [tilespmem:s17+$0xFFFFFFA0]  }
0x1fb: {  	v19 =	vld [tilespmem:s17+$0xFFFFFFB0]  }
0x1fc: {  	v20 =	vimm.f32 $0.0e+00;
	v21 =	vld [tilespmem:s17+$0xFFFFFFC0]  }
0x1fd: {  	v22 =	vld [tilespmem:s17+$0xFFFFFFD0];
	v14 =	vadd.f32 v14, v20;
	v15 =	vadd.f32 v15, v20  }
0x1fe: {  	v23 =	vld [tilespmem:s17+$0xFFFFFF40];
	v16 =	vadd.f32 v16, v20;
	v17 =	vadd.f32 v17, v20  }
0x1ff: {  	v24 =	vld [tilespmem:s17+$0xFFFFFF50];
	v8 =	vadd.f32 v8, v14;
	v13 =	vadd.f32 v13, v15  }
0x200: {  	v14 =	vld [tilespmem:s17+$0xFFFFFF60];
	v15 =	vadd.f32 v18, v16;
	v16 =	vadd.f32 v19, v17  }
0x201: {  	v17 =	vld [tilespmem:s17+$0xFFFFFF70];
	v6 =	vadd.f32 v6, v8;
	v13 =	vadd.f32 v7, v13  }
0x202: {  	v8 =	vld [tilespmem:s17+$0xFFFFFFE0];
	v15 =	vadd.f32 v9, v15;
	v16 =	vadd.f32 v10, v16  }
0x203: {  	v10 =	vld [tilespmem:s17+$0xFFFFFFF0];
	v7 =	vadd.f32 v4, v6;
	v6 =	vadd.f32 v5, v13  }
0x204: {  	v9 =	vld [tilespmem:s17+$0x60];
	v5 =	vadd.f32 v11, v15;
	v4 =	vadd.f32 v12, v16  }
0x205: {  	v13 =	vadd.f32 v23, v20;
	v16 =	vadd.f32 v24, v20;
	v12 =	vld [tilespmem:s17+$0x70]  }
0x206: {  	v11 =	vld [tilespmem:s17+$0xE0];
	v15 =	vadd.f32 v14, v20;
	v14 =	vadd.f32 v17, v20  }
0x207: {  	s10 =	simm.s32 $0x0;
	s11 =	simm.s32 $0x6700;
	v17 =	vadd.f32 v21, v13;
	v16 =	vadd.f32 v22, v16;
	v13 =	vld [tilespmem:s17+$0xF0]  }
.LBB2_7:
0x208: {  	v18 =	vld [tilespmem:s11+$0x80];
	v8 =	vadd.f32 v8, v15;
	v10 =	vadd.f32 v10, v14  }
0x209: {  	v14 =	vld [tilespmem:s11+$0x90];
	v3 =	vadd.f32 v3, v17;
	v2 =	vadd.f32 v2, v16  }
0x20a: {  	v15 =	vld [tilespmem:s11+$0xA0];
	v8 =	vadd.f32 v9, v8;
	v9 =	vadd.f32 v12, v10  }
0x20b: {  	v12 =	vld [tilespmem:s11+$0xB0];
	v16 =	vadd.f32 v0, v3;
	v17 =	vadd.f32 v1, v2  }
0x20c: {  	v0 =	vld [tilespmem:s11+$0xC0];
	v11 =	vadd.f32 v11, v8;
	v13 =	vadd.f32 v13, v9  }
0x20d: {  	v1 =	vld [tilespmem:s11+$0xD0]  }
0x20e: {  	v8 =	vld [tilespmem:s11+$0x0]  }
0x20f: {  	v9 =	vld [tilespmem:s11+$0x10]  }
0x210: {  	v10 =	vld [tilespmem:s11+$0x20]  }
0x211: {  	v19 =	vld [tilespmem:s11+$0x30]  }
0x212: {  	v3 =	vld [tilespmem:s11+$0x40]  }
0x213: {  	v2 =	vld [tilespmem:s11+$0x50]  }
0x214: {  	v20 =	vld [tilespmem:s11+$0xFFFFFF80]  }
0x215: {  	v21 =	vld [tilespmem:s11+$0xFFFFFF90]  }
0x216: {  	v22 =	vld [tilespmem:s11+$0xFFFFFF00]  }
0x217: {  	v23 =	vld [tilespmem:s11+$0xFFFFFF10]  }
0x218: {  	v24 =	vld [tilespmem:s11+$0xFFFFFF20]  }
0x219: {  	v25 =	vld [tilespmem:s11+$0xFFFFFF30]  }
0x21a: {  	v26 =	vld [tilespmem:s11+$0xFFFFFFA0]  }
0x21b: {  	v27 =	vld [tilespmem:s11+$0xFFFFFFB0]  }
0x21c: {  	v28 =	vld [tilespmem:s11+$0xFFFFFFC0]  }
0x21d: {  	v7 =	vadd.f32 v22, v7;
	v6 =	vadd.f32 v23, v6;
	v22 =	vld [tilespmem:s11+$0xFFFFFFD0]  }
0x21e: {  	v5 =	vadd.f32 v24, v5;
	v4 =	vadd.f32 v25, v4;
	v23 =	vld [tilespmem:s11+$0xFFFFFF40]  }
0x21f: {  	v7 =	vadd.f32 v20, v7;
	v6 =	vadd.f32 v21, v6;
	v24 =	vld [tilespmem:s11+$0xFFFFFF50]  }
0x220: {  	v5 =	vadd.f32 v26, v5;
	v20 =	vld [tilespmem:s11+$0xFFFFFF60];
	v4 =	vadd.f32 v27, v4  }
0x221: {  	s10 =	sadd.s32 $0x4, s10;
	v7 =	vadd.f32 v8, v7;
	v6 =	vadd.f32 v9, v6;
	v21 =	vld [tilespmem:s11+$0xFFFFFF70]  }
0x222: {  	p1 =	slt.u32 s10, $0x5C;
	v5 =	vadd.f32 v10, v5;
	v8 =	vld [tilespmem:s11+$0xFFFFFFE0];
	v4 =	vadd.f32 v19, v4  }
.Ltmp4:
0x223: {  	v7 =	vadd.f32 v18, v7;
	v6 =	vadd.f32 v14, v6;
	v10 =	vld [tilespmem:s11+$0xFFFFFFF0];
	(pc) =	sbr.rel @p1 .LBB2_7-.Ltmp4, $4  }
0x224: {  	v5 =	vadd.f32 v15, v5;
	v9 =	vld [tilespmem:s11+$0x60];
	v4 =	vadd.f32 v12, v4  }
0x225: {  	v16 =	vadd.f32 v23, v16;
	v18 =	vadd.f32 v24, v17;
	v12 =	vld [tilespmem:s11+$0x70]  }
0x226: {  	v15 =	vadd.f32 v20, v11;
	v14 =	vadd.f32 v21, v13;
	v11 =	vld [tilespmem:s11+$0xE0]  }
0x227: {  	v17 =	vadd.f32 v28, v16;
	v16 =	vadd.f32 v22, v18;
	v13 =	vld [tilespmem:s11+$0xF0];
	s11 =	sadd.s32 $0x200, s11  }
0x228: {  	s9 =	sshll.u32 s9, $0x7  }
0x229: {  	s9 =	sand.u32 $0x3FFFFF80, s9  }
0x22a: {  	v8 =	vadd.f32 v8, v15;
	v3 =	vadd.f32 v3, v17;
	[tilespmem:s9+$0xC880] =	vst v7  }
0x22b: {  	v59 =	vadd.f32 v10, v14;
	v2 =	vadd.f32 v2, v16;
	[tilespmem:s9+$0xC890] =	vst v6  }
0x22c: {  	v60 =	vadd.f32 v9, v8;
	[tilespmem:s9+$0xC8A0] =	vst v5;
	v0 =	vadd.f32 v0, v3  }
0x22d: {  	v61 =	vadd.f32 v12, v59;
	[tilespmem:s9+$0xC8B0] =	vst v4;
	v1 =	vadd.f32 v1, v2  }
0x22e: {  	v62 =	vadd.f32 v11, v60;
	[tilespmem:s9+$0xC8C0] =	vst v0  }
0x22f: {  	v63 =	vadd.f32 v13, v61;
	[tilespmem:s9+$0xC8D0] =	vst v1  }
.Ltmp5:
0x230: {  	[tilespmem:s9+$0xC8E0] =	vst v62;
	(pc) =	sbr.rel @p0 .LBB2_12-.Ltmp5, $4  }
0x231: {  	[tilespmem:s9+$0xC8F0] =	vst v63  }
0x232: {  	_ =	swait.ge [sflag:s6], $0x3400  }
0x233: {  	[sflag:s6] =	ssyncset.done $0x0  }
0x234: {  	[sflag:s6] =	ssyncadd.s32 $0xFFFFCC00  }
0x235: {  	s10 =	sshll.u32 s8, $0x7  }
0x236: {  	s10 =	sadd.s32 s10, s14  }
0x237: {  	[tilespmem:s30], [sflag:$0x2] =	stream.strided.gather [hbm4b:s10+s28], $0x3400, s29, s28, $0x38;
	[tilespmem:$0x1EA80] =	vst v63  }
0x238: {  	_ =	swait.ge [sflag:s0], $0x3000  }
0x239: {  	[sflag:s0] =	ssyncset.done $0x0  }
0x23a: {  	s17 =	simm.s32 $0x0;
	s11 =	simm.s32 $0x6400;
	[sflag:s0] =	ssyncadd.s32 $0xFFFFD000  }
0x23b: {  	[tilespmem:s11], [sflag:$0x3] =	stream.indirect.gather [spmem:s1], $0x1, s17, s3, $0xb8;
	[tilespmem:$0x1EA80] =	vst v63  }
0x23c: {  	s12 =	simm.s32 $0x80;
	s11 =	simm.s32 $0x6480  }
0x23d: {  	[tilespmem:s11], [sflag:$0x3] =	stream.indirect.gather [spmem:s1], $0x1, s12, s3, $0xb8;
	[tilespmem:$0x1EA80] =	vst v63  }
0x23e: {  	s13 =	simm.s32 $0x6500;
	s15 =	simm.s32 $0x100;
	s16 =	simm.s32 $0x6580  }
0x23f: {  	[tilespmem:s13], [sflag:$0x3] =	stream.indirect.gather [spmem:s1], $0x1, s15, s3, $0xb8;
	[tilespmem:$0x1EA80] =	vst v63  }
0x240: {  	s10 =	simm.s32 $0x400;
	s17 =	simm.s32 $0x180;
	s11 =	simm.s32 $0x6600  }
0x241: {  	[tilespmem:s16], [sflag:$0x3] =	stream.indirect.gather [spmem:s1], $0x1, s17, s3, $0xb8;
	[tilespmem:$0x1EA80] =	vst v63  }
0x242: {  	s12 =	simm.s32 $0x200;
	s13 =	simm.s32 $0x6680;
	s15 =	simm.s32 $0x280  }
0x243: {  	[tilespmem:s11], [sflag:$0x3] =	stream.indirect.gather [spmem:s1], $0x1, s12, s3, $0xb8;
	[tilespmem:$0x1EA80] =	vst v63  }
0x244: {  	s16 =	simm.s32 $0x6700;
	s17 =	simm.s32 $0x300;
	s11 =	simm.s32 $0x8  }
0x245: {  	[tilespmem:s13], [sflag:$0x3] =	stream.indirect.gather [spmem:s1], $0x1, s15, s3, $0xb8;
	[tilespmem:$0x1EA80] =	vst v63  }
0x246: {  	s12 =	simm.s32 $0x2000;
	s13 =	simm.s32 $0x6780;
	s15 =	simm.s32 $0x380  }
0x247: {  	[tilespmem:s16], [sflag:$0x3] =	stream.indirect.gather [spmem:s1], $0x1, s17, s3, $0xb8;
	[tilespmem:$0x1EA80] =	vst v63  }
.LBB2_10:
0x248: {  	[tilespmem:s13], [sflag:$0x3] =	stream.indirect.gather [spmem:s1], $0x1, s15, s3, $0xb8;
	[tilespmem:$0x1EA80] =	vst v63  }
0x249: {  	s13 =	sshra.s32 s12, $0x2;
	s11 =	sadd.s32 $0x8, s11;
	s15 =	sadd.s32 $0x6400, s10  }
0x24a: {  	[tilespmem:s15], [sflag:$0x3] =	stream.indirect.gather [spmem:s1], $0x1, s10, s3, $0xb8;
	[tilespmem:$0x1EA80] =	vst v63  }
0x24b: {  	s16 =	sadd.s32 $0x80, s10;
	p1 =	slt.u32 s11, $0x58;
	s15 =	sadd.s32 $0x6480, s10  }
0x24c: {  	[tilespmem:s15], [sflag:$0x3] =	stream.indirect.gather [spmem:s1], $0x1, s16, s3, $0xb8;
	[tilespmem:$0x1EA80] =	vst v63  }
0x24d: {  	s17 =	smov.u32 s10;
	s15 =	sadd.s32 $0x6500, s10;
	s16 =	sadd.s32 $0x100, s10  }
0x24e: {  	[tilespmem:s15], [sflag:$0x3] =	stream.indirect.gather [spmem:s1], $0x1, s16, s3, $0xb8;
	[tilespmem:$0x1EA80] =	vst v63  }
0x24f: {  	s10 =	smov.u32 s13;
	s15 =	sadd.s32 $0x6580, s17;
	s16 =	sadd.s32 $0x180, s17  }
0x250: {  	[tilespmem:s15], [sflag:$0x3] =	stream.indirect.gather [spmem:s1], $0x1, s16, s3, $0xb8;
	[tilespmem:$0x1EA80] =	vst v63  }
0x251: {  	s13 =	sadd.s32 $0x6600, s17;
	s15 =	sadd.s32 $0x200, s17  }
0x252: {  	[tilespmem:s13], [sflag:$0x3] =	stream.indirect.gather [spmem:s1], $0x1, s15, s3, $0xb8;
	[tilespmem:$0x1EA80] =	vst v63  }
.Ltmp6:
0x253: {  	s13 =	sadd.s32 $0x6680, s17;
	s15 =	sadd.s32 $0x280, s17;
	(pc) =	sbr.rel @p1 .LBB2_10-.Ltmp6, $4  }
0x254: {  	[tilespmem:s13], [sflag:$0x3] =	stream.indirect.gather [spmem:s1], $0x1, s15, s3, $0xb8;
	[tilespmem:$0x1EA80] =	vst v63  }
0x255: {  	s13 =	sadd.s32 $0x6700, s17;
	s15 =	sadd.s32 $0x300, s17  }
0x256: {  	[tilespmem:s13], [sflag:$0x3] =	stream.indirect.gather [spmem:s1], $0x1, s15, s3, $0xb8;
	[tilespmem:$0x1EA80] =	vst v63  }
0x257: {  	s12 =	sadd.s32 $0x1000, s12;
	s13 =	sadd.s32 $0x6780, s17;
	s15 =	sadd.s32 $0x380, s17  }
0x258: {  	[tilespmem:s13], [sflag:$0x3] =	stream.indirect.gather [spmem:s1], $0x1, s15, s3, $0xb8;
	[tilespmem:$0x1EA80] =	vst v63  }
0x259: {  	s11 =	sadd.s32 $0x6400, s10  }
0x25a: {  	[tilespmem:s11], [sflag:$0x3] =	stream.indirect.gather [spmem:s1], $0x1, s10, s3, $0xb8;
	[tilespmem:$0x1EA80] =	vst v63  }
0x25b: {  	s17 =	sadd.s32 $0x6480, s10;
	s12 =	sadd.s32 $0x80, s10  }
0x25c: {  	[tilespmem:s17], [sflag:$0x3] =	stream.indirect.gather [spmem:s1], $0x1, s12, s3, $0xb8;
	[tilespmem:$0x1EA80] =	vst v63  }
0x25d: {  	s13 =	sadd.s32 $0x6500, s10;
	s15 =	sadd.s32 $0x100, s10  }
0x25e: {  	[tilespmem:s13], [sflag:$0x3] =	stream.indirect.gather [spmem:s1], $0x1, s15, s3, $0xb8;
	[tilespmem:$0x1EA80] =	vst v63  }
0x25f: {  	s16 =	sadd.s32 $0x6580, s10;
	s17 =	sadd.s32 $0x180, s10  }
0x260: {  	[tilespmem:s16], [sflag:$0x3] =	stream.indirect.gather [spmem:s1], $0x1, s17, s3, $0xb8;
	[tilespmem:$0x1EA80] =	vst v63  }
0x261: {  	s13 =	sadd.s32 $0x6600, s10;
	s15 =	sadd.s32 $0x200, s10  }
0x262: {  	[tilespmem:s13], [sflag:$0x3] =	stream.indirect.gather [spmem:s1], $0x1, s15, s3, $0xb8;
	[tilespmem:$0x1EA80] =	vst v63  }
0x263: {  	s16 =	sadd.s32 $0x6680, s10;
	s17 =	sadd.s32 $0x280, s10  }
0x264: {  	[tilespmem:s16], [sflag:$0x3] =	stream.indirect.gather [spmem:s1], $0x1, s17, s3, $0xb8;
	[tilespmem:$0x1EA80] =	vst v63  }
0x265: {  	s13 =	sadd.s32 $0x6700, s10;
	s15 =	sadd.s32 $0x300, s10  }
0x266: {  	[tilespmem:s13], [sflag:$0x3] =	stream.indirect.gather [spmem:s1], $0x1, s15, s3, $0xb8;
	[tilespmem:$0x1EA80] =	vst v63  }
0x267: {  	s16 =	sadd.s32 $0x6780, s10;
	s17 =	sadd.s32 $0x380, s10  }
0x268: {  	[tilespmem:s16], [sflag:$0x3] =	stream.indirect.gather [spmem:s1], $0x1, s17, s3, $0xb8;
	[tilespmem:$0x1EA80] =	vst v63  }
.LBB2_12:
0x269: {  	s11 =	simm.s32 $0x9500  }
0x26a: {  	v4 =	vld [tilespmem:s11+$0x80]  }
0x26b: {  	v5 =	vld [tilespmem:s11+$0x90]  }
0x26c: {  	v8 =	vld [tilespmem:s11+$0xA0]  }
0x26d: {  	v11 =	vld [tilespmem:s11+$0xB0]  }
0x26e: {  	v0 =	vld [tilespmem:s11+$0xC0]  }
0x26f: {  	v1 =	vld [tilespmem:s11+$0xD0]  }
0x270: {  	v6 =	vld [tilespmem:s11+$0x0]  }
0x271: {  	v7 =	vld [tilespmem:s11+$0x10]  }
0x272: {  	v10 =	vld [tilespmem:s11+$0x20]  }
0x273: {  	v12 =	vld [tilespmem:s11+$0x30]  }
0x274: {  	v2 =	vld [tilespmem:s11+$0x40]  }
0x275: {  	v3 =	vld [tilespmem:s11+$0x50]  }
0x276: {  	v9 =	vld [tilespmem:s11+$0xFFFFFF80]  }
0x277: {  	v13 =	vld [tilespmem:s11+$0xFFFFFF90]  }
0x278: {  	v14 =	vld [tilespmem:s11+$0xFFFFFF00]  }
0x279: {  	v15 =	vld [tilespmem:s11+$0xFFFFFF10]  }
0x27a: {  	v16 =	vld [tilespmem:s11+$0xFFFFFF20]  }
0x27b: {  	v17 =	vld [tilespmem:s11+$0xFFFFFF30]  }
0x27c: {  	v18 =	vld [tilespmem:s11+$0xFFFFFFA0]  }
0x27d: {  	v19 =	vld [tilespmem:s11+$0xFFFFFFB0]  }
0x27e: {  	v20 =	vimm.f32 $0.0e+00;
	v24 =	vld [tilespmem:s11+$0xFFFFFF50]  }
0x27f: {  	v21 =	vld [tilespmem:s11+$0xFFFFFFC0];
	v14 =	vadd.f32 v14, v20;
	v15 =	vadd.f32 v15, v20  }
0x280: {  	v22 =	vld [tilespmem:s11+$0xFFFFFFD0];
	v16 =	vadd.f32 v16, v20;
	v17 =	vadd.f32 v17, v20  }
0x281: {  	v23 =	vld [tilespmem:s11+$0xFFFFFF40];
	v9 =	vadd.f32 v9, v14;
	v13 =	vadd.f32 v13, v15  }
0x282: {  	v14 =	vld [tilespmem:s11+$0xFFFFFF60];
	v15 =	vadd.f32 v18, v16;
	v16 =	vadd.f32 v19, v17  }
0x283: {  	v17 =	vld [tilespmem:s11+$0xFFFFFF70];
	v18 =	vadd.f32 v24, v20;
	v6 =	vadd.f32 v6, v9  }
0x284: {  	v13 =	vadd.f32 v7, v13;
	v9 =	vld [tilespmem:s11+$0xFFFFFFE0];
	v15 =	vadd.f32 v10, v15  }
0x285: {  	v16 =	vadd.f32 v12, v16;
	v12 =	vld [tilespmem:s11+$0xFFFFFFF0];
	v7 =	vadd.f32 v4, v6  }
0x286: {  	v10 =	vld [tilespmem:s11+$0x60];
	v6 =	vadd.f32 v5, v13;
	v5 =	vadd.f32 v8, v15  }
0x287: {  	v4 =	vadd.f32 v11, v16;
	v11 =	vadd.f32 v23, v20;
	v13 =	vld [tilespmem:s11+$0x70]  }
0x288: {  	v8 =	vld [tilespmem:s11+$0xE0];
	v14 =	vadd.f32 v14, v20;
	v15 =	vadd.f32 v17, v20  }
0x289: {  	s10 =	simm.s32 $0x0;
	v17 =	vadd.f32 v22, v18;
	v16 =	vadd.f32 v21, v11;
	v11 =	vld [tilespmem:s11+$0xF0];
	s11 =	simm.s32 $0x9700  }
.LBB2_13:
0x28a: {  	v18 =	vld [tilespmem:s11+$0x80];
	v9 =	vadd.f32 v9, v14;
	v12 =	vadd.f32 v12, v15  }
0x28b: {  	v14 =	vld [tilespmem:s11+$0x90];
	v2 =	vadd.f32 v2, v16;
	v3 =	vadd.f32 v3, v17  }
0x28c: {  	v15 =	vld [tilespmem:s11+$0xA0];
	v9 =	vadd.f32 v10, v9;
	v10 =	vadd.f32 v13, v12  }
0x28d: {  	v13 =	vld [tilespmem:s11+$0xB0];
	v16 =	vadd.f32 v0, v2;
	v17 =	vadd.f32 v1, v3  }
0x28e: {  	v0 =	vld [tilespmem:s11+$0xC0];
	v8 =	vadd.f32 v8, v9;
	v11 =	vadd.f32 v11, v10  }
0x28f: {  	v1 =	vld [tilespmem:s11+$0xD0]  }
0x290: {  	v9 =	vld [tilespmem:s11+$0x0]  }
0x291: {  	v10 =	vld [tilespmem:s11+$0x10]  }
0x292: {  	v12 =	vld [tilespmem:s11+$0x20]  }
0x293: {  	v19 =	vld [tilespmem:s11+$0x30]  }
0x294: {  	v2 =	vld [tilespmem:s11+$0x40]  }
0x295: {  	v3 =	vld [tilespmem:s11+$0x50]  }
0x296: {  	v20 =	vld [tilespmem:s11+$0xFFFFFF80]  }
0x297: {  	v21 =	vld [tilespmem:s11+$0xFFFFFF90]  }
0x298: {  	v22 =	vld [tilespmem:s11+$0xFFFFFF00]  }
0x299: {  	v23 =	vld [tilespmem:s11+$0xFFFFFF10]  }
0x29a: {  	v24 =	vld [tilespmem:s11+$0xFFFFFF20]  }
0x29b: {  	v25 =	vld [tilespmem:s11+$0xFFFFFF30]  }
0x29c: {  	v26 =	vld [tilespmem:s11+$0xFFFFFFA0]  }
0x29d: {  	v27 =	vld [tilespmem:s11+$0xFFFFFFB0]  }
0x29e: {  	v28 =	vld [tilespmem:s11+$0xFFFFFFC0]  }
0x29f: {  	v7 =	vadd.f32 v22, v7;
	v6 =	vadd.f32 v23, v6;
	v22 =	vld [tilespmem:s11+$0xFFFFFFD0]  }
0x2a0: {  	v5 =	vadd.f32 v24, v5;
	v4 =	vadd.f32 v25, v4;
	v23 =	vld [tilespmem:s11+$0xFFFFFF40]  }
0x2a1: {  	v7 =	vadd.f32 v20, v7;
	v6 =	vadd.f32 v21, v6;
	v24 =	vld [tilespmem:s11+$0xFFFFFF50]  }
0x2a2: {  	v5 =	vadd.f32 v26, v5;
	v20 =	vld [tilespmem:s11+$0xFFFFFF60];
	v4 =	vadd.f32 v27, v4  }
0x2a3: {  	s10 =	sadd.s32 $0x4, s10;
	v7 =	vadd.f32 v9, v7;
	v6 =	vadd.f32 v10, v6;
	v21 =	vld [tilespmem:s11+$0xFFFFFF70]  }
0x2a4: {  	p1 =	slt.u32 s10, $0x64;
	v5 =	vadd.f32 v12, v5;
	v9 =	vld [tilespmem:s11+$0xFFFFFFE0];
	v4 =	vadd.f32 v19, v4  }
.Ltmp7:
0x2a5: {  	v7 =	vadd.f32 v18, v7;
	v6 =	vadd.f32 v14, v6;
	v12 =	vld [tilespmem:s11+$0xFFFFFFF0];
	(pc) =	sbr.rel @p1 .LBB2_13-.Ltmp7, $4  }
0x2a6: {  	v5 =	vadd.f32 v15, v5;
	v10 =	vld [tilespmem:s11+$0x60];
	v4 =	vadd.f32 v13, v4  }
0x2a7: {  	v16 =	vadd.f32 v23, v16;
	v17 =	vadd.f32 v24, v17;
	v13 =	vld [tilespmem:s11+$0x70]  }
0x2a8: {  	v14 =	vadd.f32 v20, v8;
	v15 =	vadd.f32 v21, v11;
	v8 =	vld [tilespmem:s11+$0xE0]  }
0x2a9: {  	v16 =	vadd.f32 v28, v16;
	v17 =	vadd.f32 v22, v17;
	v11 =	vld [tilespmem:s11+$0xF0];
	s11 =	sadd.s32 $0x200, s11  }
0x2aa: {  	v18 =	vld [tilespmem:s9+$0xC880]  }
0x2ab: {  	v19 =	vld [tilespmem:s9+$0xC890]  }
0x2ac: {  	v20 =	vld [tilespmem:s9+$0xC8A0]  }
0x2ad: {  	v9 =	vadd.f32 v9, v14;
	v12 =	vadd.f32 v12, v15;
	v53 =	vld [tilespmem:s9+$0xC8B0]  }
0x2ae: {  	v54 =	vld [tilespmem:s9+$0xC8C0];
	v2 =	vadd.f32 v2, v16;
	v3 =	vadd.f32 v3, v17  }
0x2af: {  	v55 =	vld [tilespmem:s9+$0xC8D0];
	v9 =	vadd.f32 v10, v9;
	v7 =	vadd.f32 v18, v7  }
0x2b0: {  	v56 =	vld [tilespmem:s9+$0xC8E0];
	v12 =	vadd.f32 v13, v12;
	v6 =	vadd.f32 v19, v6  }
0x2b1: {  	v58 =	vld [tilespmem:s9+$0xC8F0];
	v0 =	vadd.f32 v0, v2;
	v57 =	vadd.f32 v20, v5;
	[tilespmem:s9+$0xC880] =	vst v7  }
0x2b2: {  	v1 =	vadd.f32 v1, v3;
	v59 =	vadd.f32 v53, v4;
	[tilespmem:s9+$0xC890] =	vst v6  }
0x2b3: {  	v60 =	vadd.f32 v8, v9;
	v0 =	vadd.f32 v54, v0;
	[tilespmem:s9+$0xC8A0] =	vst v57  }
.Ltmp8:
0x2b4: {  	v61 =	vadd.f32 v11, v12;
	v1 =	vadd.f32 v55, v1;
	[tilespmem:s9+$0xC8B0] =	vst v59;
	(pc) =	sbr.rel @p0 .LBB2_18-.Ltmp8, $4  }
0x2b5: {  	v62 =	vadd.f32 v56, v60;
	[tilespmem:s9+$0xC8C0] =	vst v0  }
0x2b6: {  	v63 =	vadd.f32 v58, v61;
	[tilespmem:s9+$0xC8D0] =	vst v1  }
0x2b7: {  	[tilespmem:s9+$0xC8E0] =	vst v62  }
0x2b8: {  	[tilespmem:s9+$0xC8F0] =	vst v63  }
0x2b9: {  	_ =	swait.ge [sflag:s25], $0x3400  }
0x2ba: {  	[sflag:s25] =	ssyncset.done $0x0  }
0x2bb: {  	s9 =	simm.s32 $0x9400;
	s10 =	simm.s32 $0x3000;
	[sflag:s25] =	ssyncadd.s32 $0xFFFFCC00  }
0x2bc: {  	[tilespmem:s9], [sflag:$0x4] =	stream.indirect.gather [spmem:s1], $0x1, s10, s3, $0xb8;
	[tilespmem:$0x1EA80] =	vst v63  }
0x2bd: {  	s11 =	simm.s32 $0x9480;
	s12 =	simm.s32 $0x3080  }
0x2be: {  	[tilespmem:s11], [sflag:$0x4] =	stream.indirect.gather [spmem:s1], $0x1, s12, s3, $0xb8;
	[tilespmem:$0x1EA80] =	vst v63  }
0x2bf: {  	s13 =	simm.s32 $0x9500;
	s15 =	simm.s32 $0x3100;
	s16 =	simm.s32 $0x9580  }
0x2c0: {  	[tilespmem:s13], [sflag:$0x4] =	stream.indirect.gather [spmem:s1], $0x1, s15, s3, $0xb8;
	[tilespmem:$0x1EA80] =	vst v63  }
0x2c1: {  	s17 =	simm.s32 $0x3180;
	s9 =	simm.s32 $0x400;
	s10 =	simm.s32 $0x8  }
0x2c2: {  	[tilespmem:s16], [sflag:$0x4] =	stream.indirect.gather [spmem:s1], $0x1, s17, s3, $0xb8;
	[tilespmem:$0x1EA80] =	vst v63  }
0x2c3: {  	s11 =	simm.s32 $0x9600;
	s12 =	simm.s32 $0x3200;
	s13 =	simm.s32 $0x9680  }
0x2c4: {  	[tilespmem:s11], [sflag:$0x4] =	stream.indirect.gather [spmem:s1], $0x1, s12, s3, $0xb8;
	[tilespmem:$0x1EA80] =	vst v63  }
0x2c5: {  	s15 =	simm.s32 $0x3280;
	s16 =	simm.s32 $0x9700;
	s17 =	simm.s32 $0x3300  }
0x2c6: {  	[tilespmem:s13], [sflag:$0x4] =	stream.indirect.gather [spmem:s1], $0x1, s15, s3, $0xb8;
	[tilespmem:$0x1EA80] =	vst v63  }
0x2c7: {  	s11 =	simm.s32 $0x2000;
	s12 =	simm.s32 $0x9780;
	s13 =	simm.s32 $0x3380  }
0x2c8: {  	[tilespmem:s16], [sflag:$0x4] =	stream.indirect.gather [spmem:s1], $0x1, s17, s3, $0xb8;
	[tilespmem:$0x1EA80] =	vst v63  }
.LBB2_16:
0x2c9: {  	[tilespmem:s12], [sflag:$0x4] =	stream.indirect.gather [spmem:s1], $0x1, s13, s3, $0xb8;
	[tilespmem:$0x1EA80] =	vst v63  }
0x2ca: {  	s12 =	sshra.s32 s11, $0x2;
	s13 =	sadd.s32 $0x9400, s9;
	s15 =	sadd.s32 $0x3000, s9  }
0x2cb: {  	[tilespmem:s13], [sflag:$0x4] =	stream.indirect.gather [spmem:s1], $0x1, s15, s3, $0xb8;
	[tilespmem:$0x1EA80] =	vst v63  }
0x2cc: {  	s10 =	sadd.s32 $0x8, s10;
	s13 =	sadd.s32 $0x9480, s9;
	s15 =	sadd.s32 $0x3080, s9  }
0x2cd: {  	[tilespmem:s13], [sflag:$0x4] =	stream.indirect.gather [spmem:s1], $0x1, s15, s3, $0xb8;
	[tilespmem:$0x1EA80] =	vst v63  }
0x2ce: {  	p0 =	slt.u32 s10, $0x60;
	s13 =	sadd.s32 $0x9500, s9;
	s15 =	sadd.s32 $0x3100, s9  }
0x2cf: {  	[tilespmem:s13], [sflag:$0x4] =	stream.indirect.gather [spmem:s1], $0x1, s15, s3, $0xb8;
	[tilespmem:$0x1EA80] =	vst v63  }
0x2d0: {  	s16 =	smov.u32 s9;
	s13 =	sadd.s32 $0x9580, s9;
	s15 =	sadd.s32 $0x3180, s9  }
0x2d1: {  	[tilespmem:s13], [sflag:$0x4] =	stream.indirect.gather [spmem:s1], $0x1, s15, s3, $0xb8;
	[tilespmem:$0x1EA80] =	vst v63  }
0x2d2: {  	s9 =	smov.u32 s12;
	s13 =	sadd.s32 $0x9600, s16;
	s15 =	sadd.s32 $0x3200, s16  }
0x2d3: {  	[tilespmem:s13], [sflag:$0x4] =	stream.indirect.gather [spmem:s1], $0x1, s15, s3, $0xb8;
	[tilespmem:$0x1EA80] =	vst v63  }
.Ltmp9:
0x2d4: {  	s12 =	sadd.s32 $0x9680, s16;
	s13 =	sadd.s32 $0x3280, s16;
	(pc) =	sbr.rel @p0 .LBB2_16-.Ltmp9, $4  }
0x2d5: {  	[tilespmem:s12], [sflag:$0x4] =	stream.indirect.gather [spmem:s1], $0x1, s13, s3, $0xb8;
	[tilespmem:$0x1EA80] =	vst v63  }
0x2d6: {  	s12 =	sadd.s32 $0x9700, s16;
	s13 =	sadd.s32 $0x3300, s16  }
0x2d7: {  	[tilespmem:s12], [sflag:$0x4] =	stream.indirect.gather [spmem:s1], $0x1, s13, s3, $0xb8;
	[tilespmem:$0x1EA80] =	vst v63  }
0x2d8: {  	s11 =	sadd.s32 $0x1000, s11;
	s12 =	sadd.s32 $0x9780, s16;
	s13 =	sadd.s32 $0x3380, s16  }
0x2d9: {  	[tilespmem:s12], [sflag:$0x4] =	stream.indirect.gather [spmem:s1], $0x1, s13, s3, $0xb8;
	[tilespmem:$0x1EA80] =	vst v63  }
0x2da: {  	s10 =	sadd.s32 $0x9400, s9;
	s11 =	sadd.s32 $0x3000, s9  }
0x2db: {  	[tilespmem:s10], [sflag:$0x4] =	stream.indirect.gather [spmem:s1], $0x1, s11, s3, $0xb8;
	[tilespmem:$0x1EA80] =	vst v63  }
0x2dc: {  	s16 =	sadd.s32 $0x9480, s9;
	s17 =	sadd.s32 $0x3080, s9  }
0x2dd: {  	[tilespmem:s16], [sflag:$0x4] =	stream.indirect.gather [spmem:s1], $0x1, s17, s3, $0xb8;
	[tilespmem:$0x1EA80] =	vst v63  }
0x2de: {  	s12 =	sadd.s32 $0x3100, s9;
	s11 =	sadd.s32 $0x9500, s9  }
0x2df: {  	[tilespmem:s11], [sflag:$0x4] =	stream.indirect.gather [spmem:s1], $0x1, s12, s3, $0xb8;
	[tilespmem:$0x1EA80] =	vst v63  }
0x2e0: {  	s13 =	sadd.s32 $0x9580, s9;
	s15 =	sadd.s32 $0x3180, s9  }
0x2e1: {  	[tilespmem:s13], [sflag:$0x4] =	stream.indirect.gather [spmem:s1], $0x1, s15, s3, $0xb8;
	[tilespmem:$0x1EA80] =	vst v63  }
0x2e2: {  	s16 =	sadd.s32 $0x9600, s9;
	s17 =	sadd.s32 $0x3200, s9  }
0x2e3: {  	[tilespmem:s16], [sflag:$0x4] =	stream.indirect.gather [spmem:s1], $0x1, s17, s3, $0xb8;
	[tilespmem:$0x1EA80] =	vst v63  }
0x2e4: {  	p0 =	sne.s32 s8, $0x4;
	s11 =	sadd.s32 $0x9680, s9;
	s12 =	sadd.s32 $0x3280, s9  }
0x2e5: {  	[tilespmem:s11], [sflag:$0x4] =	stream.indirect.gather [spmem:s1], $0x1, s12, s3, $0xb8;
	[tilespmem:$0x1EA80] =	vst v63  }
.Ltmp10:
0x2e6: {  	_ = 	snop;
	(pc) =	sbr.rel @p0 .LBB2_6-.Ltmp10, $4  }
.Ltmp11:
0x2e7: {  	s13 =	sadd.s32 $0x9700, s9;
	s15 =	sadd.s32 $0x3300, s9;
	(pc) =	sbr.rel @!p0 .LBB2_18-.Ltmp11, $4  }
0x2e8: {  	[tilespmem:s13], [sflag:$0x4] =	stream.indirect.gather [spmem:s1], $0x1, s15, s3, $0xb8;
	[tilespmem:$0x1EA80] =	vst v63  }
0x2e9: {  	s16 =	sadd.s32 $0x9780, s9;
	s17 =	sadd.s32 $0x3380, s9;
	s9 =	smov.u32 s8  }
0x2ea: {  	[tilespmem:s16], [sflag:$0x4] =	stream.indirect.gather [spmem:s1], $0x1, s17, s3, $0xb8;
	[tilespmem:$0x1EA80] =	vst v63  }
0x2eb: {  	_ = 	snop  }
.LBB2_19:
0x2ec: {  	_ =	sfence.sel $0x180000  }
0x2ed: {  	[bflag:$0x0] =	sbarrier.arrive $0xFFFF  }
0x2ee: {  	_ =	strace $0x90000047  }
0x2ef: {  	s0 =	stileid.u32;
	[bflag:$0x2] =	sbarrier.arrive $0xFFFF  }
0x2f0: {  	p0 =	sne.s32 s0, $0x0;
	s0 =	rddreg [dreg:$0x4]  }
0x2f1: {  	s0 =	sadd.s32 @!p0 $0x100000, s0  }
0x2f2: {  	[sflag:s0] =	ssyncadd.tile.s32 @!p0 $0x1;
	_ =	shalt  }
.Lfunc_end2:
_tile_overlayer_lowered:
.L_overlay_start_2:
0x2f3: {  	(tag) =	ssettag $0x2  }
0x2f4: {  	s0 =	rddreg [dreg:$0x0];
	s2 =	stileid.u32  }
0x2f5: {  	s1 =	rddreg [dreg:$0x1];
	p0 =	sne.s32 s2, $0x0  }
0x2f6: {  	s3 =	rddreg [dreg:$0x2];
	[bflag:$0x3] =	sbarrier.arrive $0xFFFF;
	s2 =	simm.s32 @!p0 $0x1C05  }
0x2f7: {  	[timem:s3], [sflag:s2] =	dma.local @!p0 [hbm:s0], s1  }
0x2f8: {  	s0 =	simm.s32 @!p0 $0x5  }
0x2f9: {  	_ =	swait.ge @!p0 [sflag:s0], s1  }
0x2fa: {  	s1 =	ssub.s32 @!p0 $0x0, s1;
	[sflag:s0] =	ssyncset.done @!p0 $0x0  }
0x2fb: {  	[sflag:s0] =	ssyncadd.s32 @!p0 s1  }
0x2fc: {  	[bflag:$0x3] =	sbarrier.arrive $0xFFFF  }
0x2fd: {  	_ =	shalt  }

</sc_bundles>
